<compile_context>
chip_gen: v7x
topology: tpu7x:2x2x1
jax: 0.10.2.dev20260603
libtpu: 0.0.44.dev20260713+nightly
codegen_flags: <defaults>
</compile_context>

<pallas_src>
import functools

import jax
import jax.numpy as jnp
from jax import lax
from jax.experimental import pallas as pl
from jax.experimental.pallas import tpu as pltpu
from jax.experimental.pallas import tpu_sc as plsc

NC = 2
NS = 16
LANES = 16
EW = 128


def _mesh():
    return plsc.VectorSubcoreMesh(core_axis_name="c", subcore_axis_name="s")



def _deg_kernel(srcr, dstr, etr, t16, *, n_pad, garbage):
    rows = srcr.shape[0]
    wrows = rows // (NC * NS)

    @functools.partial(
        pl.kernel,
        out_type=[
            jax.ShapeDtypeStruct((NC, n_pad), jnp.float32),
            jax.ShapeDtypeStruct((rows, EW), jnp.int32),
            jax.ShapeDtypeStruct((rows, EW), jnp.int32),
        ],
        mesh=_mesh(),
        scratch_types=[
            pltpu.VMEM((16, EW), jnp.int32),
            pltpu.VMEM((16, EW), jnp.int32),
            pltpu.VMEM((16, EW), jnp.float32),
            pltpu.VMEM((16, EW), jnp.float32),
            pltpu.VMEM((16, EW), jnp.int32),
            pltpu.VMEM((16, EW), jnp.int32),
            pltpu.VMEM((16,), jnp.float32),
            pltpu.VMEM((n_pad // NS,), jnp.float32),
            pltpu.VMEM_SHARED((n_pad,), jnp.float32),
            pltpu.SemaphoreType.DMA,
        ],
    )
    def k(src_h, dst_h, et_h, t_h, degp_h, srcq_h, dstq_h,
          sbuf, dbuf, ebuf, mq, sq, dq, tbuf, zb, deg_sp, sem):
        c = lax.axis_index("c")
        s = lax.axis_index("s")
        w = c * NS + s
        seg = n_pad // NS

        pltpu.sync_copy(t_h, tbuf)
        tv = tbuf[...]

        @pl.loop(0, seg, step=LANES)
        def _(i):
            zb[pl.ds(i, LANES)] = jnp.zeros((LANES,), jnp.float32)

        pltpu.sync_copy(zb, deg_sp.at[pl.ds(s * seg, seg)])
        plsc.subcore_barrier()

        @pl.loop(0, wrows // 16)
        def _(bk):
            base = w * wrows + bk * 16
            pltpu.sync_copy(src_h.at[pl.ds(base, 16)], sbuf)
            pltpu.sync_copy(dst_h.at[pl.ds(base, 16)], dbuf)
            pltpu.sync_copy(et_h.at[pl.ds(base, 16)], ebuf)

            @pl.loop(0, 16)
            def _(r):
                @pl.loop(0, EW, step=LANES)
                def _(cc):
                    sv = sbuf[r, pl.ds(cc, LANES)]
                    dv = dbuf[r, pl.ds(cc, LANES)]
                    ev = ebuf[r, pl.ds(cc, LANES)]
                    m = (ev <= tv) & (sv != dv)
                    garb = garbage + lax.iota(jnp.int32, LANES)
                    mq[r, pl.ds(cc, LANES)] = jnp.where(m, 1.0, 0.0).astype(jnp.float32)
                    sq[r, pl.ds(cc, LANES)] = jnp.where(m, sv, garb)
                    dq[r, pl.ds(cc, LANES)] = jnp.where(m, dv, garb)

            pltpu.sync_copy(sq, srcq_h.at[pl.ds(base, 16)])
            pltpu.sync_copy(dq, dstq_h.at[pl.ds(base, 16)])

            @pl.loop(0, 16)
            def _(r):
                pltpu.async_copy(mq.at[r], deg_sp.at[sbuf.at[r]], sem, add=True)
                pltpu.async_copy(mq.at[r], deg_sp.at[dbuf.at[r]], sem, add=True)

            @pl.loop(0, 16)
            def _(r):
                pltpu.make_async_copy(mq.at[r], deg_sp.at[sbuf.at[r]], sem).wait()
                pltpu.make_async_copy(mq.at[r], deg_sp.at[dbuf.at[r]], sem).wait()

        plsc.subcore_barrier()
        pltpu.sync_copy(deg_sp.at[pl.ds(s * seg, seg)],
                        degp_h.at[c, pl.ds(s * seg, seg)])

    return k(srcr, dstr, etr, t16)



IBLK = 40


def _zero_acc(s, zb, acc, n_pad, sem):
    @pl.loop(0, 16)
    def _(r):
        @pl.loop(0, 128, step=LANES)
        def _(cc):
            zb[r, pl.ds(cc, LANES)] = jnp.zeros((LANES,), jnp.float32)

    aseg = n_pad // NS

    @pl.loop(0, aseg, step=16)
    def _(rr):
        pltpu.async_copy(zb, acc.at[pl.ds(s * aseg + rr, 16)], sem)

    @pl.loop(0, aseg, step=16)
    def _(rr):
        pltpu.make_async_copy(zb, acc.at[pl.ds(s * aseg + rr, 16)], sem).wait()


def _pipe_dir(get_src, acc, gsrc_h, ssrc_h, row0, nrows,
              gidx, sidx, bufs, gsems, ssems):
    bA, bB = bufs
    gA, gB = gsems
    sA, sB = ssems

    @pl.loop(0, nrows // IBLK)
    def _(bk):
        base = row0 + bk * IBLK
        pltpu.async_copy(gsrc_h.at[pl.ds(base, IBLK)], gidx, gA)
        pltpu.async_copy(ssrc_h.at[pl.ds(base, IBLK)], sidx, gB)
        pltpu.make_async_copy(gsrc_h.at[pl.ds(base, IBLK)], gidx, gA).wait()
        pltpu.make_async_copy(ssrc_h.at[pl.ds(base, IBLK)], sidx, gB).wait()
        pltpu.async_copy(get_src(gidx.at[0]), bA, gA)
        pltpu.async_copy(get_src(gidx.at[1]), bB, gB)

        @pl.loop(0, IBLK // 2 - 1)
        def _(k):
            a = 2 * k
            b = a + 1
            pltpu.make_async_copy(get_src(gidx.at[a]), bA, gA).wait()
            pltpu.async_copy(bA, acc.at[sidx.at[a]], sA, add=True)
            pltpu.make_async_copy(get_src(gidx.at[b]), bB, gB).wait()
            pltpu.async_copy(bB, acc.at[sidx.at[b]], sB, add=True)
            pltpu.make_async_copy(bA, acc.at[sidx.at[a]], sA).wait()
            pltpu.async_copy(get_src(gidx.at[a + 2]), bA, gA)
            pltpu.make_async_copy(bB, acc.at[sidx.at[b]], sB).wait()
            pltpu.async_copy(get_src(gidx.at[b + 2]), bB, gB)

        a = IBLK - 2
        b = IBLK - 1
        pltpu.make_async_copy(get_src(gidx.at[a]), bA, gA).wait()
        pltpu.async_copy(bA, acc.at[sidx.at[a]], sA, add=True)
        pltpu.make_async_copy(get_src(gidx.at[b]), bB, gB).wait()
        pltpu.async_copy(bB, acc.at[sidx.at[b]], sB, add=True)
        pltpu.make_async_copy(bA, acc.at[sidx.at[a]], sA).wait()
        pltpu.make_async_copy(bB, acc.at[sidx.at[b]], sB).wait()


def _agg_scratch(n_pad):
    return [
        pltpu.VMEM((IBLK, EW), jnp.int32),
        pltpu.VMEM((IBLK, EW), jnp.int32),
        pltpu.VMEM((EW, 128), jnp.float32),
        pltpu.VMEM((EW, 128), jnp.float32),
        pltpu.VMEM((16, 128), jnp.float32),
        pltpu.VMEM_SHARED((n_pad, 128), jnp.float32),
    ] + [pltpu.SemaphoreType.DMA] * 4



def _agg2_kernel(F, srcr, dstr, srcq, dstq, *, n_pad):
    d = F.shape[2]
    rows = srcr.shape[0]
    srows = rows // NS
    nseg = n_pad // NS

    @functools.partial(
        pl.kernel,
        out_type=jax.ShapeDtypeStruct((2, n_pad, d), jnp.float32),
        mesh=_mesh(),
        scratch_types=_agg_scratch(n_pad),
    )
    def k(F_h, src_h, dst_h, srcq_h, dstq_h, out_h, gidx, sidx,
          b0, b1, zb, acc, *sems):
        c = lax.axis_index("c")
        s = lax.axis_index("s")
        bufs = (b0, b1)
        gsems, ssems = sems[:2], sems[2:]

        _zero_acc(s, zb, acc, n_pad, gsems[0])
        plsc.subcore_barrier()

        get_src = lambda idx_ref: F_h.at[c].at[idx_ref]
        _pipe_dir(get_src, acc, src_h, dstq_h, s * srows, srows,
                  gidx, sidx, bufs, gsems, ssems)
        _pipe_dir(get_src, acc, dst_h, srcq_h, s * srows, srows,
                  gidx, sidx, bufs, gsems, ssems)

        plsc.subcore_barrier()
        pltpu.sync_copy(acc.at[pl.ds(s * nseg, nseg)],
                        out_h.at[c, pl.ds(s * nseg, nseg)])

    return k(F, srcr, dstr, srcq, dstq)



def _agg1_kernel(g, srcr, dstr, srcq, dstq, *, n_pad):
    rows = srcr.shape[0]
    wrows = rows // (NC * NS)
    nseg = n_pad // NS

    @functools.partial(
        pl.kernel,
        out_type=jax.ShapeDtypeStruct((2, n_pad, g.shape[1]), jnp.float32),
        mesh=_mesh(),
        scratch_types=_agg_scratch(n_pad),
    )
    def k(g_h, src_h, dst_h, srcq_h, dstq_h, out_h, gidx, sidx,
          b0, b1, zb, acc, *sems):
        c = lax.axis_index("c")
        s = lax.axis_index("s")
        w = c * NS + s
        bufs = (b0, b1)
        gsems, ssems = sems[:2], sems[2:]

        _zero_acc(s, zb, acc, n_pad, gsems[0])
        plsc.subcore_barrier()

        get_src = lambda idx_ref: g_h.at[idx_ref]
        _pipe_dir(get_src, acc, src_h, dstq_h, w * wrows, wrows,
                  gidx, sidx, bufs, gsems, ssems)
        _pipe_dir(get_src, acc, dst_h, srcq_h, w * wrows, wrows,
                  gidx, sidx, bufs, gsems, ssems)

        plsc.subcore_barrier()
        pltpu.sync_copy(acc.at[pl.ds(s * nseg, nseg)],
                        out_h.at[c, pl.ds(s * nseg, nseg)])

    return k(g, srcr, dstr, srcq, dstq)



def _tc_a(degp, x, h, *, rb):
    n, d = x.shape
    grid = -(-n // rb)

    def body(degp_ref, x_ref, h_ref, F_ref, nsb_ref):
        i = pl.program_id(0)
        dsum = (degp_ref[0, pl.ds(i * rb, rb)] + degp_ref[1, pl.ds(i * rb, rb)])
        ns = lax.rsqrt(jnp.maximum(dsum, 1.0))[:, None]
        nsb = jnp.broadcast_to(ns, (rb, d))
        nsb_ref[...] = nsb
        F_ref[0] = x_ref[...] * nsb
        F_ref[1] = h_ref[...] * nsb

    np_ = degp.shape[1]
    return pl.pallas_call(
        body,
        grid=(grid,),
        in_specs=[
            pl.BlockSpec((2, np_), lambda i: (0, 0)),
            pl.BlockSpec((rb, d), lambda i: (i, 0)),
            pl.BlockSpec((rb, d), lambda i: (i, 0)),
        ],
        out_specs=[
            pl.BlockSpec((2, rb, d), lambda i: (0, i, 0)),
            pl.BlockSpec((rb, d), lambda i: (i, 0)),
        ],
        out_shape=[
            jax.ShapeDtypeStruct((2, n, d), jnp.float32),
            jax.ShapeDtypeStruct((n, d), jnp.float32),
        ],
    )(degp, x, h)


def _tc_b(Agg, nsb, h, Wxr, bxr, Wxz, bxz, Wxh, bxh, Whr, bhr, Whz, bhz, *, rb):
    n, d = h.shape
    grid = -(-n // rb)

    def body(A_ref, nsb_ref, h_ref, wxr, cxr, wxz, cxz, wxh, cxh, whr, chr_,
             whz, chz, g_ref, z_ref, xh_ref):
        ns = nsb_ref[...]
        ax = A_ref[0] * ns
        ah = A_ref[1] * ns
        dot = functools.partial(jnp.dot, preferred_element_type=jnp.float32)
        xr = dot(ax, wxr[...]) + cxr[...]
        xz = dot(ax, wxz[...]) + cxz[...]
        xh = dot(ax, wxh[...]) + cxh[...]
        r = jax.nn.sigmoid(xr + dot(ah, whr[...]) + chr_[...])
        z = jax.nn.sigmoid(xz + dot(ah, whz[...]) + chz[...])
        g_ref[...] = r * h_ref[...] * ns
        z_ref[...] = z
        xh_ref[...] = xh

    wspec = pl.BlockSpec((d, d), lambda i: (0, 0))
    bspec = pl.BlockSpec((1, d), lambda i: (0, 0))
    rspec = pl.BlockSpec((rb, d), lambda i: (i, 0))
    return pl.pallas_call(
        body,
        grid=(grid,),
        in_specs=[pl.BlockSpec((2, rb, d), lambda i: (0, i, 0)),
                  rspec, rspec,
                  wspec, bspec, wspec, bspec, wspec, bspec,
                  wspec, bspec, wspec, bspec],
        out_specs=[rspec, rspec, rspec],
        out_shape=[jax.ShapeDtypeStruct((n, d), jnp.float32)] * 3,
    )(Agg, nsb, h, Wxr, bxr.reshape(1, d), Wxz, bxz.reshape(1, d),
      Wxh, bxh.reshape(1, d), Whr, bhr.reshape(1, d), Whz, bhz.reshape(1, d))


def _tc_c(P, nsb, xh, z, h, Whh, bhh, *, rb):
    n, d = h.shape
    grid = -(-n // rb)

    def body(P_ref, nsb_ref, xh_ref, z_ref, h_ref, whh, chh, out_ref):
        au = (P_ref[0] + P_ref[1]) * nsb_ref[...]
        u = jnp.tanh(xh_ref[...] +
                     jnp.dot(au, whh[...], preferred_element_type=jnp.float32) +
                     chh[...])
        dh = (1.0 - z_ref[...]) * (u - h_ref[...])
        nrm = jnp.sqrt(jnp.sum(dh * dh, axis=1, keepdims=True))
        out_ref[...] = dh / jnp.maximum(nrm, 1e-12)

    rspec = pl.BlockSpec((rb, d), lambda i: (i, 0))
    return pl.pallas_call(
        body,
        grid=(grid,),
        in_specs=[pl.BlockSpec((2, rb, d), lambda i: (0, i, 0)),
                  rspec, rspec, rspec, rspec,
                  pl.BlockSpec((d, d), lambda i: (0, 0)),
                  pl.BlockSpec((1, d), lambda i: (0, 0))],
        out_specs=rspec,
        out_shape=jax.ShapeDtypeStruct((n, d), jnp.float32),
    )(P, nsb, xh, z, h, Whh, bhh.reshape(1, d))



def kernel(t, h, x, edge_index, edge_t, Wxz, bxz, Wxr, bxr, Wxh, bxh,
           Whz, bhz, Whr, bhr, Whh, bhh):
    n, d = x.shape
    e = edge_index.shape[1]
    assert n % NS == 0 and d == 128

    wrows = -(-e // (EW * NC * NS))
    wrows = -(-wrows // 80) * 80
    rows = wrows * NC * NS
    ep = rows * EW
    pad = ep - e
    src0, dst0 = edge_index[0], edge_index[1]
    pad_i = jnp.arange(pad, dtype=jnp.int32)
    srcr = jnp.concatenate([src0, pad_i % n]).reshape(rows, EW)
    dstr = jnp.concatenate([dst0, (pad_i + 1) % n]).reshape(rows, EW)
    etr = jnp.concatenate([edge_t, jnp.full((pad,), jnp.inf, jnp.float32)]
                          ).reshape(rows, EW)
    t16 = jnp.broadcast_to(jnp.reshape(t, (1,)), (16,))

    n_pad = -(-(n + 1) // 256) * 256
    garbage = n

    degp, srcq, dstq = _deg_kernel(srcr, dstr, etr, t16,
                                   n_pad=n_pad, garbage=garbage)

    rb = 2048
    F, nsb = _tc_a(degp, x, h, rb=rb)

    Agg = _agg2_kernel(F, srcr, dstr, srcq, dstq, n_pad=n_pad)

    g, z, xh = _tc_b(Agg, nsb, h, Wxr, bxr, Wxz, bxz, Wxh, bxh,
                     Whr, bhr, Whz, bhz, rb=rb)

    P = _agg1_kernel(g, srcr, dstr, srcq, dstq, n_pad=n_pad)

    return _tc_c(P, nsb, xh, z, h, Whh, bhh, rb=rb)

# --- scband reference (transcript-rebuilt; emitter-appended) ---
"""Pipeline reference for scband-graph-gruode-58746562674828 (READ-ONLY COPY).

The authoritative reference and input builder live on the scoring server;
editing this copy changes nothing except your own understanding.
"""

import jax, jax.numpy as jnp
import numpy as np

N = 10000
E = 320000
D_IN = 128
D_HID = 128


def setup_inputs(seed: int = 0) -> dict:
    key = jax.random.key(seed)
    ks = jax.random.split(key, 20)
    inp = {}
    inp["t"] = jnp.ones((), dtype=jnp.float32)
    inp["h"] = jax.random.normal(ks[0], (N, D_HID), dtype=jnp.float32)
    inp["x"] = jax.random.normal(ks[1], (N, D_IN), dtype=jnp.float32)
    inp["edge_index"] = jax.random.randint(ks[2], (2, E), 0, N, dtype=jnp.int32)
    inp["edge_t"] = jax.random.uniform(ks[3], (E,), dtype=jnp.float32)
    names = ["Wxz", "Wxr", "Wxh", "Whz", "Whr", "Whh"]
    dims = [D_IN, D_IN, D_IN, D_HID, D_HID, D_HID]
    for i, (nm, d) in enumerate(zip(names, dims)):
        inp[nm] = jax.random.normal(ks[4 + i], (d, D_HID), dtype=jnp.float32) * 0.05
        inp["b" + nm[1:]] = jnp.zeros((D_HID,), dtype=jnp.float32)
    return inp


def _gcn(feat, W, b, src, dst, w, ns, nd, n):
    # DGL GraphConv with norm='both': D_out^{-1/2} aggregation D_in^{-1/2}, degrees clamped to >=1
    hf = (feat * ns[:, None]) @ W
    agg = jnp.zeros((n, W.shape[1]), dtype=feat.dtype).at[dst].add(hf[src] * w[:, None])
    return agg * nd[:, None] + b


def reference(t, h, x, edge_index, edge_t, Wxz, bxz, Wxr, bxr, Wxh, bxh, Whz, bhz, Whr, bhr, Whh, bhh):
    n = x.shape[0]
    src0, dst0 = edge_index[0], edge_index[1]
    # filter_edges(t_e <= t), remove self loops, add reverse edges
    mask = (edge_t <= t) & (src0 != dst0)
    src = jnp.concatenate([src0, dst0])
    dst = jnp.concatenate([dst0, src0])
    m = jnp.concatenate([mask, mask])
    mi = m.astype(jnp.int32)
    out_deg = jnp.zeros((n,), dtype=jnp.int32).at[src].add(mi)
    in_deg = jnp.zeros((n,), dtype=jnp.int32).at[dst].add(mi)
    ns = jnp.maximum(out_deg, 1).astype(jnp.float32) ** -0.5
    nd = jnp.maximum(in_deg, 1).astype(jnp.float32) ** -0.5
    w = m.astype(x.dtype)
    xr = _gcn(x, Wxr, bxr, src, dst, w, ns, nd, n)
    xz = _gcn(x, Wxz, bxz, src, dst, w, ns, nd, n)
    xh = _gcn(x, Wxh, bxh, src, dst, w, ns, nd, n)
    r = jax.nn.sigmoid(xr + _gcn(h, Whr, bhr, src, dst, w, ns, nd, n))
    z = jax.nn.sigmoid(xz + _gcn(h, Whz, bhz, src, dst, w, ns, nd, n))
    u = jnp.tanh(xh + _gcn(r * h, Whh, bhh, src, dst, w, ns, nd, n))
    dh = (1 - z) * (u - h)
    # F.normalize(dh): p=2, dim=1, eps=1e-12
    nrm = jnp.linalg.norm(dh, axis=1, keepdims=True)
    dh = dh / jnp.maximum(nrm, 1e-12)
    return dh

if __name__ == "__main__":
    import jax
    _d = setup_inputs()
    print(jax.jit(kernel)(*tuple(_d.values())))

</pallas_src>

<mosaic_0001>
#map = affine_map<(d0, d1) -> (0, 0)>
#map1 = affine_map<(d0, d1) -> (0)>
module attributes {stable_mosaic.version = 14 : i64} {
  func.func @k(%arg0: i32, %arg1: i32, %arg2: memref<2560x128xi32, #tpu.memory_space<hbm>>, %arg3: memref<2560x128xi32, #tpu.memory_space<hbm>>, %arg4: memref<2560x128xf32, #tpu.memory_space<hbm>>, %arg5: memref<16xf32, #tpu.memory_space<hbm>>, %arg6: memref<2x10240xf32, #tpu.memory_space<hbm>>, %arg7: memref<2560x128xi32, #tpu.memory_space<hbm>>, %arg8: memref<2560x128xi32, #tpu.memory_space<hbm>>, %arg9: memref<16x128xi32, #tpu.memory_space<vmem>>, %arg10: memref<16x128xi32, #tpu.memory_space<vmem>>, %arg11: memref<16x128xf32, #tpu.memory_space<vmem>>, %arg12: memref<16x128xf32, #tpu.memory_space<vmem>>, %arg13: memref<16x128xi32, #tpu.memory_space<vmem>>, %arg14: memref<16x128xi32, #tpu.memory_space<vmem>>, %arg15: memref<16xf32, #tpu.memory_space<vmem>>, %arg16: memref<640xf32, #tpu.memory_space<vmem>>, %arg17: memref<10240xf32, #tpu.memory_space<vmem_shared>>, %arg18: memref<!tpu.dma_semaphore, #tpu.memory_space<semaphore_mem>>) attributes {dimension_semantics = [#tpu.dimension_semantics<core_parallel>, #tpu.dimension_semantics<subcore_parallel>], iteration_bounds = array<i64: 2, 16>, scalar_prefetch = 0 : i64, scratch_operands = 10 : i64, tpu.core_type = #tpu.core_type<sc_vector_subcore>, window_params = [{transform_indices = #map}, {transform_indices = #map}, {transform_indices = #map}, {transform_indices = #map1}, {transform_indices = #map}, {transform_indices = #map}, {transform_indices = #map}]} {
    %mul3A = arith.constant 16 : i32
    %mul3A_0 = arith.muli %arg0, %mul3A : i32
    %add3A = arith.addi %mul3A_0, %arg1 : i32
    "tpu.region"() ({
      %run_scoped3A = tpu.sem_alloc : memref<!tpu.dma_semaphore, #tpu.memory_space<semaphore_mem>>
      tpu.enqueue_dma source(%arg5 : memref<16xf32, #tpu.memory_space<hbm>>) target(%arg15 : memref<16xf32, #tpu.memory_space<vmem>>) target_semaphore(%run_scoped3A : memref<!tpu.dma_semaphore, #tpu.memory_space<semaphore_mem>>)
      tpu.wait_dma2 semaphore(%run_scoped3A : memref<!tpu.dma_semaphore, #tpu.memory_space<semaphore_mem>>) src(%arg5 : memref<16xf32, #tpu.memory_space<hbm>>) dst(%arg15 : memref<16xf32, #tpu.memory_space<vmem>>)
      tpu.yield
    }) : () -> ()
    %get3A = arith.constant 0 : index
    %get3A_1 = tpu.vector_load %arg15[%get3A] {strides = array<i32>} : memref<16xf32, #tpu.memory_space<vmem>>, vector<16xf32>,
    %get3A_2 = vector.shape_cast %get3A_1 : vector<16xf32> to vector<16xf32>
    %scan3A = arith.constant 0 : i32
    %scan3A_3 = arith.constant 40 : i32
    %scan3A_4 = arith.addi %scan3A, %scan3A_3 : i32
    %scan3A_5 = arith.constant 1 : i32
    scf.for %scan3A_19 = %scan3A to %scan3A_4 step %scan3A_5  : i32 {
      %mul3A_20 = arith.constant 16 : i32
      %mul3A_21 = arith.muli %scan3A_19, %mul3A_20 : i32
      %add3A_22 = arith.constant 0 : i32
      %add3A_23 = arith.addi %add3A_22, %mul3A_21 : i32
      %broadcast_in_dim3A = arith.constant 0.000000e+00 : f32
      %broadcast_in_dim3A_24 = vector.broadcast %broadcast_in_dim3A : f32 to vector<16xf32>
      %swap3A = arith.index_cast %add3A_23 : i32 to index
      %swap3A_25 = tpu.vector_load %arg16[%swap3A] {strides = array<i32>} : memref<640xf32, #tpu.memory_space<vmem>>, vector<16xf32>,
      %swap3A_26 = vector.shape_cast %swap3A_25 : vector<16xf32> to vector<16xf32>
      %swap3A_27 = vector.shape_cast %broadcast_in_dim3A_24 : vector<16xf32> to vector<16xf32>
      tpu.vector_store %arg16[%swap3A], %swap3A_27 {strides = array<i32>} : memref<640xf32, #tpu.memory_space<vmem>>, vector<16xf32>,
    }
    %scan3A_6 = arith.constant 40 : i32
    %mul3A_7 = arith.constant 640 : i32
    %mul3A_8 = arith.muli %arg1, %mul3A_7 : i32
    "tpu.region"() ({
      %run_scoped3A = tpu.sem_alloc : memref<!tpu.dma_semaphore, #tpu.memory_space<semaphore_mem>>
      %dma_start3A = tpu.memref_slice %arg17[%mul3A_8] : memref<10240xf32, #tpu.memory_space<vmem_shared>> -> memref<640xf32, #tpu.memory_space<vmem_shared>>
      %dma_start3A_19 = tpu.memref_slice %arg17[%mul3A_8] : memref<10240xf32, #tpu.memory_space<vmem_shared>> -> memref<640xf32, #tpu.memory_space<vmem_shared>>
      tpu.enqueue_dma source(%arg16 : memref<640xf32, #tpu.memory_space<vmem>>) target(%dma_start3A_19 : memref<640xf32, #tpu.memory_space<vmem_shared>>) target_semaphore(%run_scoped3A : memref<!tpu.dma_semaphore, #tpu.memory_space<semaphore_mem>>)
      %dma_wait3A = tpu.memref_slice %arg17[%mul3A_8] : memref<10240xf32, #tpu.memory_space<vmem_shared>> -> memref<640xf32, #tpu.memory_space<vmem_shared>>
      %dma_wait3A_20 = tpu.memref_slice %arg17[%mul3A_8] : memref<10240xf32, #tpu.memory_space<vmem_shared>> -> memref<640xf32, #tpu.memory_space<vmem_shared>>
      tpu.wait_dma2 semaphore(%run_scoped3A : memref<!tpu.dma_semaphore, #tpu.memory_space<semaphore_mem>>) src(%arg16 : memref<640xf32, #tpu.memory_space<vmem>>) dst(%dma_wait3A_20 : memref<640xf32, #tpu.memory_space<vmem_shared>>)
      tpu.yield
    }) : () -> ()
    %barrier3A = arith.constant 0 : index
    tpu.barrier barrier_id(%barrier3A)
    %scan3A_9 = arith.constant 0 : i32
    %scan3A_10 = arith.constant 5 : i32
    %scan3A_11 = arith.addi %scan3A_9, %scan3A_10 : i32
    %scan3A_12 = arith.constant 1 : i32
    scf.for %scan3A_19 = %scan3A_9 to %scan3A_11 step %scan3A_12  : i32 {
      %mul3A_20 = arith.constant 1 : i32
      %mul3A_21 = arith.muli %scan3A_19, %mul3A_20 : i32
      %add3A_22 = arith.constant 0 : i32
      %add3A_23 = arith.addi %add3A_22, %mul3A_21 : i32
      %mul3A_24 = arith.constant 80 : i32
      %mul3A_25 = arith.muli %add3A, %mul3A_24 : i32
      %mul3A_26 = arith.constant 16 : i32
      %mul3A_27 = arith.muli %add3A_23, %mul3A_26 : i32
      %add3A_28 = arith.addi %mul3A_25, %mul3A_27 : i32
      "tpu.region"() ({
        %run_scoped3A = tpu.sem_alloc : memref<!tpu.dma_semaphore, #tpu.memory_space<semaphore_mem>>
        %dma_start3A = arith.constant 0 : i32
        %dma_start3A_44 = tpu.memref_slice %arg2[%add3A_28, %dma_start3A] : memref<2560x128xi32, #tpu.memory_space<hbm>> -> memref<16x128xi32, #tpu.memory_space<hbm>>
        %dma_start3A_45 = arith.constant 0 : i32
        %dma_start3A_46 = tpu.memref_slice %arg2[%add3A_28, %dma_start3A_45] : memref<2560x128xi32, #tpu.memory_space<hbm>> -> memref<16x128xi32, #tpu.memory_space<hbm>>
        tpu.enqueue_dma source(%dma_start3A_46 : memref<16x128xi32, #tpu.memory_space<hbm>>) target(%arg9 : memref<16x128xi32, #tpu.memory_space<vmem>>) target_semaphore(%run_scoped3A : memref<!tpu.dma_semaphore, #tpu.memory_space<semaphore_mem>>)
        %dma_wait3A = arith.constant 0 : i32
        %dma_wait3A_47 = tpu.memref_slice %arg2[%add3A_28, %dma_wait3A] : memref<2560x128xi32, #tpu.memory_space<hbm>> -> memref<16x128xi32, #tpu.memory_space<hbm>>
        %dma_wait3A_48 = arith.constant 0 : i32
        %dma_wait3A_49 = tpu.memref_slice %arg2[%add3A_28, %dma_wait3A_48] : memref<2560x128xi32, #tpu.memory_space<hbm>> -> memref<16x128xi32, #tpu.memory_space<hbm>>
        tpu.wait_dma2 semaphore(%run_scoped3A : memref<!tpu.dma_semaphore, #tpu.memory_space<semaphore_mem>>) src(%dma_wait3A_49 : memref<16x128xi32, #tpu.memory_space<hbm>>) dst(%arg9 : memref<16x128xi32, #tpu.memory_space<vmem>>)
        tpu.yield
      }) : () -> ()
      "tpu.region"() ({
        %run_scoped3A = tpu.sem_alloc : memref<!tpu.dma_semaphore, #tpu.memory_space<semaphore_mem>>
        %dma_start3A = arith.constant 0 : i32
        %dma_start3A_44 = tpu.memref_slice %arg3[%add3A_28, %dma_start3A] : memref<2560x128xi32, #tpu.memory_space<hbm>> -> memref<16x128xi32, #tpu.memory_space<hbm>>
        %dma_start3A_45 = arith.constant 0 : i32
        %dma_start3A_46 = tpu.memref_slice %arg3[%add3A_28, %dma_start3A_45] : memref<2560x128xi32, #tpu.memory_space<hbm>> -> memref<16x128xi32, #tpu.memory_space<hbm>>
        tpu.enqueue_dma source(%dma_start3A_46 : memref<16x128xi32, #tpu.memory_space<hbm>>) target(%arg10 : memref<16x128xi32, #tpu.memory_space<vmem>>) target_semaphore(%run_scoped3A : memref<!tpu.dma_semaphore, #tpu.memory_space<semaphore_mem>>)
        %dma_wait3A = arith.constant 0 : i32
        %dma_wait3A_47 = tpu.memref_slice %arg3[%add3A_28, %dma_wait3A] : memref<2560x128xi32, #tpu.memory_space<hbm>> -> memref<16x128xi32, #tpu.memory_space<hbm>>
        %dma_wait3A_48 = arith.constant 0 : i32
        %dma_wait3A_49 = tpu.memref_slice %arg3[%add3A_28, %dma_wait3A_48] : memref<2560x128xi32, #tpu.memory_space<hbm>> -> memref<16x128xi32, #tpu.memory_space<hbm>>
        tpu.wait_dma2 semaphore(%run_scoped3A : memref<!tpu.dma_semaphore, #tpu.memory_space<semaphore_mem>>) src(%dma_wait3A_49 : memref<16x128xi32, #tpu.memory_space<hbm>>) dst(%arg10 : memref<16x128xi32, #tpu.memory_space<vmem>>)
        tpu.yield
      }) : () -> ()
      "tpu.region"() ({
        %run_scoped3A = tpu.sem_alloc : memref<!tpu.dma_semaphore, #tpu.memory_space<semaphore_mem>>
        %dma_start3A = arith.constant 0 : i32
        %dma_start3A_44 = tpu.memref_slice %arg4[%add3A_28, %dma_start3A] : memref<2560x128xf32, #tpu.memory_space<hbm>> -> memref<16x128xf32, #tpu.memory_space<hbm>>
        %dma_start3A_45 = arith.constant 0 : i32
        %dma_start3A_46 = tpu.memref_slice %arg4[%add3A_28, %dma_start3A_45] : memref<2560x128xf32, #tpu.memory_space<hbm>> -> memref<16x128xf32, #tpu.memory_space<hbm>>
        tpu.enqueue_dma source(%dma_start3A_46 : memref<16x128xf32, #tpu.memory_space<hbm>>) target(%arg11 : memref<16x128xf32, #tpu.memory_space<vmem>>) target_semaphore(%run_scoped3A : memref<!tpu.dma_semaphore, #tpu.memory_space<semaphore_mem>>)
        %dma_wait3A = arith.constant 0 : i32
        %dma_wait3A_47 = tpu.memref_slice %arg4[%add3A_28, %dma_wait3A] : memref<2560x128xf32, #tpu.memory_space<hbm>> -> memref<16x128xf32, #tpu.memory_space<hbm>>
        %dma_wait3A_48 = arith.constant 0 : i32
        %dma_wait3A_49 = tpu.memref_slice %arg4[%add3A_28, %dma_wait3A_48] : memref<2560x128xf32, #tpu.memory_space<hbm>> -> memref<16x128xf32, #tpu.memory_space<hbm>>
        tpu.wait_dma2 semaphore(%run_scoped3A : memref<!tpu.dma_semaphore, #tpu.memory_space<semaphore_mem>>) src(%dma_wait3A_49 : memref<16x128xf32, #tpu.memory_space<hbm>>) dst(%arg11 : memref<16x128xf32, #tpu.memory_space<vmem>>)
        tpu.yield
      }) : () -> ()
      %scan3A_29 = arith.constant 0 : i32
      %scan3A_30 = arith.constant 16 : i32
      %scan3A_31 = arith.addi %scan3A_29, %scan3A_30 : i32
      %scan3A_32 = arith.constant 1 : i32
      scf.for %scan3A_44 = %scan3A_29 to %scan3A_31 step %scan3A_32  : i32 {
        %mul3A_45 = arith.constant 1 : i32
        %mul3A_46 = arith.muli %scan3A_44, %mul3A_45 : i32
        %add3A_47 = arith.constant 0 : i32
        %add3A_48 = arith.addi %add3A_47, %mul3A_46 : i32
        %scan3A_49 = arith.constant 0 : i32
        %scan3A_50 = arith.constant 8 : i32
        %scan3A_51 = arith.addi %scan3A_49, %scan3A_50 : i32
        %scan3A_52 = arith.constant 1 : i32
        scf.for %scan3A_54 = %scan3A_49 to %scan3A_51 step %scan3A_52  : i32 {
          %mul3A_55 = arith.constant 16 : i32
          %mul3A_56 = arith.muli %scan3A_54, %mul3A_55 : i32
          %add3A_57 = arith.constant 0 : i32
          %add3A_58 = arith.addi %add3A_57, %mul3A_56 : i32
          %get3A_59 = arith.index_cast %add3A_48 : i32 to index
          %get3A_60 = arith.index_cast %add3A_58 : i32 to index
          %get3A_61 = tpu.vector_load %arg9[%get3A_59, %get3A_60] {strides = array<i32>} : memref<16x128xi32, #tpu.memory_space<vmem>>, vector<1x16xi32>,
          %get3A_62 = vector.shape_cast %get3A_61 : vector<1x16xi32> to vector<16xi32>
          %get3A_63 = arith.index_cast %add3A_48 : i32 to index
          %get3A_64 = arith.index_cast %add3A_58 : i32 to index
          %get3A_65 = tpu.vector_load %arg10[%get3A_63, %get3A_64] {strides = array<i32>} : memref<16x128xi32, #tpu.memory_space<vmem>>, vector<1x16xi32>,
          %get3A_66 = vector.shape_cast %get3A_65 : vector<1x16xi32> to vector<16xi32>
          %get3A_67 = arith.index_cast %add3A_48 : i32 to index
          %get3A_68 = arith.index_cast %add3A_58 : i32 to index
          %get3A_69 = tpu.vector_load %arg11[%get3A_67, %get3A_68] {strides = array<i32>} : memref<16x128xf32, #tpu.memory_space<vmem>>, vector<1x16xf32>,
          %get3A_70 = vector.shape_cast %get3A_69 : vector<1x16xf32> to vector<16xf32>
          %le3A = arith.cmpf ole, %get3A_70, %get3A_2 : vector<16xf32>
          %ne3A = arith.cmpi ne, %get3A_62, %get3A_66 : vector<16xi32>
          %and3A = arith.andi %le3A, %ne3A : vector<16xi1>
          %iota3A = tpu.iota {dimensions = array<i32: 0>} : vector<16xi32>
          %add3A_71 = arith.constant 10000 : i32
          %add3A_72 = vector.broadcast %add3A_71 : i32 to vector<16xi32>
          %add3A_73 = arith.addi %add3A_72, %iota3A : vector<16xi32>
          %jit3A = arith.constant 1.000000e+00 : f32
          %jit3A_74 = arith.constant 0.000000e+00 : f32
          %broadcast_in_dim3A = vector.broadcast %jit3A : f32 to vector<16xf32>
          %broadcast_in_dim3A_75 = vector.broadcast %jit3A_74 : f32 to vector<16xf32>
          %select_n3A = arith.select %and3A, %broadcast_in_dim3A, %broadcast_in_dim3A_75 : vector<16xi1>, vector<16xf32>
          %swap3A = arith.index_cast %add3A_48 : i32 to index
          %swap3A_76 = arith.index_cast %add3A_58 : i32 to index
          %swap3A_77 = tpu.vector_load %arg12[%swap3A, %swap3A_76] {strides = array<i32>} : memref<16x128xf32, #tpu.memory_space<vmem>>, vector<1x16xf32>,
          %swap3A_78 = vector.shape_cast %swap3A_77 : vector<1x16xf32> to vector<16xf32>
          %swap3A_79 = vector.shape_cast %select_n3A : vector<16xf32> to vector<1x16xf32>
          tpu.vector_store %arg12[%swap3A, %swap3A_76], %swap3A_79 {strides = array<i32>} : memref<16x128xf32, #tpu.memory_space<vmem>>, vector<1x16xf32>,
          %select_n3A_80 = arith.select %and3A, %get3A_62, %add3A_73 : vector<16xi1>, vector<16xi32>
          %swap3A_81 = arith.index_cast %add3A_48 : i32 to index
          %swap3A_82 = arith.index_cast %add3A_58 : i32 to index
          %swap3A_83 = tpu.vector_load %arg13[%swap3A_81, %swap3A_82] {strides = array<i32>} : memref<16x128xi32, #tpu.memory_space<vmem>>, vector<1x16xi32>,
          %swap3A_84 = vector.shape_cast %swap3A_83 : vector<1x16xi32> to vector<16xi32>
          %swap3A_85 = vector.shape_cast %select_n3A_80 : vector<16xi32> to vector<1x16xi32>
          tpu.vector_store %arg13[%swap3A_81, %swap3A_82], %swap3A_85 {strides = array<i32>} : memref<16x128xi32, #tpu.memory_space<vmem>>, vector<1x16xi32>,
          %select_n3A_86 = arith.select %and3A, %get3A_66, %add3A_73 : vector<16xi1>, vector<16xi32>
          %swap3A_87 = arith.index_cast %add3A_48 : i32 to index
          %swap3A_88 = arith.index_cast %add3A_58 : i32 to index
          %swap3A_89 = tpu.vector_load %arg14[%swap3A_87, %swap3A_88] {strides = array<i32>} : memref<16x128xi32, #tpu.memory_space<vmem>>, vector<1x16xi32>,
          %swap3A_90 = vector.shape_cast %swap3A_89 : vector<1x16xi32> to vector<16xi32>
          %swap3A_91 = vector.shape_cast %select_n3A_86 : vector<16xi32> to vector<1x16xi32>
          tpu.vector_store %arg14[%swap3A_87, %swap3A_88], %swap3A_91 {strides = array<i32>} : memref<16x128xi32, #tpu.memory_space<vmem>>, vector<1x16xi32>,
        }
        %scan3A_53 = arith.constant 8 : i32
      }
      %scan3A_33 = arith.constant 16 : i32
      "tpu.region"() ({
        %run_scoped3A = tpu.sem_alloc : memref<!tpu.dma_semaphore, #tpu.memory_space<semaphore_mem>>
        %dma_start3A = arith.constant 0 : i32
        %dma_start3A_44 = tpu.memref_slice %arg7[%add3A_28, %dma_start3A] : memref<2560x128xi32, #tpu.memory_space<hbm>> -> memref<16x128xi32, #tpu.memory_space<hbm>>
        %dma_start3A_45 = arith.constant 0 : i32
        %dma_start3A_46 = tpu.memref_slice %arg7[%add3A_28, %dma_start3A_45] : memref<2560x128xi32, #tpu.memory_space<hbm>> -> memref<16x128xi32, #tpu.memory_space<hbm>>
        tpu.enqueue_dma source(%arg13 : memref<16x128xi32, #tpu.memory_space<vmem>>) target(%dma_start3A_46 : memref<16x128xi32, #tpu.memory_space<hbm>>) target_semaphore(%run_scoped3A : memref<!tpu.dma_semaphore, #tpu.memory_space<semaphore_mem>>)
        %dma_wait3A = arith.constant 0 : i32
        %dma_wait3A_47 = tpu.memref_slice %arg7[%add3A_28, %dma_wait3A] : memref<2560x128xi32, #tpu.memory_space<hbm>> -> memref<16x128xi32, #tpu.memory_space<hbm>>
        %dma_wait3A_48 = arith.constant 0 : i32
        %dma_wait3A_49 = tpu.memref_slice %arg7[%add3A_28, %dma_wait3A_48] : memref<2560x128xi32, #tpu.memory_space<hbm>> -> memref<16x128xi32, #tpu.memory_space<hbm>>
        tpu.wait_dma2 semaphore(%run_scoped3A : memref<!tpu.dma_semaphore, #tpu.memory_space<semaphore_mem>>) src(%arg13 : memref<16x128xi32, #tpu.memory_space<vmem>>) dst(%dma_wait3A_49 : memref<16x128xi32, #tpu.memory_space<hbm>>)
        tpu.yield
      }) : () -> ()
      "tpu.region"() ({
        %run_scoped3A = tpu.sem_alloc : memref<!tpu.dma_semaphore, #tpu.memory_space<semaphore_mem>>
        %dma_start3A = arith.constant 0 : i32
        %dma_start3A_44 = tpu.memref_slice %arg8[%add3A_28, %dma_start3A] : memref<2560x128xi32, #tpu.memory_space<hbm>> -> memref<16x128xi32, #tpu.memory_space<hbm>>
        %dma_start3A_45 = arith.constant 0 : i32
        %dma_start3A_46 = tpu.memref_slice %arg8[%add3A_28, %dma_start3A_45] : memref<2560x128xi32, #tpu.memory_space<hbm>> -> memref<16x128xi32, #tpu.memory_space<hbm>>
        tpu.enqueue_dma source(%arg14 : memref<16x128xi32, #tpu.memory_space<vmem>>) target(%dma_start3A_46 : memref<16x128xi32, #tpu.memory_space<hbm>>) target_semaphore(%run_scoped3A : memref<!tpu.dma_semaphore, #tpu.memory_space<semaphore_mem>>)
        %dma_wait3A = arith.constant 0 : i32
        %dma_wait3A_47 = tpu.memref_slice %arg8[%add3A_28, %dma_wait3A] : memref<2560x128xi32, #tpu.memory_space<hbm>> -> memref<16x128xi32, #tpu.memory_space<hbm>>
        %dma_wait3A_48 = arith.constant 0 : i32
        %dma_wait3A_49 = tpu.memref_slice %arg8[%add3A_28, %dma_wait3A_48] : memref<2560x128xi32, #tpu.memory_space<hbm>> -> memref<16x128xi32, #tpu.memory_space<hbm>>
        tpu.wait_dma2 semaphore(%run_scoped3A : memref<!tpu.dma_semaphore, #tpu.memory_space<semaphore_mem>>) src(%arg14 : memref<16x128xi32, #tpu.memory_space<vmem>>) dst(%dma_wait3A_49 : memref<16x128xi32, #tpu.memory_space<hbm>>)
        tpu.yield
      }) : () -> ()
      %scan3A_34 = arith.constant 0 : i32
      %scan3A_35 = arith.constant 16 : i32
      %scan3A_36 = arith.addi %scan3A_34, %scan3A_35 : i32
      %scan3A_37 = arith.constant 1 : i32
      scf.for %scan3A_44 = %scan3A_34 to %scan3A_36 step %scan3A_37  : i32 {
        %mul3A_45 = arith.constant 1 : i32
        %mul3A_46 = arith.muli %scan3A_44, %mul3A_45 : i32
        %add3A_47 = arith.constant 0 : i32
        %add3A_48 = arith.addi %add3A_47, %mul3A_46 : i32
        %dma_start3A = arith.constant 0 : i32
        %dma_start3A_49 = tpu.memref_slice %arg12[%add3A_48, %dma_start3A] : memref<16x128xf32, #tpu.memory_space<vmem>> -> memref<1x128xf32, #tpu.memory_space<vmem>>
        %dma_start3A_50 = tpu.memref_squeeze %dma_start3A_49 : memref<1x128xf32, #tpu.memory_space<vmem>> -> memref<128xf32, #tpu.memory_space<vmem>>
        %dma_start3A_51 = arith.constant 0 : i32
        %dma_start3A_52 = tpu.memref_slice %arg9[%add3A_48, %dma_start3A_51] : memref<16x128xi32, #tpu.memory_space<vmem>> -> memref<1x128xi32, #tpu.memory_space<vmem>>
        %dma_start3A_53 = tpu.memref_squeeze %dma_start3A_52 : memref<1x128xi32, #tpu.memory_space<vmem>> -> memref<128xi32, #tpu.memory_space<vmem>>
        %dma_start3A_54 = arith.constant 0 : i32
        %dma_start3A_55 = tpu.memref_slice %arg17[%dma_start3A_54] : memref<10240xf32, #tpu.memory_space<vmem_shared>> -> memref<10240xf32, #tpu.memory_space<vmem_shared>>
        tpu.enqueue_indirect_dma source(%dma_start3A_50 : memref<128xf32, #tpu.memory_space<vmem>>) target(%dma_start3A_55 : memref<10240xf32, #tpu.memory_space<vmem_shared>>) offsets(%dma_start3A_53 : memref<128xi32, #tpu.memory_space<vmem>>) semaphore(%arg18 : memref<!tpu.dma_semaphore, #tpu.memory_space<semaphore_mem>>) {add = true}
        %dma_start3A_56 = arith.constant 0 : i32
        %dma_start3A_57 = tpu.memref_slice %arg12[%add3A_48, %dma_start3A_56] : memref<16x128xf32, #tpu.memory_space<vmem>> -> memref<1x128xf32, #tpu.memory_space<vmem>>
        %dma_start3A_58 = tpu.memref_squeeze %dma_start3A_57 : memref<1x128xf32, #tpu.memory_space<vmem>> -> memref<128xf32, #tpu.memory_space<vmem>>
        %dma_start3A_59 = arith.constant 0 : i32
        %dma_start3A_60 = tpu.memref_slice %arg10[%add3A_48, %dma_start3A_59] : memref<16x128xi32, #tpu.memory_space<vmem>> -> memref<1x128xi32, #tpu.memory_space<vmem>>
        %dma_start3A_61 = tpu.memref_squeeze %dma_start3A_60 : memref<1x128xi32, #tpu.memory_space<vmem>> -> memref<128xi32, #tpu.memory_space<vmem>>
        %dma_start3A_62 = arith.constant 0 : i32
        %dma_start3A_63 = tpu.memref_slice %arg17[%dma_start3A_62] : memref<10240xf32, #tpu.memory_space<vmem_shared>> -> memref<10240xf32, #tpu.memory_space<vmem_shared>>
        tpu.enqueue_indirect_dma source(%dma_start3A_58 : memref<128xf32, #tpu.memory_space<vmem>>) target(%dma_start3A_63 : memref<10240xf32, #tpu.memory_space<vmem_shared>>) offsets(%dma_start3A_61 : memref<128xi32, #tpu.memory_space<vmem>>) semaphore(%arg18 : memref<!tpu.dma_semaphore, #tpu.memory_space<semaphore_mem>>) {add = true}
      }
      %scan3A_38 = arith.constant 16 : i32
      %scan3A_39 = arith.constant 0 : i32
      %scan3A_40 = arith.constant 16 : i32
      %scan3A_41 = arith.addi %scan3A_39, %scan3A_40 : i32
      %scan3A_42 = arith.constant 1 : i32
      scf.for %scan3A_44 = %scan3A_39 to %scan3A_41 step %scan3A_42  : i32 {
        %mul3A_45 = arith.constant 1 : i32
        %mul3A_46 = arith.muli %scan3A_44, %mul3A_45 : i32
        %add3A_47 = arith.constant 0 : i32
        %add3A_48 = arith.addi %add3A_47, %mul3A_46 : i32
        %dma_wait3A = arith.constant 0 : i32
        %dma_wait3A_49 = tpu.memref_slice %arg12[%add3A_48, %dma_wait3A] : memref<16x128xf32, #tpu.memory_space<vmem>> -> memref<1x128xf32, #tpu.memory_space<vmem>>
        %dma_wait3A_50 = tpu.memref_squeeze %dma_wait3A_49 : memref<1x128xf32, #tpu.memory_space<vmem>> -> memref<128xf32, #tpu.memory_space<vmem>>
        %dma_wait3A_51 = arith.constant 0 : i32
        %dma_wait3A_52 = tpu.memref_slice %arg9[%add3A_48, %dma_wait3A_51] : memref<16x128xi32, #tpu.memory_space<vmem>> -> memref<1x128xi32, #tpu.memory_space<vmem>>
        %dma_wait3A_53 = tpu.memref_squeeze %dma_wait3A_52 : memref<1x128xi32, #tpu.memory_space<vmem>> -> memref<128xi32, #tpu.memory_space<vmem>>
        %dma_wait3A_54 = arith.constant 0 : i32
        %dma_wait3A_55 = tpu.memref_slice %arg17[%dma_wait3A_54] : memref<10240xf32, #tpu.memory_space<vmem_shared>> -> memref<10240xf32, #tpu.memory_space<vmem_shared>>
        tpu.wait_indirect_dma semaphore(%arg18 : memref<!tpu.dma_semaphore, #tpu.memory_space<semaphore_mem>>) src(%dma_wait3A_50 : memref<128xf32, #tpu.memory_space<vmem>>) dst(%dma_wait3A_55 : memref<10240xf32, #tpu.memory_space<vmem_shared>>)
        %dma_wait3A_56 = arith.constant 0 : i32
        %dma_wait3A_57 = tpu.memref_slice %arg12[%add3A_48, %dma_wait3A_56] : memref<16x128xf32, #tpu.memory_space<vmem>> -> memref<1x128xf32, #tpu.memory_space<vmem>>
        %dma_wait3A_58 = tpu.memref_squeeze %dma_wait3A_57 : memref<1x128xf32, #tpu.memory_space<vmem>> -> memref<128xf32, #tpu.memory_space<vmem>>
        %dma_wait3A_59 = arith.constant 0 : i32
        %dma_wait3A_60 = tpu.memref_slice %arg10[%add3A_48, %dma_wait3A_59] : memref<16x128xi32, #tpu.memory_space<vmem>> -> memref<1x128xi32, #tpu.memory_space<vmem>>
        %dma_wait3A_61 = tpu.memref_squeeze %dma_wait3A_60 : memref<1x128xi32, #tpu.memory_space<vmem>> -> memref<128xi32, #tpu.memory_space<vmem>>
        %dma_wait3A_62 = arith.constant 0 : i32
        %dma_wait3A_63 = tpu.memref_slice %arg17[%dma_wait3A_62] : memref<10240xf32, #tpu.memory_space<vmem_shared>> -> memref<10240xf32, #tpu.memory_space<vmem_shared>>
        tpu.wait_indirect_dma semaphore(%arg18 : memref<!tpu.dma_semaphore, #tpu.memory_space<semaphore_mem>>) src(%dma_wait3A_58 : memref<128xf32, #tpu.memory_space<vmem>>) dst(%dma_wait3A_63 : memref<10240xf32, #tpu.memory_space<vmem_shared>>)
      }
      %scan3A_43 = arith.constant 16 : i32
    }
    %scan3A_13 = arith.constant 5 : i32
    %barrier3A_14 = arith.constant 0 : index
    tpu.barrier barrier_id(%barrier3A_14)
    %mul3A_15 = arith.constant 640 : i32
    %mul3A_16 = arith.muli %arg1, %mul3A_15 : i32
    %mul3A_17 = arith.constant 640 : i32
    %mul3A_18 = arith.muli %arg1, %mul3A_17 : i32
    "tpu.region"() ({
      %run_scoped3A = tpu.sem_alloc : memref<!tpu.dma_semaphore, #tpu.memory_space<semaphore_mem>>
      %dma_start3A = tpu.memref_slice %arg6[%arg0, %mul3A_18] : memref<2x10240xf32, #tpu.memory_space<hbm>> -> memref<1x640xf32, #tpu.memory_space<hbm>>
      %dma_start3A_19 = tpu.memref_squeeze %dma_start3A : memref<1x640xf32, #tpu.memory_space<hbm>> -> memref<640xf32, #tpu.memory_space<hbm>>
      %dma_start3A_20 = tpu.memref_slice %arg17[%mul3A_16] : memref<10240xf32, #tpu.memory_space<vmem_shared>> -> memref<640xf32, #tpu.memory_space<vmem_shared>>
      tpu.enqueue_dma source(%dma_start3A_20 : memref<640xf32, #tpu.memory_space<vmem_shared>>) target(%dma_start3A_19 : memref<640xf32, #tpu.memory_space<hbm>>) target_semaphore(%run_scoped3A : memref<!tpu.dma_semaphore, #tpu.memory_space<semaphore_mem>>)
      %dma_wait3A = tpu.memref_slice %arg6[%arg0, %mul3A_18] : memref<2x10240xf32, #tpu.memory_space<hbm>> -> memref<1x640xf32, #tpu.memory_space<hbm>>
      %dma_wait3A_21 = tpu.memref_squeeze %dma_wait3A : memref<1x640xf32, #tpu.memory_space<hbm>> -> memref<640xf32, #tpu.memory_space<hbm>>
      %dma_wait3A_22 = tpu.memref_slice %arg17[%mul3A_16] : memref<10240xf32, #tpu.memory_space<vmem_shared>> -> memref<640xf32, #tpu.memory_space<vmem_shared>>
      tpu.wait_dma2 semaphore(%run_scoped3A : memref<!tpu.dma_semaphore, #tpu.memory_space<semaphore_mem>>) src(%dma_wait3A_22 : memref<640xf32, #tpu.memory_space<vmem_shared>>) dst(%dma_wait3A_21 : memref<640xf32, #tpu.memory_space<hbm>>)
      tpu.yield
    }) : () -> ()
    return
  }
}

#map = affine_map<(d0, d1) -> (0, 0, 0)>
#map1 = affine_map<(d0, d1) -> (0, 0)>
module attributes {stable_mosaic.version = 14 : i64} {
  func.func @k(%arg0: i32, %arg1: i32, %arg2: memref<2x10000x128xf32, #tpu.memory_space<hbm>>, %arg3: memref<2560x128xi32, #tpu.memory_space<hbm>>, %arg4: memref<2560x128xi32, #tpu.memory_space<hbm>>, %arg5: memref<2560x128xi32, #tpu.memory_space<hbm>>, %arg6: memref<2560x128xi32, #tpu.memory_space<hbm>>, %arg7: memref<2x10240x128xf32, #tpu.memory_space<hbm>>, %arg8: memref<40x128xi32, #tpu.memory_space<vmem>>, %arg9: memref<40x128xi32, #tpu.memory_space<vmem>>, %arg10: memref<128x128xf32, #tpu.memory_space<vmem>>, %arg11: memref<128x128xf32, #tpu.memory_space<vmem>>, %arg12: memref<16x128xf32, #tpu.memory_space<vmem>>, %arg13: memref<10240x128xf32, #tpu.memory_space<vmem_shared>>, %arg14: memref<!tpu.dma_semaphore, #tpu.memory_space<semaphore_mem>>, %arg15: memref<!tpu.dma_semaphore, #tpu.memory_space<semaphore_mem>>, %arg16: memref<!tpu.dma_semaphore, #tpu.memory_space<semaphore_mem>>, %arg17: memref<!tpu.dma_semaphore, #tpu.memory_space<semaphore_mem>>) attributes {dimension_semantics = [#tpu.dimension_semantics<core_parallel>, #tpu.dimension_semantics<subcore_parallel>], iteration_bounds = array<i64: 2, 16>, scalar_prefetch = 0 : i64, scratch_operands = 10 : i64, tpu.core_type = #tpu.core_type<sc_vector_subcore>, window_params = [{transform_indices = #map}, {transform_indices = #map1}, {transform_indices = #map1}, {transform_indices = #map1}, {transform_indices = #map1}, {transform_indices = #map}]} {
    %scan3A = arith.constant 0 : i32
    %scan3A_0 = arith.constant 16 : i32
    %scan3A_1 = arith.addi %scan3A, %scan3A_0 : i32
    %scan3A_2 = arith.constant 1 : i32
    scf.for %scan3A_32 = %scan3A to %scan3A_1 step %scan3A_2  : i32 {
      %mul3A_33 = arith.constant 1 : i32
      %mul3A_34 = arith.muli %scan3A_32, %mul3A_33 : i32
      %add3A = arith.constant 0 : i32
      %add3A_35 = arith.addi %add3A, %mul3A_34 : i32
      %scan3A_36 = arith.constant 0 : i32
      %scan3A_37 = arith.constant 8 : i32
      %scan3A_38 = arith.addi %scan3A_36, %scan3A_37 : i32
      %scan3A_39 = arith.constant 1 : i32
      scf.for %scan3A_41 = %scan3A_36 to %scan3A_38 step %scan3A_39  : i32 {
        %mul3A_42 = arith.constant 16 : i32
        %mul3A_43 = arith.muli %scan3A_41, %mul3A_42 : i32
        %add3A_44 = arith.constant 0 : i32
        %add3A_45 = arith.addi %add3A_44, %mul3A_43 : i32
        %broadcast_in_dim3A = arith.constant 0.000000e+00 : f32
        %broadcast_in_dim3A_46 = vector.broadcast %broadcast_in_dim3A : f32 to vector<16xf32>
        %swap3A = arith.index_cast %add3A_35 : i32 to index
        %swap3A_47 = arith.index_cast %add3A_45 : i32 to index
        %swap3A_48 = tpu.vector_load %arg12[%swap3A, %swap3A_47] {strides = array<i32>} : memref<16x128xf32, #tpu.memory_space<vmem>>, vector<1x16xf32>,
        %swap3A_49 = vector.shape_cast %swap3A_48 : vector<1x16xf32> to vector<16xf32>
        %swap3A_50 = vector.shape_cast %broadcast_in_dim3A_46 : vector<16xf32> to vector<1x16xf32>
        tpu.vector_store %arg12[%swap3A, %swap3A_47], %swap3A_50 {strides = array<i32>} : memref<16x128xf32, #tpu.memory_space<vmem>>, vector<1x16xf32>,
      }
      %scan3A_40 = arith.constant 8 : i32
    }
    %scan3A_3 = arith.constant 16 : i32
    %scan3A_4 = arith.constant 0 : i32
    %scan3A_5 = arith.constant 40 : i32
    %scan3A_6 = arith.addi %scan3A_4, %scan3A_5 : i32
    %scan3A_7 = arith.constant 1 : i32
    scf.for %scan3A_32 = %scan3A_4 to %scan3A_6 step %scan3A_7  : i32 {
      %mul3A_33 = arith.constant 16 : i32
      %mul3A_34 = arith.muli %scan3A_32, %mul3A_33 : i32
      %add3A = arith.constant 0 : i32
      %add3A_35 = arith.addi %add3A, %mul3A_34 : i32
      %mul3A_36 = arith.constant 640 : i32
      %mul3A_37 = arith.muli %arg1, %mul3A_36 : i32
      %add3A_38 = arith.addi %mul3A_37, %add3A_35 : i32
      %dma_start3A = arith.constant 0 : i32
      %dma_start3A_39 = tpu.memref_slice %arg13[%add3A_38, %dma_start3A] : memref<10240x128xf32, #tpu.memory_space<vmem_shared>> -> memref<16x128xf32, #tpu.memory_space<vmem_shared>>
      %dma_start3A_40 = arith.constant 0 : i32
      %dma_start3A_41 = tpu.memref_slice %arg13[%add3A_38, %dma_start3A_40] : memref<10240x128xf32, #tpu.memory_space<vmem_shared>> -> memref<16x128xf32, #tpu.memory_space<vmem_shared>>
      tpu.enqueue_dma source(%arg12 : memref<16x128xf32, #tpu.memory_space<vmem>>) target(%dma_start3A_41 : memref<16x128xf32, #tpu.memory_space<vmem_shared>>) target_semaphore(%arg14 : memref<!tpu.dma_semaphore, #tpu.memory_space<semaphore_mem>>)
    }
    %scan3A_8 = arith.constant 40 : i32
    %scan3A_9 = arith.constant 0 : i32
    %scan3A_10 = arith.constant 40 : i32
    %scan3A_11 = arith.addi %scan3A_9, %scan3A_10 : i32
    %scan3A_12 = arith.constant 1 : i32
    scf.for %scan3A_32 = %scan3A_9 to %scan3A_11 step %scan3A_12  : i32 {
      %mul3A_33 = arith.constant 16 : i32
      %mul3A_34 = arith.muli %scan3A_32, %mul3A_33 : i32
      %add3A = arith.constant 0 : i32
      %add3A_35 = arith.addi %add3A, %mul3A_34 : i32
      %mul3A_36 = arith.constant 640 : i32
      %mul3A_37 = arith.muli %arg1, %mul3A_36 : i32
      %add3A_38 = arith.addi %mul3A_37, %add3A_35 : i32
      %dma_wait3A = arith.constant 0 : i32
      %dma_wait3A_39 = tpu.memref_slice %arg13[%add3A_38, %dma_wait3A] : memref<10240x128xf32, #tpu.memory_space<vmem_shared>> -> memref<16x128xf32, #tpu.memory_space<vmem_shared>>
      %dma_wait3A_40 = arith.constant 0 : i32
      %dma_wait3A_41 = tpu.memref_slice %arg13[%add3A_38, %dma_wait3A_40] : memref<10240x128xf32, #tpu.memory_space<vmem_shared>> -> memref<16x128xf32, #tpu.memory_space<vmem_shared>>
      tpu.wait_dma2 semaphore(%arg14 : memref<!tpu.dma_semaphore, #tpu.memory_space<semaphore_mem>>) src(%arg12 : memref<16x128xf32, #tpu.memory_space<vmem>>) dst(%dma_wait3A_41 : memref<16x128xf32, #tpu.memory_space<vmem_shared>>)
    }
    %scan3A_13 = arith.constant 40 : i32
    %barrier3A = arith.constant 0 : index
    tpu.barrier barrier_id(%barrier3A)
    %mul3A = arith.constant 160 : i32
    %mul3A_14 = arith.muli %arg1, %mul3A : i32
    %scan3A_15 = arith.constant 0 : i32
    %scan3A_16 = arith.constant 4 : i32
    %scan3A_17 = arith.addi %scan3A_15, %scan3A_16 : i32
    %scan3A_18 = arith.constant 1 : i32
    scf.for %scan3A_32 = %scan3A_15 to %scan3A_17 step %scan3A_18  : i32 {
      %mul3A_33 = arith.constant 1 : i32
      %mul3A_34 = arith.muli %scan3A_32, %mul3A_33 : i32
      %add3A = arith.constant 0 : i32
      %add3A_35 = arith.addi %add3A, %mul3A_34 : i32
      %mul3A_36 = arith.constant 40 : i32
      %mul3A_37 = arith.muli %add3A_35, %mul3A_36 : i32
      %add3A_38 = arith.addi %mul3A_14, %mul3A_37 : i32
      %dma_start3A = arith.constant 0 : i32
      %dma_start3A_39 = tpu.memref_slice %arg3[%add3A_38, %dma_start3A] : memref<2560x128xi32, #tpu.memory_space<hbm>> -> memref<40x128xi32, #tpu.memory_space<hbm>>
      %dma_start3A_40 = arith.constant 0 : i32
      %dma_start3A_41 = tpu.memref_slice %arg3[%add3A_38, %dma_start3A_40] : memref<2560x128xi32, #tpu.memory_space<hbm>> -> memref<40x128xi32, #tpu.memory_space<hbm>>
      tpu.enqueue_dma source(%dma_start3A_41 : memref<40x128xi32, #tpu.memory_space<hbm>>) target(%arg8 : memref<40x128xi32, #tpu.memory_space<vmem>>) target_semaphore(%arg14 : memref<!tpu.dma_semaphore, #tpu.memory_space<semaphore_mem>>)
      %dma_start3A_42 = arith.constant 0 : i32
      %dma_start3A_43 = tpu.memref_slice %arg6[%add3A_38, %dma_start3A_42] : memref<2560x128xi32, #tpu.memory_space<hbm>> -> memref<40x128xi32, #tpu.memory_space<hbm>>
      %dma_start3A_44 = arith.constant 0 : i32
      %dma_start3A_45 = tpu.memref_slice %arg6[%add3A_38, %dma_start3A_44] : memref<2560x128xi32, #tpu.memory_space<hbm>> -> memref<40x128xi32, #tpu.memory_space<hbm>>
      tpu.enqueue_dma source(%dma_start3A_45 : memref<40x128xi32, #tpu.memory_space<hbm>>) target(%arg9 : memref<40x128xi32, #tpu.memory_space<vmem>>) target_semaphore(%arg15 : memref<!tpu.dma_semaphore, #tpu.memory_space<semaphore_mem>>)
      %dma_wait3A = arith.constant 0 : i32
      %dma_wait3A_46 = tpu.memref_slice %arg3[%add3A_38, %dma_wait3A] : memref<2560x128xi32, #tpu.memory_space<hbm>> -> memref<40x128xi32, #tpu.memory_space<hbm>>
      %dma_wait3A_47 = arith.constant 0 : i32
      %dma_wait3A_48 = tpu.memref_slice %arg3[%add3A_38, %dma_wait3A_47] : memref<2560x128xi32, #tpu.memory_space<hbm>> -> memref<40x128xi32, #tpu.memory_space<hbm>>
      tpu.wait_dma2 semaphore(%arg14 : memref<!tpu.dma_semaphore, #tpu.memory_space<semaphore_mem>>) src(%dma_wait3A_48 : memref<40x128xi32, #tpu.memory_space<hbm>>) dst(%arg8 : memref<40x128xi32, #tpu.memory_space<vmem>>)
      %dma_wait3A_49 = arith.constant 0 : i32
      %dma_wait3A_50 = tpu.memref_slice %arg6[%add3A_38, %dma_wait3A_49] : memref<2560x128xi32, #tpu.memory_space<hbm>> -> memref<40x128xi32, #tpu.memory_space<hbm>>
      %dma_wait3A_51 = arith.constant 0 : i32
      %dma_wait3A_52 = tpu.memref_slice %arg6[%add3A_38, %dma_wait3A_51] : memref<2560x128xi32, #tpu.memory_space<hbm>> -> memref<40x128xi32, #tpu.memory_space<hbm>>
      tpu.wait_dma2 semaphore(%arg15 : memref<!tpu.dma_semaphore, #tpu.memory_space<semaphore_mem>>) src(%dma_wait3A_52 : memref<40x128xi32, #tpu.memory_space<hbm>>) dst(%arg9 : memref<40x128xi32, #tpu.memory_space<vmem>>)
      %dma_start3A_53 = arith.constant 0 : i32
      %dma_start3A_54 = arith.constant 0 : i32
      %dma_start3A_55 = tpu.memref_slice %arg8[%dma_start3A_53, %dma_start3A_54] : memref<40x128xi32, #tpu.memory_space<vmem>> -> memref<1x128xi32, #tpu.memory_space<vmem>>
      %dma_start3A_56 = tpu.memref_squeeze %dma_start3A_55 : memref<1x128xi32, #tpu.memory_space<vmem>> -> memref<128xi32, #tpu.memory_space<vmem>>
      %dma_start3A_57 = arith.constant 0 : i32
      %dma_start3A_58 = arith.constant 0 : i32
      %dma_start3A_59 = tpu.memref_slice %arg2[%arg0, %dma_start3A_57, %dma_start3A_58] : memref<2x10000x128xf32, #tpu.memory_space<hbm>> -> memref<1x10000x128xf32, #tpu.memory_space<hbm>>
      %dma_start3A_60 = tpu.memref_squeeze %dma_start3A_59 : memref<1x10000x128xf32, #tpu.memory_space<hbm>> -> memref<10000x128xf32, #tpu.memory_space<hbm>>
      %dma_start3A_61 = arith.constant 0 : i32
      %dma_start3A_62 = arith.constant 0 : i32
      %dma_start3A_63 = tpu.memref_slice %dma_start3A_60[%dma_start3A_61, %dma_start3A_62] : memref<10000x128xf32, #tpu.memory_space<hbm>> -> memref<10000x128xf32, #tpu.memory_space<hbm>>
      tpu.enqueue_indirect_dma source(%dma_start3A_63 : memref<10000x128xf32, #tpu.memory_space<hbm>>) target(%arg10 : memref<128x128xf32, #tpu.memory_space<vmem>>) offsets(%dma_start3A_56 : memref<128xi32, #tpu.memory_space<vmem>>) semaphore(%arg14 : memref<!tpu.dma_semaphore, #tpu.memory_space<semaphore_mem>>)
      %dma_start3A_64 = arith.constant 1 : i32
      %dma_start3A_65 = arith.constant 0 : i32
      %dma_start3A_66 = tpu.memref_slice %arg8[%dma_start3A_64, %dma_start3A_65] : memref<40x128xi32, #tpu.memory_space<vmem>> -> memref<1x128xi32, #tpu.memory_space<vmem>>
      %dma_start3A_67 = tpu.memref_squeeze %dma_start3A_66 : memref<1x128xi32, #tpu.memory_space<vmem>> -> memref<128xi32, #tpu.memory_space<vmem>>
      %dma_start3A_68 = arith.constant 0 : i32
      %dma_start3A_69 = arith.constant 0 : i32
      %dma_start3A_70 = tpu.memref_slice %arg2[%arg0, %dma_start3A_68, %dma_start3A_69] : memref<2x10000x128xf32, #tpu.memory_space<hbm>> -> memref<1x10000x128xf32, #tpu.memory_space<hbm>>
      %dma_start3A_71 = tpu.memref_squeeze %dma_start3A_70 : memref<1x10000x128xf32, #tpu.memory_space<hbm>> -> memref<10000x128xf32, #tpu.memory_space<hbm>>
      %dma_start3A_72 = arith.constant 0 : i32
      %dma_start3A_73 = arith.constant 0 : i32
      %dma_start3A_74 = tpu.memref_slice %dma_start3A_71[%dma_start3A_72, %dma_start3A_73] : memref<10000x128xf32, #tpu.memory_space<hbm>> -> memref<10000x128xf32, #tpu.memory_space<hbm>>
      tpu.enqueue_indirect_dma source(%dma_start3A_74 : memref<10000x128xf32, #tpu.memory_space<hbm>>) target(%arg11 : memref<128x128xf32, #tpu.memory_space<vmem>>) offsets(%dma_start3A_67 : memref<128xi32, #tpu.memory_space<vmem>>) semaphore(%arg15 : memref<!tpu.dma_semaphore, #tpu.memory_space<semaphore_mem>>)
      %scan3A_75 = arith.constant 0 : i32
      %scan3A_76 = arith.constant 19 : i32
      %scan3A_77 = arith.addi %scan3A_75, %scan3A_76 : i32
      %scan3A_78 = arith.constant 1 : i32
      scf.for %scan3A_130 = %scan3A_75 to %scan3A_77 step %scan3A_78  : i32 {
        %mul3A_131 = arith.constant 1 : i32
        %mul3A_132 = arith.muli %scan3A_130, %mul3A_131 : i32
        %add3A_133 = arith.constant 0 : i32
        %add3A_134 = arith.addi %add3A_133, %mul3A_132 : i32
        %mul3A_135 = arith.constant 2 : i32
        %mul3A_136 = arith.muli %mul3A_135, %add3A_134 : i32
        %add3A_137 = arith.constant 1 : i32
        %add3A_138 = arith.addi %mul3A_136, %add3A_137 : i32
        %dma_wait3A_139 = arith.constant 0 : i32
        %dma_wait3A_140 = tpu.memref_slice %arg8[%mul3A_136, %dma_wait3A_139] : memref<40x128xi32, #tpu.memory_space<vmem>> -> memref<1x128xi32, #tpu.memory_space<vmem>>
        %dma_wait3A_141 = tpu.memref_squeeze %dma_wait3A_140 : memref<1x128xi32, #tpu.memory_space<vmem>> -> memref<128xi32, #tpu.memory_space<vmem>>
        %dma_wait3A_142 = arith.constant 0 : i32
        %dma_wait3A_143 = arith.constant 0 : i32
        %dma_wait3A_144 = tpu.memref_slice %arg2[%arg0, %dma_wait3A_142, %dma_wait3A_143] : memref<2x10000x128xf32, #tpu.memory_space<hbm>> -> memref<1x10000x128xf32, #tpu.memory_space<hbm>>
        %dma_wait3A_145 = tpu.memref_squeeze %dma_wait3A_144 : memref<1x10000x128xf32, #tpu.memory_space<hbm>> -> memref<10000x128xf32, #tpu.memory_space<hbm>>
        %dma_wait3A_146 = arith.constant 0 : i32
        %dma_wait3A_147 = arith.constant 0 : i32
        %dma_wait3A_148 = tpu.memref_slice %dma_wait3A_145[%dma_wait3A_146, %dma_wait3A_147] : memref<10000x128xf32, #tpu.memory_space<hbm>> -> memref<10000x128xf32, #tpu.memory_space<hbm>>
        tpu.wait_indirect_dma semaphore(%arg14 : memref<!tpu.dma_semaphore, #tpu.memory_space<semaphore_mem>>) src(%dma_wait3A_148 : memref<10000x128xf32, #tpu.memory_space<hbm>>) dst(%arg10 : memref<128x128xf32, #tpu.memory_space<vmem>>)
        %dma_start3A_149 = arith.constant 0 : i32
        %dma_start3A_150 = tpu.memref_slice %arg9[%mul3A_136, %dma_start3A_149] : memref<40x128xi32, #tpu.memory_space<vmem>> -> memref<1x128xi32, #tpu.memory_space<vmem>>
        %dma_start3A_151 = tpu.memref_squeeze %dma_start3A_150 : memref<1x128xi32, #tpu.memory_space<vmem>> -> memref<128xi32, #tpu.memory_space<vmem>>
        %dma_start3A_152 = arith.constant 0 : i32
        %dma_start3A_153 = arith.constant 0 : i32
        %dma_start3A_154 = tpu.memref_slice %arg13[%dma_start3A_152, %dma_start3A_153] : memref<10240x128xf32, #tpu.memory_space<vmem_shared>> -> memref<10240x128xf32, #tpu.memory_space<vmem_shared>>
        tpu.enqueue_indirect_dma source(%arg10 : memref<128x128xf32, #tpu.memory_space<vmem>>) target(%dma_start3A_154 : memref<10240x128xf32, #tpu.memory_space<vmem_shared>>) offsets(%dma_start3A_151 : memref<128xi32, #tpu.memory_space<vmem>>) semaphore(%arg16 : memref<!tpu.dma_semaphore, #tpu.memory_space<semaphore_mem>>) {add = true}
        %dma_wait3A_155 = arith.constant 0 : i32
        %dma_wait3A_156 = tpu.memref_slice %arg8[%add3A_138, %dma_wait3A_155] : memref<40x128xi32, #tpu.memory_space<vmem>> -> memref<1x128xi32, #tpu.memory_space<vmem>>
        %dma_wait3A_157 = tpu.memref_squeeze %dma_wait3A_156 : memref<1x128xi32, #tpu.memory_space<vmem>> -> memref<128xi32, #tpu.memory_space<vmem>>
        %dma_wait3A_158 = arith.constant 0 : i32
        %dma_wait3A_159 = arith.constant 0 : i32
        %dma_wait3A_160 = tpu.memref_slice %arg2[%arg0, %dma_wait3A_158, %dma_wait3A_159] : memref<2x10000x128xf32, #tpu.memory_space<hbm>> -> memref<1x10000x128xf32, #tpu.memory_space<hbm>>
        %dma_wait3A_161 = tpu.memref_squeeze %dma_wait3A_160 : memref<1x10000x128xf32, #tpu.memory_space<hbm>> -> memref<10000x128xf32, #tpu.memory_space<hbm>>
        %dma_wait3A_162 = arith.constant 0 : i32
        %dma_wait3A_163 = arith.constant 0 : i32
        %dma_wait3A_164 = tpu.memref_slice %dma_wait3A_161[%dma_wait3A_162, %dma_wait3A_163] : memref<10000x128xf32, #tpu.memory_space<hbm>> -> memref<10000x128xf32, #tpu.memory_space<hbm>>
        tpu.wait_indirect_dma semaphore(%arg15 : memref<!tpu.dma_semaphore, #tpu.memory_space<semaphore_mem>>) src(%dma_wait3A_164 : memref<10000x128xf32, #tpu.memory_space<hbm>>) dst(%arg11 : memref<128x128xf32, #tpu.memory_space<vmem>>)
        %dma_start3A_165 = arith.constant 0 : i32
        %dma_start3A_166 = tpu.memref_slice %arg9[%add3A_138, %dma_start3A_165] : memref<40x128xi32, #tpu.memory_space<vmem>> -> memref<1x128xi32, #tpu.memory_space<vmem>>
        %dma_start3A_167 = tpu.memref_squeeze %dma_start3A_166 : memref<1x128xi32, #tpu.memory_space<vmem>> -> memref<128xi32, #tpu.memory_space<vmem>>
        %dma_start3A_168 = arith.constant 0 : i32
        %dma_start3A_169 = arith.constant 0 : i32
        %dma_start3A_170 = tpu.memref_slice %arg13[%dma_start3A_168, %dma_start3A_169] : memref<10240x128xf32, #tpu.memory_space<vmem_shared>> -> memref<10240x128xf32, #tpu.memory_space<vmem_shared>>
        tpu.enqueue_indirect_dma source(%arg11 : memref<128x128xf32, #tpu.memory_space<vmem>>) target(%dma_start3A_170 : memref<10240x128xf32, #tpu.memory_space<vmem_shared>>) offsets(%dma_start3A_167 : memref<128xi32, #tpu.memory_space<vmem>>) semaphore(%arg17 : memref<!tpu.dma_semaphore, #tpu.memory_space<semaphore_mem>>) {add = true}
        %dma_wait3A_171 = arith.constant 0 : i32
        %dma_wait3A_172 = tpu.memref_slice %arg9[%mul3A_136, %dma_wait3A_171] : memref<40x128xi32, #tpu.memory_space<vmem>> -> memref<1x128xi32, #tpu.memory_space<vmem>>
        %dma_wait3A_173 = tpu.memref_squeeze %dma_wait3A_172 : memref<1x128xi32, #tpu.memory_space<vmem>> -> memref<128xi32, #tpu.memory_space<vmem>>
        %dma_wait3A_174 = arith.constant 0 : i32
        %dma_wait3A_175 = arith.constant 0 : i32
        %dma_wait3A_176 = tpu.memref_slice %arg13[%dma_wait3A_174, %dma_wait3A_175] : memref<10240x128xf32, #tpu.memory_space<vmem_shared>> -> memref<10240x128xf32, #tpu.memory_space<vmem_shared>>
        tpu.wait_indirect_dma semaphore(%arg16 : memref<!tpu.dma_semaphore, #tpu.memory_space<semaphore_mem>>) src(%arg10 : memref<128x128xf32, #tpu.memory_space<vmem>>) dst(%dma_wait3A_176 : memref<10240x128xf32, #tpu.memory_space<vmem_shared>>)
        %add3A_177 = arith.constant 2 : i32
        %add3A_178 = arith.addi %mul3A_136, %add3A_177 : i32
        %dma_start3A_179 = arith.constant 0 : i32
        %dma_start3A_180 = tpu.memref_slice %arg8[%add3A_178, %dma_start3A_179] : memref<40x128xi32, #tpu.memory_space<vmem>> -> memref<1x128xi32, #tpu.memory_space<vmem>>
        %dma_start3A_181 = tpu.memref_squeeze %dma_start3A_180 : memref<1x128xi32, #tpu.memory_space<vmem>> -> memref<128xi32, #tpu.memory_space<vmem>>
        %dma_start3A_182 = arith.constant 0 : i32
        %dma_start3A_183 = arith.constant 0 : i32
        %dma_start3A_184 = tpu.memref_slice %arg2[%arg0, %dma_start3A_182, %dma_start3A_183] : memref<2x10000x128xf32, #tpu.memory_space<hbm>> -> memref<1x10000x128xf32, #tpu.memory_space<hbm>>
        %dma_start3A_185 = tpu.memref_squeeze %dma_start3A_184 : memref<1x10000x128xf32, #tpu.memory_space<hbm>> -> memref<10000x128xf32, #tpu.memory_space<hbm>>
        %dma_start3A_186 = arith.constant 0 : i32
        %dma_start3A_187 = arith.constant 0 : i32
        %dma_start3A_188 = tpu.memref_slice %dma_start3A_185[%dma_start3A_186, %dma_start3A_187] : memref<10000x128xf32, #tpu.memory_space<hbm>> -> memref<10000x128xf32, #tpu.memory_space<hbm>>
        tpu.enqueue_indirect_dma source(%dma_start3A_188 : memref<10000x128xf32, #tpu.memory_space<hbm>>) target(%arg10 : memref<128x128xf32, #tpu.memory_space<vmem>>) offsets(%dma_start3A_181 : memref<128xi32, #tpu.memory_space<vmem>>) semaphore(%arg14 : memref<!tpu.dma_semaphore, #tpu.memory_space<semaphore_mem>>)
        %dma_wait3A_189 = arith.constant 0 : i32
        %dma_wait3A_190 = tpu.memref_slice %arg9[%add3A_138, %dma_wait3A_189] : memref<40x128xi32, #tpu.memory_space<vmem>> -> memref<1x128xi32, #tpu.memory_space<vmem>>
        %dma_wait3A_191 = tpu.memref_squeeze %dma_wait3A_190 : memref<1x128xi32, #tpu.memory_space<vmem>> -> memref<128xi32, #tpu.memory_space<vmem>>
        %dma_wait3A_192 = arith.constant 0 : i32
        %dma_wait3A_193 = arith.constant 0 : i32
        %dma_wait3A_194 = tpu.memref_slice %arg13[%dma_wait3A_192, %dma_wait3A_193] : memref<10240x128xf32, #tpu.memory_space<vmem_shared>> -> memref<10240x128xf32, #tpu.memory_space<vmem_shared>>
        tpu.wait_indirect_dma semaphore(%arg17 : memref<!tpu.dma_semaphore, #tpu.memory_space<semaphore_mem>>) src(%arg11 : memref<128x128xf32, #tpu.memory_space<vmem>>) dst(%dma_wait3A_194 : memref<10240x128xf32, #tpu.memory_space<vmem_shared>>)
        %add3A_195 = arith.constant 2 : i32
        %add3A_196 = arith.addi %add3A_138, %add3A_195 : i32
        %dma_start3A_197 = arith.constant 0 : i32
        %dma_start3A_198 = tpu.memref_slice %arg8[%add3A_196, %dma_start3A_197] : memref<40x128xi32, #tpu.memory_space<vmem>> -> memref<1x128xi32, #tpu.memory_space<vmem>>
        %dma_start3A_199 = tpu.memref_squeeze %dma_start3A_198 : memref<1x128xi32, #tpu.memory_space<vmem>> -> memref<128xi32, #tpu.memory_space<vmem>>
        %dma_start3A_200 = arith.constant 0 : i32
        %dma_start3A_201 = arith.constant 0 : i32
        %dma_start3A_202 = tpu.memref_slice %arg2[%arg0, %dma_start3A_200, %dma_start3A_201] : memref<2x10000x128xf32, #tpu.memory_space<hbm>> -> memref<1x10000x128xf32, #tpu.memory_space<hbm>>
        %dma_start3A_203 = tpu.memref_squeeze %dma_start3A_202 : memref<1x10000x128xf32, #tpu.memory_space<hbm>> -> memref<10000x128xf32, #tpu.memory_space<hbm>>
        %dma_start3A_204 = arith.constant 0 : i32
        %dma_start3A_205 = arith.constant 0 : i32
        %dma_start3A_206 = tpu.memref_slice %dma_start3A_203[%dma_start3A_204, %dma_start3A_205] : memref<10000x128xf32, #tpu.memory_space<hbm>> -> memref<10000x128xf32, #tpu.memory_space<hbm>>
        tpu.enqueue_indirect_dma source(%dma_start3A_206 : memref<10000x128xf32, #tpu.memory_space<hbm>>) target(%arg11 : memref<128x128xf32, #tpu.memory_space<vmem>>) offsets(%dma_start3A_199 : memref<128xi32, #tpu.memory_space<vmem>>) semaphore(%arg15 : memref<!tpu.dma_semaphore, #tpu.memory_space<semaphore_mem>>)
      }
      %scan3A_79 = arith.constant 19 : i32
      %dma_wait3A_80 = arith.constant 38 : i32
      %dma_wait3A_81 = arith.constant 0 : i32
      %dma_wait3A_82 = tpu.memref_slice %arg8[%dma_wait3A_80, %dma_wait3A_81] : memref<40x128xi32, #tpu.memory_space<vmem>> -> memref<1x128xi32, #tpu.memory_space<vmem>>
      %dma_wait3A_83 = tpu.memref_squeeze %dma_wait3A_82 : memref<1x128xi32, #tpu.memory_space<vmem>> -> memref<128xi32, #tpu.memory_space<vmem>>
      %dma_wait3A_84 = arith.constant 0 : i32
      %dma_wait3A_85 = arith.constant 0 : i32
      %dma_wait3A_86 = tpu.memref_slice %arg2[%arg0, %dma_wait3A_84, %dma_wait3A_85] : memref<2x10000x128xf32, #tpu.memory_space<hbm>> -> memref<1x10000x128xf32, #tpu.memory_space<hbm>>
      %dma_wait3A_87 = tpu.memref_squeeze %dma_wait3A_86 : memref<1x10000x128xf32, #tpu.memory_space<hbm>> -> memref<10000x128xf32, #tpu.memory_space<hbm>>
      %dma_wait3A_88 = arith.constant 0 : i32
      %dma_wait3A_89 = arith.constant 0 : i32
      %dma_wait3A_90 = tpu.memref_slice %dma_wait3A_87[%dma_wait3A_88, %dma_wait3A_89] : memref<10000x128xf32, #tpu.memory_space<hbm>> -> memref<10000x128xf32, #tpu.memory_space<hbm>>
      tpu.wait_indirect_dma semaphore(%arg14 : memref<!tpu.dma_semaphore, #tpu.memory_space<semaphore_mem>>) src(%dma_wait3A_90 : memref<10000x128xf32, #tpu.memory_space<hbm>>) dst(%arg10 : memref<128x128xf32, #tpu.memory_space<vmem>>)
      %dma_start3A_91 = arith.constant 38 : i32
      %dma_start3A_92 = arith.constant 0 : i32
      %dma_start3A_93 = tpu.memref_slice %arg9[%dma_start3A_91, %dma_start3A_92] : memref<40x128xi32, #tpu.memory_space<vmem>> -> memref<1x128xi32, #tpu.memory_space<vmem>>
      %dma_start3A_94 = tpu.memref_squeeze %dma_start3A_93 : memref<1x128xi32, #tpu.memory_space<vmem>> -> memref<128xi32, #tpu.memory_space<vmem>>
      %dma_start3A_95 = arith.constant 0 : i32
      %dma_start3A_96 = arith.constant 0 : i32
      %dma_start3A_97 = tpu.memref_slice %arg13[%dma_start3A_95, %dma_start3A_96] : memref<10240x128xf32, #tpu.memory_space<vmem_shared>> -> memref<10240x128xf32, #tpu.memory_space<vmem_shared>>
      tpu.enqueue_indirect_dma source(%arg10 : memref<128x128xf32, #tpu.memory_space<vmem>>) target(%dma_start3A_97 : memref<10240x128xf32, #tpu.memory_space<vmem_shared>>) offsets(%dma_start3A_94 : memref<128xi32, #tpu.memory_space<vmem>>) semaphore(%arg16 : memref<!tpu.dma_semaphore, #tpu.memory_space<semaphore_mem>>) {add = true}
      %dma_wait3A_98 = arith.constant 39 : i32
      %dma_wait3A_99 = arith.constant 0 : i32
      %dma_wait3A_100 = tpu.memref_slice %arg8[%dma_wait3A_98, %dma_wait3A_99] : memref<40x128xi32, #tpu.memory_space<vmem>> -> memref<1x128xi32, #tpu.memory_space<vmem>>
      %dma_wait3A_101 = tpu.memref_squeeze %dma_wait3A_100 : memref<1x128xi32, #tpu.memory_space<vmem>> -> memref<128xi32, #tpu.memory_space<vmem>>
      %dma_wait3A_102 = arith.constant 0 : i32
      %dma_wait3A_103 = arith.constant 0 : i32
      %dma_wait3A_104 = tpu.memref_slice %arg2[%arg0, %dma_wait3A_102, %dma_wait3A_103] : memref<2x10000x128xf32, #tpu.memory_space<hbm>> -> memref<1x10000x128xf32, #tpu.memory_space<hbm>>
      %dma_wait3A_105 = tpu.memref_squeeze %dma_wait3A_104 : memref<1x10000x128xf32, #tpu.memory_space<hbm>> -> memref<10000x128xf32, #tpu.memory_space<hbm>>
      %dma_wait3A_106 = arith.constant 0 : i32
      %dma_wait3A_107 = arith.constant 0 : i32
      %dma_wait3A_108 = tpu.memref_slice %dma_wait3A_105[%dma_wait3A_106, %dma_wait3A_107] : memref<10000x128xf32, #tpu.memory_space<hbm>> -> memref<10000x128xf32, #tpu.memory_space<hbm>>
      tpu.wait_indirect_dma semaphore(%arg15 : memref<!tpu.dma_semaphore, #tpu.memory_space<semaphore_mem>>) src(%dma_wait3A_108 : memref<10000x128xf32, #tpu.memory_space<hbm>>) dst(%arg11 : memref<128x128xf32, #tpu.memory_space<vmem>>)
      %dma_start3A_109 = arith.constant 39 : i32
      %dma_start3A_110 = arith.constant 0 : i32
      %dma_start3A_111 = tpu.memref_slice %arg9[%dma_start3A_109, %dma_start3A_110] : memref<40x128xi32, #tpu.memory_space<vmem>> -> memref<1x128xi32, #tpu.memory_space<vmem>>
      %dma_start3A_112 = tpu.memref_squeeze %dma_start3A_111 : memref<1x128xi32, #tpu.memory_space<vmem>> -> memref<128xi32, #tpu.memory_space<vmem>>
      %dma_start3A_113 = arith.constant 0 : i32
      %dma_start3A_114 = arith.constant 0 : i32
      %dma_start3A_115 = tpu.memref_slice %arg13[%dma_start3A_113, %dma_start3A_114] : memref<10240x128xf32, #tpu.memory_space<vmem_shared>> -> memref<10240x128xf32, #tpu.memory_space<vmem_shared>>
      tpu.enqueue_indirect_dma source(%arg11 : memref<128x128xf32, #tpu.memory_space<vmem>>) target(%dma_start3A_115 : memref<10240x128xf32, #tpu.memory_space<vmem_shared>>) offsets(%dma_start3A_112 : memref<128xi32, #tpu.memory_space<vmem>>) semaphore(%arg17 : memref<!tpu.dma_semaphore, #tpu.memory_space<semaphore_mem>>) {add = true}
      %dma_wait3A_116 = arith.constant 38 : i32
      %dma_wait3A_117 = arith.constant 0 : i32
      %dma_wait3A_118 = tpu.memref_slice %arg9[%dma_wait3A_116, %dma_wait3A_117] : memref<40x128xi32, #tpu.memory_space<vmem>> -> memref<1x128xi32, #tpu.memory_space<vmem>>
      %dma_wait3A_119 = tpu.memref_squeeze %dma_wait3A_118 : memref<1x128xi32, #tpu.memory_space<vmem>> -> memref<128xi32, #tpu.memory_space<vmem>>
      %dma_wait3A_120 = arith.constant 0 : i32
      %dma_wait3A_121 = arith.constant 0 : i32
      %dma_wait3A_122 = tpu.memref_slice %arg13[%dma_wait3A_120, %dma_wait3A_121] : memref<10240x128xf32, #tpu.memory_space<vmem_shared>> -> memref<10240x128xf32, #tpu.memory_space<vmem_shared>>
      tpu.wait_indirect_dma semaphore(%arg16 : memref<!tpu.dma_semaphore, #tpu.memory_space<semaphore_mem>>) src(%arg10 : memref<128x128xf32, #tpu.memory_space<vmem>>) dst(%dma_wait3A_122 : memref<10240x128xf32, #tpu.memory_space<vmem_shared>>)
      %dma_wait3A_123 = arith.constant 39 : i32
      %dma_wait3A_124 = arith.constant 0 : i32
      %dma_wait3A_125 = tpu.memref_slice %arg9[%dma_wait3A_123, %dma_wait3A_124] : memref<40x128xi32, #tpu.memory_space<vmem>> -> memref<1x128xi32, #tpu.memory_space<vmem>>
      %dma_wait3A_126 = tpu.memref_squeeze %dma_wait3A_125 : memref<1x128xi32, #tpu.memory_space<vmem>> -> memref<128xi32, #tpu.memory_space<vmem>>
      %dma_wait3A_127 = arith.constant 0 : i32
      %dma_wait3A_128 = arith.constant 0 : i32
      %dma_wait3A_129 = tpu.memref_slice %arg13[%dma_wait3A_127, %dma_wait3A_128] : memref<10240x128xf32, #tpu.memory_space<vmem_shared>> -> memref<10240x128xf32, #tpu.memory_space<vmem_shared>>
      tpu.wait_indirect_dma semaphore(%arg17 : memref<!tpu.dma_semaphore, #tpu.memory_space<semaphore_mem>>) src(%arg11 : memref<128x128xf32, #tpu.memory_space<vmem>>) dst(%dma_wait3A_129 : memref<10240x128xf32, #tpu.memory_space<vmem_shared>>)
    }
    %scan3A_19 = arith.constant 4 : i32
    %mul3A_20 = arith.constant 160 : i32
    %mul3A_21 = arith.muli %arg1, %mul3A_20 : i32
    %scan3A_22 = arith.constant 0 : i32
    %scan3A_23 = arith.constant 4 : i32
    %scan3A_24 = arith.addi %scan3A_22, %scan3A_23 : i32
    %scan3A_25 = arith.constant 1 : i32
    scf.for %scan3A_32 = %scan3A_22 to %scan3A_24 step %scan3A_25  : i32 {
      %mul3A_33 = arith.constant 1 : i32
      %mul3A_34 = arith.muli %scan3A_32, %mul3A_33 : i32
      %add3A = arith.constant 0 : i32
      %add3A_35 = arith.addi %add3A, %mul3A_34 : i32
      %mul3A_36 = arith.constant 40 : i32
      %mul3A_37 = arith.muli %add3A_35, %mul3A_36 : i32
      %add3A_38 = arith.addi %mul3A_21, %mul3A_37 : i32
      %dma_start3A = arith.constant 0 : i32
      %dma_start3A_39 = tpu.memref_slice %arg4[%add3A_38, %dma_start3A] : memref<2560x128xi32, #tpu.memory_space<hbm>> -> memref<40x128xi32, #tpu.memory_space<hbm>>
      %dma_start3A_40 = arith.constant 0 : i32
      %dma_start3A_41 = tpu.memref_slice %arg4[%add3A_38, %dma_start3A_40] : memref<2560x128xi32, #tpu.memory_space<hbm>> -> memref<40x128xi32, #tpu.memory_space<hbm>>
      tpu.enqueue_dma source(%dma_start3A_41 : memref<40x128xi32, #tpu.memory_space<hbm>>) target(%arg8 : memref<40x128xi32, #tpu.memory_space<vmem>>) target_semaphore(%arg14 : memref<!tpu.dma_semaphore, #tpu.memory_space<semaphore_mem>>)
      %dma_start3A_42 = arith.constant 0 : i32
      %dma_start3A_43 = tpu.memref_slice %arg5[%add3A_38, %dma_start3A_42] : memref<2560x128xi32, #tpu.memory_space<hbm>> -> memref<40x128xi32, #tpu.memory_space<hbm>>
      %dma_start3A_44 = arith.constant 0 : i32
      %dma_start3A_45 = tpu.memref_slice %arg5[%add3A_38, %dma_start3A_44] : memref<2560x128xi32, #tpu.memory_space<hbm>> -> memref<40x128xi32, #tpu.memory_space<hbm>>
      tpu.enqueue_dma source(%dma_start3A_45 : memref<40x128xi32, #tpu.memory_space<hbm>>) target(%arg9 : memref<40x128xi32, #tpu.memory_space<vmem>>) target_semaphore(%arg15 : memref<!tpu.dma_semaphore, #tpu.memory_space<semaphore_mem>>)
      %dma_wait3A = arith.constant 0 : i32
      %dma_wait3A_46 = tpu.memref_slice %arg4[%add3A_38, %dma_wait3A] : memref<2560x128xi32, #tpu.memory_space<hbm>> -> memref<40x128xi32, #tpu.memory_space<hbm>>
      %dma_wait3A_47 = arith.constant 0 : i32
      %dma_wait3A_48 = tpu.memref_slice %arg4[%add3A_38, %dma_wait3A_47] : memref<2560x128xi32, #tpu.memory_space<hbm>> -> memref<40x128xi32, #tpu.memory_space<hbm>>
      tpu.wait_dma2 semaphore(%arg14 : memref<!tpu.dma_semaphore, #tpu.memory_space<semaphore_mem>>) src(%dma_wait3A_48 : memref<40x128xi32, #tpu.memory_space<hbm>>) dst(%arg8 : memref<40x128xi32, #tpu.memory_space<vmem>>)
      %dma_wait3A_49 = arith.constant 0 : i32
      %dma_wait3A_50 = tpu.memref_slice %arg5[%add3A_38, %dma_wait3A_49] : memref<2560x128xi32, #tpu.memory_space<hbm>> -> memref<40x128xi32, #tpu.memory_space<hbm>>
      %dma_wait3A_51 = arith.constant 0 : i32
      %dma_wait3A_52 = tpu.memref_slice %arg5[%add3A_38, %dma_wait3A_51] : memref<2560x128xi32, #tpu.memory_space<hbm>> -> memref<40x128xi32, #tpu.memory_space<hbm>>
      tpu.wait_dma2 semaphore(%arg15 : memref<!tpu.dma_semaphore, #tpu.memory_space<semaphore_mem>>) src(%dma_wait3A_52 : memref<40x128xi32, #tpu.memory_space<hbm>>) dst(%arg9 : memref<40x128xi32, #tpu.memory_space<vmem>>)
      %dma_start3A_53 = arith.constant 0 : i32
      %dma_start3A_54 = arith.constant 0 : i32
      %dma_start3A_55 = tpu.memref_slice %arg8[%dma_start3A_53, %dma_start3A_54] : memref<40x128xi32, #tpu.memory_space<vmem>> -> memref<1x128xi32, #tpu.memory_space<vmem>>
      %dma_start3A_56 = tpu.memref_squeeze %dma_start3A_55 : memref<1x128xi32, #tpu.memory_space<vmem>> -> memref<128xi32, #tpu.memory_space<vmem>>
      %dma_start3A_57 = arith.constant 0 : i32
      %dma_start3A_58 = arith.constant 0 : i32
      %dma_start3A_59 = tpu.memref_slice %arg2[%arg0, %dma_start3A_57, %dma_start3A_58] : memref<2x10000x128xf32, #tpu.memory_space<hbm>> -> memref<1x10000x128xf32, #tpu.memory_space<hbm>>
      %dma_start3A_60 = tpu.memref_squeeze %dma_start3A_59 : memref<1x10000x128xf32, #tpu.memory_space<hbm>> -> memref<10000x128xf32, #tpu.memory_space<hbm>>
      %dma_start3A_61 = arith.constant 0 : i32
      %dma_start3A_62 = arith.constant 0 : i32
      %dma_start3A_63 = tpu.memref_slice %dma_start3A_60[%dma_start3A_61, %dma_start3A_62] : memref<10000x128xf32, #tpu.memory_space<hbm>> -> memref<10000x128xf32, #tpu.memory_space<hbm>>
      tpu.enqueue_indirect_dma source(%dma_start3A_63 : memref<10000x128xf32, #tpu.memory_space<hbm>>) target(%arg10 : memref<128x128xf32, #tpu.memory_space<vmem>>) offsets(%dma_start3A_56 : memref<128xi32, #tpu.memory_space<vmem>>) semaphore(%arg14 : memref<!tpu.dma_semaphore, #tpu.memory_space<semaphore_mem>>)
      %dma_start3A_64 = arith.constant 1 : i32
      %dma_start3A_65 = arith.constant 0 : i32
      %dma_start3A_66 = tpu.memref_slice %arg8[%dma_start3A_64, %dma_start3A_65] : memref<40x128xi32, #tpu.memory_space<vmem>> -> memref<1x128xi32, #tpu.memory_space<vmem>>
      %dma_start3A_67 = tpu.memref_squeeze %dma_start3A_66 : memref<1x128xi32, #tpu.memory_space<vmem>> -> memref<128xi32, #tpu.memory_space<vmem>>
      %dma_start3A_68 = arith.constant 0 : i32
      %dma_start3A_69 = arith.constant 0 : i32
      %dma_start3A_70 = tpu.memref_slice %arg2[%arg0, %dma_start3A_68, %dma_start3A_69] : memref<2x10000x128xf32, #tpu.memory_space<hbm>> -> memref<1x10000x128xf32, #tpu.memory_space<hbm>>
      %dma_start3A_71 = tpu.memref_squeeze %dma_start3A_70 : memref<1x10000x128xf32, #tpu.memory_space<hbm>> -> memref<10000x128xf32, #tpu.memory_space<hbm>>
      %dma_start3A_72 = arith.constant 0 : i32
      %dma_start3A_73 = arith.constant 0 : i32
      %dma_start3A_74 = tpu.memref_slice %dma_start3A_71[%dma_start3A_72, %dma_start3A_73] : memref<10000x128xf32, #tpu.memory_space<hbm>> -> memref<10000x128xf32, #tpu.memory_space<hbm>>
      tpu.enqueue_indirect_dma source(%dma_start3A_74 : memref<10000x128xf32, #tpu.memory_space<hbm>>) target(%arg11 : memref<128x128xf32, #tpu.memory_space<vmem>>) offsets(%dma_start3A_67 : memref<128xi32, #tpu.memory_space<vmem>>) semaphore(%arg15 : memref<!tpu.dma_semaphore, #tpu.memory_space<semaphore_mem>>)
      %scan3A_75 = arith.constant 0 : i32
      %scan3A_76 = arith.constant 19 : i32
      %scan3A_77 = arith.addi %scan3A_75, %scan3A_76 : i32
      %scan3A_78 = arith.constant 1 : i32
      scf.for %scan3A_130 = %scan3A_75 to %scan3A_77 step %scan3A_78  : i32 {
        %mul3A_131 = arith.constant 1 : i32
        %mul3A_132 = arith.muli %scan3A_130, %mul3A_131 : i32
        %add3A_133 = arith.constant 0 : i32
        %add3A_134 = arith.addi %add3A_133, %mul3A_132 : i32
        %mul3A_135 = arith.constant 2 : i32
        %mul3A_136 = arith.muli %mul3A_135, %add3A_134 : i32
        %add3A_137 = arith.constant 1 : i32
        %add3A_138 = arith.addi %mul3A_136, %add3A_137 : i32
        %dma_wait3A_139 = arith.constant 0 : i32
        %dma_wait3A_140 = tpu.memref_slice %arg8[%mul3A_136, %dma_wait3A_139] : memref<40x128xi32, #tpu.memory_space<vmem>> -> memref<1x128xi32, #tpu.memory_space<vmem>>
        %dma_wait3A_141 = tpu.memref_squeeze %dma_wait3A_140 : memref<1x128xi32, #tpu.memory_space<vmem>> -> memref<128xi32, #tpu.memory_space<vmem>>
        %dma_wait3A_142 = arith.constant 0 : i32
        %dma_wait3A_143 = arith.constant 0 : i32
        %dma_wait3A_144 = tpu.memref_slice %arg2[%arg0, %dma_wait3A_142, %dma_wait3A_143] : memref<2x10000x128xf32, #tpu.memory_space<hbm>> -> memref<1x10000x128xf32, #tpu.memory_space<hbm>>
        %dma_wait3A_145 = tpu.memref_squeeze %dma_wait3A_144 : memref<1x10000x128xf32, #tpu.memory_space<hbm>> -> memref<10000x128xf32, #tpu.memory_space<hbm>>
        %dma_wait3A_146 = arith.constant 0 : i32
        %dma_wait3A_147 = arith.constant 0 : i32
        %dma_wait3A_148 = tpu.memref_slice %dma_wait3A_145[%dma_wait3A_146, %dma_wait3A_147] : memref<10000x128xf32, #tpu.memory_space<hbm>> -> memref<10000x128xf32, #tpu.memory_space<hbm>>
        tpu.wait_indirect_dma semaphore(%arg14 : memref<!tpu.dma_semaphore, #tpu.memory_space<semaphore_mem>>) src(%dma_wait3A_148 : memref<10000x128xf32, #tpu.memory_space<hbm>>) dst(%arg10 : memref<128x128xf32, #tpu.memory_space<vmem>>)
        %dma_start3A_149 = arith.constant 0 : i32
        %dma_start3A_150 = tpu.memref_slice %arg9[%mul3A_136, %dma_start3A_149] : memref<40x128xi32, #tpu.memory_space<vmem>> -> memref<1x128xi32, #tpu.memory_space<vmem>>
        %dma_start3A_151 = tpu.memref_squeeze %dma_start3A_150 : memref<1x128xi32, #tpu.memory_space<vmem>> -> memref<128xi32, #tpu.memory_space<vmem>>
        %dma_start3A_152 = arith.constant 0 : i32
        %dma_start3A_153 = arith.constant 0 : i32
        %dma_start3A_154 = tpu.memref_slice %arg13[%dma_start3A_152, %dma_start3A_153] : memref<10240x128xf32, #tpu.memory_space<vmem_shared>> -> memref<10240x128xf32, #tpu.memory_space<vmem_shared>>
        tpu.enqueue_indirect_dma source(%arg10 : memref<128x128xf32, #tpu.memory_space<vmem>>) target(%dma_start3A_154 : memref<10240x128xf32, #tpu.memory_space<vmem_shared>>) offsets(%dma_start3A_151 : memref<128xi32, #tpu.memory_space<vmem>>) semaphore(%arg16 : memref<!tpu.dma_semaphore, #tpu.memory_space<semaphore_mem>>) {add = true}
        %dma_wait3A_155 = arith.constant 0 : i32
        %dma_wait3A_156 = tpu.memref_slice %arg8[%add3A_138, %dma_wait3A_155] : memref<40x128xi32, #tpu.memory_space<vmem>> -> memref<1x128xi32, #tpu.memory_space<vmem>>
        %dma_wait3A_157 = tpu.memref_squeeze %dma_wait3A_156 : memref<1x128xi32, #tpu.memory_space<vmem>> -> memref<128xi32, #tpu.memory_space<vmem>>
        %dma_wait3A_158 = arith.constant 0 : i32
        %dma_wait3A_159 = arith.constant 0 : i32
        %dma_wait3A_160 = tpu.memref_slice %arg2[%arg0, %dma_wait3A_158, %dma_wait3A_159] : memref<2x10000x128xf32, #tpu.memory_space<hbm>> -> memref<1x10000x128xf32, #tpu.memory_space<hbm>>
        %dma_wait3A_161 = tpu.memref_squeeze %dma_wait3A_160 : memref<1x10000x128xf32, #tpu.memory_space<hbm>> -> memref<10000x128xf32, #tpu.memory_space<hbm>>
        %dma_wait3A_162 = arith.constant 0 : i32
        %dma_wait3A_163 = arith.constant 0 : i32
        %dma_wait3A_164 = tpu.memref_slice %dma_wait3A_161[%dma_wait3A_162, %dma_wait3A_163] : memref<10000x128xf32, #tpu.memory_space<hbm>> -> memref<10000x128xf32, #tpu.memory_space<hbm>>
        tpu.wait_indirect_dma semaphore(%arg15 : memref<!tpu.dma_semaphore, #tpu.memory_space<semaphore_mem>>) src(%dma_wait3A_164 : memref<10000x128xf32, #tpu.memory_space<hbm>>) dst(%arg11 : memref<128x128xf32, #tpu.memory_space<vmem>>)
        %dma_start3A_165 = arith.constant 0 : i32
        %dma_start3A_166 = tpu.memref_slice %arg9[%add3A_138, %dma_start3A_165] : memref<40x128xi32, #tpu.memory_space<vmem>> -> memref<1x128xi32, #tpu.memory_space<vmem>>
        %dma_start3A_167 = tpu.memref_squeeze %dma_start3A_166 : memref<1x128xi32, #tpu.memory_space<vmem>> -> memref<128xi32, #tpu.memory_space<vmem>>
        %dma_start3A_168 = arith.constant 0 : i32
        %dma_start3A_169 = arith.constant 0 : i32
        %dma_start3A_170 = tpu.memref_slice %arg13[%dma_start3A_168, %dma_start3A_169] : memref<10240x128xf32, #tpu.memory_space<vmem_shared>> -> memref<10240x128xf32, #tpu.memory_space<vmem_shared>>
        tpu.enqueue_indirect_dma source(%arg11 : memref<128x128xf32, #tpu.memory_space<vmem>>) target(%dma_start3A_170 : memref<10240x128xf32, #tpu.memory_space<vmem_shared>>) offsets(%dma_start3A_167 : memref<128xi32, #tpu.memory_space<vmem>>) semaphore(%arg17 : memref<!tpu.dma_semaphore, #tpu.memory_space<semaphore_mem>>) {add = true}
        %dma_wait3A_171 = arith.constant 0 : i32
        %dma_wait3A_172 = tpu.memref_slice %arg9[%mul3A_136, %dma_wait3A_171] : memref<40x128xi32, #tpu.memory_space<vmem>> -> memref<1x128xi32, #tpu.memory_space<vmem>>
        %dma_wait3A_173 = tpu.memref_squeeze %dma_wait3A_172 : memref<1x128xi32, #tpu.memory_space<vmem>> -> memref<128xi32, #tpu.memory_space<vmem>>
        %dma_wait3A_174 = arith.constant 0 : i32
        %dma_wait3A_175 = arith.constant 0 : i32
        %dma_wait3A_176 = tpu.memref_slice %arg13[%dma_wait3A_174, %dma_wait3A_175] : memref<10240x128xf32, #tpu.memory_space<vmem_shared>> -> memref<10240x128xf32, #tpu.memory_space<vmem_shared>>
        tpu.wait_indirect_dma semaphore(%arg16 : memref<!tpu.dma_semaphore, #tpu.memory_space<semaphore_mem>>) src(%arg10 : memref<128x128xf32, #tpu.memory_space<vmem>>) dst(%dma_wait3A_176 : memref<10240x128xf32, #tpu.memory_space<vmem_shared>>)
        %add3A_177 = arith.constant 2 : i32
        %add3A_178 = arith.addi %mul3A_136, %add3A_177 : i32
        %dma_start3A_179 = arith.constant 0 : i32
        %dma_start3A_180 = tpu.memref_slice %arg8[%add3A_178, %dma_start3A_179] : memref<40x128xi32, #tpu.memory_space<vmem>> -> memref<1x128xi32, #tpu.memory_space<vmem>>
        %dma_start3A_181 = tpu.memref_squeeze %dma_start3A_180 : memref<1x128xi32, #tpu.memory_space<vmem>> -> memref<128xi32, #tpu.memory_space<vmem>>
        %dma_start3A_182 = arith.constant 0 : i32
        %dma_start3A_183 = arith.constant 0 : i32
        %dma_start3A_184 = tpu.memref_slice %arg2[%arg0, %dma_start3A_182, %dma_start3A_183] : memref<2x10000x128xf32, #tpu.memory_space<hbm>> -> memref<1x10000x128xf32, #tpu.memory_space<hbm>>
        %dma_start3A_185 = tpu.memref_squeeze %dma_start3A_184 : memref<1x10000x128xf32, #tpu.memory_space<hbm>> -> memref<10000x128xf32, #tpu.memory_space<hbm>>
        %dma_start3A_186 = arith.constant 0 : i32
        %dma_start3A_187 = arith.constant 0 : i32
        %dma_start3A_188 = tpu.memref_slice %dma_start3A_185[%dma_start3A_186, %dma_start3A_187] : memref<10000x128xf32, #tpu.memory_space<hbm>> -> memref<10000x128xf32, #tpu.memory_space<hbm>>
        tpu.enqueue_indirect_dma source(%dma_start3A_188 : memref<10000x128xf32, #tpu.memory_space<hbm>>) target(%arg10 : memref<128x128xf32, #tpu.memory_space<vmem>>) offsets(%dma_start3A_181 : memref<128xi32, #tpu.memory_space<vmem>>) semaphore(%arg14 : memref<!tpu.dma_semaphore, #tpu.memory_space<semaphore_mem>>)
        %dma_wait3A_189 = arith.constant 0 : i32
        %dma_wait3A_190 = tpu.memref_slice %arg9[%add3A_138, %dma_wait3A_189] : memref<40x128xi32, #tpu.memory_space<vmem>> -> memref<1x128xi32, #tpu.memory_space<vmem>>
        %dma_wait3A_191 = tpu.memref_squeeze %dma_wait3A_190 : memref<1x128xi32, #tpu.memory_space<vmem>> -> memref<128xi32, #tpu.memory_space<vmem>>
        %dma_wait3A_192 = arith.constant 0 : i32
        %dma_wait3A_193 = arith.constant 0 : i32
        %dma_wait3A_194 = tpu.memref_slice %arg13[%dma_wait3A_192, %dma_wait3A_193] : memref<10240x128xf32, #tpu.memory_space<vmem_shared>> -> memref<10240x128xf32, #tpu.memory_space<vmem_shared>>
        tpu.wait_indirect_dma semaphore(%arg17 : memref<!tpu.dma_semaphore, #tpu.memory_space<semaphore_mem>>) src(%arg11 : memref<128x128xf32, #tpu.memory_space<vmem>>) dst(%dma_wait3A_194 : memref<10240x128xf32, #tpu.memory_space<vmem_shared>>)
        %add3A_195 = arith.constant 2 : i32
        %add3A_196 = arith.addi %add3A_138, %add3A_195 : i32
        %dma_start3A_197 = arith.constant 0 : i32
        %dma_start3A_198 = tpu.memref_slice %arg8[%add3A_196, %dma_start3A_197] : memref<40x128xi32, #tpu.memory_space<vmem>> -> memref<1x128xi32, #tpu.memory_space<vmem>>
        %dma_start3A_199 = tpu.memref_squeeze %dma_start3A_198 : memref<1x128xi32, #tpu.memory_space<vmem>> -> memref<128xi32, #tpu.memory_space<vmem>>
        %dma_start3A_200 = arith.constant 0 : i32
        %dma_start3A_201 = arith.constant 0 : i32
        %dma_start3A_202 = tpu.memref_slice %arg2[%arg0, %dma_start3A_200, %dma_start3A_201] : memref<2x10000x128xf32, #tpu.memory_space<hbm>> -> memref<1x10000x128xf32, #tpu.memory_space<hbm>>
        %dma_start3A_203 = tpu.memref_squeeze %dma_start3A_202 : memref<1x10000x128xf32, #tpu.memory_space<hbm>> -> memref<10000x128xf32, #tpu.memory_space<hbm>>
        %dma_start3A_204 = arith.constant 0 : i32
        %dma_start3A_205 = arith.constant 0 : i32
        %dma_start3A_206 = tpu.memref_slice %dma_start3A_203[%dma_start3A_204, %dma_start3A_205] : memref<10000x128xf32, #tpu.memory_space<hbm>> -> memref<10000x128xf32, #tpu.memory_space<hbm>>
        tpu.enqueue_indirect_dma source(%dma_start3A_206 : memref<10000x128xf32, #tpu.memory_space<hbm>>) target(%arg11 : memref<128x128xf32, #tpu.memory_space<vmem>>) offsets(%dma_start3A_199 : memref<128xi32, #tpu.memory_space<vmem>>) semaphore(%arg15 : memref<!tpu.dma_semaphore, #tpu.memory_space<semaphore_mem>>)
      }
      %scan3A_79 = arith.constant 19 : i32
      %dma_wait3A_80 = arith.constant 38 : i32
      %dma_wait3A_81 = arith.constant 0 : i32
      %dma_wait3A_82 = tpu.memref_slice %arg8[%dma_wait3A_80, %dma_wait3A_81] : memref<40x128xi32, #tpu.memory_space<vmem>> -> memref<1x128xi32, #tpu.memory_space<vmem>>
      %dma_wait3A_83 = tpu.memref_squeeze %dma_wait3A_82 : memref<1x128xi32, #tpu.memory_space<vmem>> -> memref<128xi32, #tpu.memory_space<vmem>>
      %dma_wait3A_84 = arith.constant 0 : i32
      %dma_wait3A_85 = arith.constant 0 : i32
      %dma_wait3A_86 = tpu.memref_slice %arg2[%arg0, %dma_wait3A_84, %dma_wait3A_85] : memref<2x10000x128xf32, #tpu.memory_space<hbm>> -> memref<1x10000x128xf32, #tpu.memory_space<hbm>>
      %dma_wait3A_87 = tpu.memref_squeeze %dma_wait3A_86 : memref<1x10000x128xf32, #tpu.memory_space<hbm>> -> memref<10000x128xf32, #tpu.memory_space<hbm>>
      %dma_wait3A_88 = arith.constant 0 : i32
      %dma_wait3A_89 = arith.constant 0 : i32
      %dma_wait3A_90 = tpu.memref_slice %dma_wait3A_87[%dma_wait3A_88, %dma_wait3A_89] : memref<10000x128xf32, #tpu.memory_space<hbm>> -> memref<10000x128xf32, #tpu.memory_space<hbm>>
      tpu.wait_indirect_dma semaphore(%arg14 : memref<!tpu.dma_semaphore, #tpu.memory_space<semaphore_mem>>) src(%dma_wait3A_90 : memref<10000x128xf32, #tpu.memory_space<hbm>>) dst(%arg10 : memref<128x128xf32, #tpu.memory_space<vmem>>)
      %dma_start3A_91 = arith.constant 38 : i32
      %dma_start3A_92 = arith.constant 0 : i32
      %dma_start3A_93 = tpu.memref_slice %arg9[%dma_start3A_91, %dma_start3A_92] : memref<40x128xi32, #tpu.memory_space<vmem>> -> memref<1x128xi32, #tpu.memory_space<vmem>>
      %dma_start3A_94 = tpu.memref_squeeze %dma_start3A_93 : memref<1x128xi32, #tpu.memory_space<vmem>> -> memref<128xi32, #tpu.memory_space<vmem>>
      %dma_start3A_95 = arith.constant 0 : i32
      %dma_start3A_96 = arith.constant 0 : i32
      %dma_start3A_97 = tpu.memref_slice %arg13[%dma_start3A_95, %dma_start3A_96] : memref<10240x128xf32, #tpu.memory_space<vmem_shared>> -> memref<10240x128xf32, #tpu.memory_space<vmem_shared>>
      tpu.enqueue_indirect_dma source(%arg10 : memref<128x128xf32, #tpu.memory_space<vmem>>) target(%dma_start3A_97 : memref<10240x128xf32, #tpu.memory_space<vmem_shared>>) offsets(%dma_start3A_94 : memref<128xi32, #tpu.memory_space<vmem>>) semaphore(%arg16 : memref<!tpu.dma_semaphore, #tpu.memory_space<semaphore_mem>>) {add = true}
      %dma_wait3A_98 = arith.constant 39 : i32
      %dma_wait3A_99 = arith.constant 0 : i32
      %dma_wait3A_100 = tpu.memref_slice %arg8[%dma_wait3A_98, %dma_wait3A_99] : memref<40x128xi32, #tpu.memory_space<vmem>> -> memref<1x128xi32, #tpu.memory_space<vmem>>
      %dma_wait3A_101 = tpu.memref_squeeze %dma_wait3A_100 : memref<1x128xi32, #tpu.memory_space<vmem>> -> memref<128xi32, #tpu.memory_space<vmem>>
      %dma_wait3A_102 = arith.constant 0 : i32
      %dma_wait3A_103 = arith.constant 0 : i32
      %dma_wait3A_104 = tpu.memref_slice %arg2[%arg0, %dma_wait3A_102, %dma_wait3A_103] : memref<2x10000x128xf32, #tpu.memory_space<hbm>> -> memref<1x10000x128xf32, #tpu.memory_space<hbm>>
      %dma_wait3A_105 = tpu.memref_squeeze %dma_wait3A_104 : memref<1x10000x128xf32, #tpu.memory_space<hbm>> -> memref<10000x128xf32, #tpu.memory_space<hbm>>
      %dma_wait3A_106 = arith.constant 0 : i32
      %dma_wait3A_107 = arith.constant 0 : i32
      %dma_wait3A_108 = tpu.memref_slice %dma_wait3A_105[%dma_wait3A_106, %dma_wait3A_107] : memref<10000x128xf32, #tpu.memory_space<hbm>> -> memref<10000x128xf32, #tpu.memory_space<hbm>>
      tpu.wait_indirect_dma semaphore(%arg15 : memref<!tpu.dma_semaphore, #tpu.memory_space<semaphore_mem>>) src(%dma_wait3A_108 : memref<10000x128xf32, #tpu.memory_space<hbm>>) dst(%arg11 : memref<128x128xf32, #tpu.memory_space<vmem>>)
      %dma_start3A_109 = arith.constant 39 : i32
      %dma_start3A_110 = arith.constant 0 : i32
      %dma_start3A_111 = tpu.memref_slice %arg9[%dma_start3A_109, %dma_start3A_110] : memref<40x128xi32, #tpu.memory_space<vmem>> -> memref<1x128xi32, #tpu.memory_space<vmem>>
      %dma_start3A_112 = tpu.memref_squeeze %dma_start3A_111 : memref<1x128xi32, #tpu.memory_space<vmem>> -> memref<128xi32, #tpu.memory_space<vmem>>
      %dma_start3A_113 = arith.constant 0 : i32
      %dma_start3A_114 = arith.constant 0 : i32
      %dma_start3A_115 = tpu.memref_slice %arg13[%dma_start3A_113, %dma_start3A_114] : memref<10240x128xf32, #tpu.memory_space<vmem_shared>> -> memref<10240x128xf32, #tpu.memory_space<vmem_shared>>
      tpu.enqueue_indirect_dma source(%arg11 : memref<128x128xf32, #tpu.memory_space<vmem>>) target(%dma_start3A_115 : memref<10240x128xf32, #tpu.memory_space<vmem_shared>>) offsets(%dma_start3A_112 : memref<128xi32, #tpu.memory_space<vmem>>) semaphore(%arg17 : memref<!tpu.dma_semaphore, #tpu.memory_space<semaphore_mem>>) {add = true}
      %dma_wait3A_116 = arith.constant 38 : i32
      %dma_wait3A_117 = arith.constant 0 : i32
      %dma_wait3A_118 = tpu.memref_slice %arg9[%dma_wait3A_116, %dma_wait3A_117] : memref<40x128xi32, #tpu.memory_space<vmem>> -> memref<1x128xi32, #tpu.memory_space<vmem>>
      %dma_wait3A_119 = tpu.memref_squeeze %dma_wait3A_118 : memref<1x128xi32, #tpu.memory_space<vmem>> -> memref<128xi32, #tpu.memory_space<vmem>>
      %dma_wait3A_120 = arith.constant 0 : i32
      %dma_wait3A_121 = arith.constant 0 : i32
      %dma_wait3A_122 = tpu.memref_slice %arg13[%dma_wait3A_120, %dma_wait3A_121] : memref<10240x128xf32, #tpu.memory_space<vmem_shared>> -> memref<10240x128xf32, #tpu.memory_space<vmem_shared>>
      tpu.wait_indirect_dma semaphore(%arg16 : memref<!tpu.dma_semaphore, #tpu.memory_space<semaphore_mem>>) src(%arg10 : memref<128x128xf32, #tpu.memory_space<vmem>>) dst(%dma_wait3A_122 : memref<10240x128xf32, #tpu.memory_space<vmem_shared>>)
      %dma_wait3A_123 = arith.constant 39 : i32
      %dma_wait3A_124 = arith.constant 0 : i32
      %dma_wait3A_125 = tpu.memref_slice %arg9[%dma_wait3A_123, %dma_wait3A_124] : memref<40x128xi32, #tpu.memory_space<vmem>> -> memref<1x128xi32, #tpu.memory_space<vmem>>
      %dma_wait3A_126 = tpu.memref_squeeze %dma_wait3A_125 : memref<1x128xi32, #tpu.memory_space<vmem>> -> memref<128xi32, #tpu.memory_space<vmem>>
      %dma_wait3A_127 = arith.constant 0 : i32
      %dma_wait3A_128 = arith.constant 0 : i32
      %dma_wait3A_129 = tpu.memref_slice %arg13[%dma_wait3A_127, %dma_wait3A_128] : memref<10240x128xf32, #tpu.memory_space<vmem_shared>> -> memref<10240x128xf32, #tpu.memory_space<vmem_shared>>
      tpu.wait_indirect_dma semaphore(%arg17 : memref<!tpu.dma_semaphore, #tpu.memory_space<semaphore_mem>>) src(%arg11 : memref<128x128xf32, #tpu.memory_space<vmem>>) dst(%dma_wait3A_129 : memref<10240x128xf32, #tpu.memory_space<vmem_shared>>)
    }
    %scan3A_26 = arith.constant 4 : i32
    %barrier3A_27 = arith.constant 0 : index
    tpu.barrier barrier_id(%barrier3A_27)
    %mul3A_28 = arith.constant 640 : i32
    %mul3A_29 = arith.muli %arg1, %mul3A_28 : i32
    %mul3A_30 = arith.constant 640 : i32
    %mul3A_31 = arith.muli %arg1, %mul3A_30 : i32
    "tpu.region"() ({
      %run_scoped3A = tpu.sem_alloc : memref<!tpu.dma_semaphore, #tpu.memory_space<semaphore_mem>>
      %dma_start3A = arith.constant 0 : i32
      %dma_start3A_32 = tpu.memref_slice %arg7[%arg0, %mul3A_31, %dma_start3A] : memref<2x10240x128xf32, #tpu.memory_space<hbm>> -> memref<1x640x128xf32, #tpu.memory_space<hbm>>
      %dma_start3A_33 = tpu.memref_squeeze %dma_start3A_32 : memref<1x640x128xf32, #tpu.memory_space<hbm>> -> memref<640x128xf32, #tpu.memory_space<hbm>>
      %dma_start3A_34 = arith.constant 0 : i32
      %dma_start3A_35 = tpu.memref_slice %arg13[%mul3A_29, %dma_start3A_34] : memref<10240x128xf32, #tpu.memory_space<vmem_shared>> -> memref<640x128xf32, #tpu.memory_space<vmem_shared>>
      tpu.enqueue_dma source(%dma_start3A_35 : memref<640x128xf32, #tpu.memory_space<vmem_shared>>) target(%dma_start3A_33 : memref<640x128xf32, #tpu.memory_space<hbm>>) target_semaphore(%run_scoped3A : memref<!tpu.dma_semaphore, #tpu.memory_space<semaphore_mem>>)
      %dma_wait3A = arith.constant 0 : i32
      %dma_wait3A_36 = tpu.memref_slice %arg7[%arg0, %mul3A_31, %dma_wait3A] : memref<2x10240x128xf32, #tpu.memory_space<hbm>> -> memref<1x640x128xf32, #tpu.memory_space<hbm>>
      %dma_wait3A_37 = tpu.memref_squeeze %dma_wait3A_36 : memref<1x640x128xf32, #tpu.memory_space<hbm>> -> memref<640x128xf32, #tpu.memory_space<hbm>>
      %dma_wait3A_38 = arith.constant 0 : i32
      %dma_wait3A_39 = tpu.memref_slice %arg13[%mul3A_29, %dma_wait3A_38] : memref<10240x128xf32, #tpu.memory_space<vmem_shared>> -> memref<640x128xf32, #tpu.memory_space<vmem_shared>>
      tpu.wait_dma2 semaphore(%run_scoped3A : memref<!tpu.dma_semaphore, #tpu.memory_space<semaphore_mem>>) src(%dma_wait3A_39 : memref<640x128xf32, #tpu.memory_space<vmem_shared>>) dst(%dma_wait3A_37 : memref<640x128xf32, #tpu.memory_space<hbm>>)
      tpu.yield
    }) : () -> ()
    return
  }
}

#map = affine_map<(d0, d1) -> (0, 0)>
#map1 = affine_map<(d0, d1) -> (0, 0, 0)>
module attributes {stable_mosaic.version = 14 : i64} {
  func.func @k(%arg0: i32, %arg1: i32, %arg2: memref<10000x128xf32, #tpu.memory_space<hbm>>, %arg3: memref<2560x128xi32, #tpu.memory_space<hbm>>, %arg4: memref<2560x128xi32, #tpu.memory_space<hbm>>, %arg5: memref<2560x128xi32, #tpu.memory_space<hbm>>, %arg6: memref<2560x128xi32, #tpu.memory_space<hbm>>, %arg7: memref<2x10240x128xf32, #tpu.memory_space<hbm>>, %arg8: memref<40x128xi32, #tpu.memory_space<vmem>>, %arg9: memref<40x128xi32, #tpu.memory_space<vmem>>, %arg10: memref<128x128xf32, #tpu.memory_space<vmem>>, %arg11: memref<128x128xf32, #tpu.memory_space<vmem>>, %arg12: memref<16x128xf32, #tpu.memory_space<vmem>>, %arg13: memref<10240x128xf32, #tpu.memory_space<vmem_shared>>, %arg14: memref<!tpu.dma_semaphore, #tpu.memory_space<semaphore_mem>>, %arg15: memref<!tpu.dma_semaphore, #tpu.memory_space<semaphore_mem>>, %arg16: memref<!tpu.dma_semaphore, #tpu.memory_space<semaphore_mem>>, %arg17: memref<!tpu.dma_semaphore, #tpu.memory_space<semaphore_mem>>) attributes {dimension_semantics = [#tpu.dimension_semantics<core_parallel>, #tpu.dimension_semantics<subcore_parallel>], iteration_bounds = array<i64: 2, 16>, scalar_prefetch = 0 : i64, scratch_operands = 10 : i64, tpu.core_type = #tpu.core_type<sc_vector_subcore>, window_params = [{transform_indices = #map}, {transform_indices = #map}, {transform_indices = #map}, {transform_indices = #map}, {transform_indices = #map}, {transform_indices = #map1}]} {
    %mul3A = arith.constant 16 : i32
    %mul3A_0 = arith.muli %arg0, %mul3A : i32
    %add3A = arith.addi %mul3A_0, %arg1 : i32
    %scan3A = arith.constant 0 : i32
    %scan3A_1 = arith.constant 16 : i32
    %scan3A_2 = arith.addi %scan3A, %scan3A_1 : i32
    %scan3A_3 = arith.constant 1 : i32
    scf.for %scan3A_34 = %scan3A to %scan3A_2 step %scan3A_3  : i32 {
      %mul3A_35 = arith.constant 1 : i32
      %mul3A_36 = arith.muli %scan3A_34, %mul3A_35 : i32
      %add3A_37 = arith.constant 0 : i32
      %add3A_38 = arith.addi %add3A_37, %mul3A_36 : i32
      %scan3A_39 = arith.constant 0 : i32
      %scan3A_40 = arith.constant 8 : i32
      %scan3A_41 = arith.addi %scan3A_39, %scan3A_40 : i32
      %scan3A_42 = arith.constant 1 : i32
      scf.for %scan3A_44 = %scan3A_39 to %scan3A_41 step %scan3A_42  : i32 {
        %mul3A_45 = arith.constant 16 : i32
        %mul3A_46 = arith.muli %scan3A_44, %mul3A_45 : i32
        %add3A_47 = arith.constant 0 : i32
        %add3A_48 = arith.addi %add3A_47, %mul3A_46 : i32
        %broadcast_in_dim3A = arith.constant 0.000000e+00 : f32
        %broadcast_in_dim3A_49 = vector.broadcast %broadcast_in_dim3A : f32 to vector<16xf32>
        %swap3A = arith.index_cast %add3A_38 : i32 to index
        %swap3A_50 = arith.index_cast %add3A_48 : i32 to index
        %swap3A_51 = tpu.vector_load %arg12[%swap3A, %swap3A_50] {strides = array<i32>} : memref<16x128xf32, #tpu.memory_space<vmem>>, vector<1x16xf32>,
        %swap3A_52 = vector.shape_cast %swap3A_51 : vector<1x16xf32> to vector<16xf32>
        %swap3A_53 = vector.shape_cast %broadcast_in_dim3A_49 : vector<16xf32> to vector<1x16xf32>
        tpu.vector_store %arg12[%swap3A, %swap3A_50], %swap3A_53 {strides = array<i32>} : memref<16x128xf32, #tpu.memory_space<vmem>>, vector<1x16xf32>,
      }
      %scan3A_43 = arith.constant 8 : i32
    }
    %scan3A_4 = arith.constant 16 : i32
    %scan3A_5 = arith.constant 0 : i32
    %scan3A_6 = arith.constant 40 : i32
    %scan3A_7 = arith.addi %scan3A_5, %scan3A_6 : i32
    %scan3A_8 = arith.constant 1 : i32
    scf.for %scan3A_34 = %scan3A_5 to %scan3A_7 step %scan3A_8  : i32 {
      %mul3A_35 = arith.constant 16 : i32
      %mul3A_36 = arith.muli %scan3A_34, %mul3A_35 : i32
      %add3A_37 = arith.constant 0 : i32
      %add3A_38 = arith.addi %add3A_37, %mul3A_36 : i32
      %mul3A_39 = arith.constant 640 : i32
      %mul3A_40 = arith.muli %arg1, %mul3A_39 : i32
      %add3A_41 = arith.addi %mul3A_40, %add3A_38 : i32
      %dma_start3A = arith.constant 0 : i32
      %dma_start3A_42 = tpu.memref_slice %arg13[%add3A_41, %dma_start3A] : memref<10240x128xf32, #tpu.memory_space<vmem_shared>> -> memref<16x128xf32, #tpu.memory_space<vmem_shared>>
      %dma_start3A_43 = arith.constant 0 : i32
      %dma_start3A_44 = tpu.memref_slice %arg13[%add3A_41, %dma_start3A_43] : memref<10240x128xf32, #tpu.memory_space<vmem_shared>> -> memref<16x128xf32, #tpu.memory_space<vmem_shared>>
      tpu.enqueue_dma source(%arg12 : memref<16x128xf32, #tpu.memory_space<vmem>>) target(%dma_start3A_44 : memref<16x128xf32, #tpu.memory_space<vmem_shared>>) target_semaphore(%arg14 : memref<!tpu.dma_semaphore, #tpu.memory_space<semaphore_mem>>)
    }
    %scan3A_9 = arith.constant 40 : i32
    %scan3A_10 = arith.constant 0 : i32
    %scan3A_11 = arith.constant 40 : i32
    %scan3A_12 = arith.addi %scan3A_10, %scan3A_11 : i32
    %scan3A_13 = arith.constant 1 : i32
    scf.for %scan3A_34 = %scan3A_10 to %scan3A_12 step %scan3A_13  : i32 {
      %mul3A_35 = arith.constant 16 : i32
      %mul3A_36 = arith.muli %scan3A_34, %mul3A_35 : i32
      %add3A_37 = arith.constant 0 : i32
      %add3A_38 = arith.addi %add3A_37, %mul3A_36 : i32
      %mul3A_39 = arith.constant 640 : i32
      %mul3A_40 = arith.muli %arg1, %mul3A_39 : i32
      %add3A_41 = arith.addi %mul3A_40, %add3A_38 : i32
      %dma_wait3A = arith.constant 0 : i32
      %dma_wait3A_42 = tpu.memref_slice %arg13[%add3A_41, %dma_wait3A] : memref<10240x128xf32, #tpu.memory_space<vmem_shared>> -> memref<16x128xf32, #tpu.memory_space<vmem_shared>>
      %dma_wait3A_43 = arith.constant 0 : i32
      %dma_wait3A_44 = tpu.memref_slice %arg13[%add3A_41, %dma_wait3A_43] : memref<10240x128xf32, #tpu.memory_space<vmem_shared>> -> memref<16x128xf32, #tpu.memory_space<vmem_shared>>
      tpu.wait_dma2 semaphore(%arg14 : memref<!tpu.dma_semaphore, #tpu.memory_space<semaphore_mem>>) src(%arg12 : memref<16x128xf32, #tpu.memory_space<vmem>>) dst(%dma_wait3A_44 : memref<16x128xf32, #tpu.memory_space<vmem_shared>>)
    }
    %scan3A_14 = arith.constant 40 : i32
    %barrier3A = arith.constant 0 : index
    tpu.barrier barrier_id(%barrier3A)
    %mul3A_15 = arith.constant 80 : i32
    %mul3A_16 = arith.muli %add3A, %mul3A_15 : i32
    %scan3A_17 = arith.constant 0 : i32
    %scan3A_18 = arith.constant 2 : i32
    %scan3A_19 = arith.addi %scan3A_17, %scan3A_18 : i32
    %scan3A_20 = arith.constant 1 : i32
    scf.for %scan3A_34 = %scan3A_17 to %scan3A_19 step %scan3A_20  : i32 {
      %mul3A_35 = arith.constant 1 : i32
      %mul3A_36 = arith.muli %scan3A_34, %mul3A_35 : i32
      %add3A_37 = arith.constant 0 : i32
      %add3A_38 = arith.addi %add3A_37, %mul3A_36 : i32
      %mul3A_39 = arith.constant 40 : i32
      %mul3A_40 = arith.muli %add3A_38, %mul3A_39 : i32
      %add3A_41 = arith.addi %mul3A_16, %mul3A_40 : i32
      %dma_start3A = arith.constant 0 : i32
      %dma_start3A_42 = tpu.memref_slice %arg3[%add3A_41, %dma_start3A] : memref<2560x128xi32, #tpu.memory_space<hbm>> -> memref<40x128xi32, #tpu.memory_space<hbm>>
      %dma_start3A_43 = arith.constant 0 : i32
      %dma_start3A_44 = tpu.memref_slice %arg3[%add3A_41, %dma_start3A_43] : memref<2560x128xi32, #tpu.memory_space<hbm>> -> memref<40x128xi32, #tpu.memory_space<hbm>>
      tpu.enqueue_dma source(%dma_start3A_44 : memref<40x128xi32, #tpu.memory_space<hbm>>) target(%arg8 : memref<40x128xi32, #tpu.memory_space<vmem>>) target_semaphore(%arg14 : memref<!tpu.dma_semaphore, #tpu.memory_space<semaphore_mem>>)
      %dma_start3A_45 = arith.constant 0 : i32
      %dma_start3A_46 = tpu.memref_slice %arg6[%add3A_41, %dma_start3A_45] : memref<2560x128xi32, #tpu.memory_space<hbm>> -> memref<40x128xi32, #tpu.memory_space<hbm>>
      %dma_start3A_47 = arith.constant 0 : i32
      %dma_start3A_48 = tpu.memref_slice %arg6[%add3A_41, %dma_start3A_47] : memref<2560x128xi32, #tpu.memory_space<hbm>> -> memref<40x128xi32, #tpu.memory_space<hbm>>
      tpu.enqueue_dma source(%dma_start3A_48 : memref<40x128xi32, #tpu.memory_space<hbm>>) target(%arg9 : memref<40x128xi32, #tpu.memory_space<vmem>>) target_semaphore(%arg15 : memref<!tpu.dma_semaphore, #tpu.memory_space<semaphore_mem>>)
      %dma_wait3A = arith.constant 0 : i32
      %dma_wait3A_49 = tpu.memref_slice %arg3[%add3A_41, %dma_wait3A] : memref<2560x128xi32, #tpu.memory_space<hbm>> -> memref<40x128xi32, #tpu.memory_space<hbm>>
      %dma_wait3A_50 = arith.constant 0 : i32
      %dma_wait3A_51 = tpu.memref_slice %arg3[%add3A_41, %dma_wait3A_50] : memref<2560x128xi32, #tpu.memory_space<hbm>> -> memref<40x128xi32, #tpu.memory_space<hbm>>
      tpu.wait_dma2 semaphore(%arg14 : memref<!tpu.dma_semaphore, #tpu.memory_space<semaphore_mem>>) src(%dma_wait3A_51 : memref<40x128xi32, #tpu.memory_space<hbm>>) dst(%arg8 : memref<40x128xi32, #tpu.memory_space<vmem>>)
      %dma_wait3A_52 = arith.constant 0 : i32
      %dma_wait3A_53 = tpu.memref_slice %arg6[%add3A_41, %dma_wait3A_52] : memref<2560x128xi32, #tpu.memory_space<hbm>> -> memref<40x128xi32, #tpu.memory_space<hbm>>
      %dma_wait3A_54 = arith.constant 0 : i32
      %dma_wait3A_55 = tpu.memref_slice %arg6[%add3A_41, %dma_wait3A_54] : memref<2560x128xi32, #tpu.memory_space<hbm>> -> memref<40x128xi32, #tpu.memory_space<hbm>>
      tpu.wait_dma2 semaphore(%arg15 : memref<!tpu.dma_semaphore, #tpu.memory_space<semaphore_mem>>) src(%dma_wait3A_55 : memref<40x128xi32, #tpu.memory_space<hbm>>) dst(%arg9 : memref<40x128xi32, #tpu.memory_space<vmem>>)
      %dma_start3A_56 = arith.constant 0 : i32
      %dma_start3A_57 = arith.constant 0 : i32
      %dma_start3A_58 = tpu.memref_slice %arg8[%dma_start3A_56, %dma_start3A_57] : memref<40x128xi32, #tpu.memory_space<vmem>> -> memref<1x128xi32, #tpu.memory_space<vmem>>
      %dma_start3A_59 = tpu.memref_squeeze %dma_start3A_58 : memref<1x128xi32, #tpu.memory_space<vmem>> -> memref<128xi32, #tpu.memory_space<vmem>>
      %dma_start3A_60 = arith.constant 0 : i32
      %dma_start3A_61 = arith.constant 0 : i32
      %dma_start3A_62 = tpu.memref_slice %arg2[%dma_start3A_60, %dma_start3A_61] : memref<10000x128xf32, #tpu.memory_space<hbm>> -> memref<10000x128xf32, #tpu.memory_space<hbm>>
      tpu.enqueue_indirect_dma source(%dma_start3A_62 : memref<10000x128xf32, #tpu.memory_space<hbm>>) target(%arg10 : memref<128x128xf32, #tpu.memory_space<vmem>>) offsets(%dma_start3A_59 : memref<128xi32, #tpu.memory_space<vmem>>) semaphore(%arg14 : memref<!tpu.dma_semaphore, #tpu.memory_space<semaphore_mem>>)
      %dma_start3A_63 = arith.constant 1 : i32
      %dma_start3A_64 = arith.constant 0 : i32
      %dma_start3A_65 = tpu.memref_slice %arg8[%dma_start3A_63, %dma_start3A_64] : memref<40x128xi32, #tpu.memory_space<vmem>> -> memref<1x128xi32, #tpu.memory_space<vmem>>
      %dma_start3A_66 = tpu.memref_squeeze %dma_start3A_65 : memref<1x128xi32, #tpu.memory_space<vmem>> -> memref<128xi32, #tpu.memory_space<vmem>>
      %dma_start3A_67 = arith.constant 0 : i32
      %dma_start3A_68 = arith.constant 0 : i32
      %dma_start3A_69 = tpu.memref_slice %arg2[%dma_start3A_67, %dma_start3A_68] : memref<10000x128xf32, #tpu.memory_space<hbm>> -> memref<10000x128xf32, #tpu.memory_space<hbm>>
      tpu.enqueue_indirect_dma source(%dma_start3A_69 : memref<10000x128xf32, #tpu.memory_space<hbm>>) target(%arg11 : memref<128x128xf32, #tpu.memory_space<vmem>>) offsets(%dma_start3A_66 : memref<128xi32, #tpu.memory_space<vmem>>) semaphore(%arg15 : memref<!tpu.dma_semaphore, #tpu.memory_space<semaphore_mem>>)
      %scan3A_70 = arith.constant 0 : i32
      %scan3A_71 = arith.constant 19 : i32
      %scan3A_72 = arith.addi %scan3A_70, %scan3A_71 : i32
      %scan3A_73 = arith.constant 1 : i32
      scf.for %scan3A_117 = %scan3A_70 to %scan3A_72 step %scan3A_73  : i32 {
        %mul3A_118 = arith.constant 1 : i32
        %mul3A_119 = arith.muli %scan3A_117, %mul3A_118 : i32
        %add3A_120 = arith.constant 0 : i32
        %add3A_121 = arith.addi %add3A_120, %mul3A_119 : i32
        %mul3A_122 = arith.constant 2 : i32
        %mul3A_123 = arith.muli %mul3A_122, %add3A_121 : i32
        %add3A_124 = arith.constant 1 : i32
        %add3A_125 = arith.addi %mul3A_123, %add3A_124 : i32
        %dma_wait3A_126 = arith.constant 0 : i32
        %dma_wait3A_127 = tpu.memref_slice %arg8[%mul3A_123, %dma_wait3A_126] : memref<40x128xi32, #tpu.memory_space<vmem>> -> memref<1x128xi32, #tpu.memory_space<vmem>>
        %dma_wait3A_128 = tpu.memref_squeeze %dma_wait3A_127 : memref<1x128xi32, #tpu.memory_space<vmem>> -> memref<128xi32, #tpu.memory_space<vmem>>
        %dma_wait3A_129 = arith.constant 0 : i32
        %dma_wait3A_130 = arith.constant 0 : i32
        %dma_wait3A_131 = tpu.memref_slice %arg2[%dma_wait3A_129, %dma_wait3A_130] : memref<10000x128xf32, #tpu.memory_space<hbm>> -> memref<10000x128xf32, #tpu.memory_space<hbm>>
        tpu.wait_indirect_dma semaphore(%arg14 : memref<!tpu.dma_semaphore, #tpu.memory_space<semaphore_mem>>) src(%dma_wait3A_131 : memref<10000x128xf32, #tpu.memory_space<hbm>>) dst(%arg10 : memref<128x128xf32, #tpu.memory_space<vmem>>)
        %dma_start3A_132 = arith.constant 0 : i32
        %dma_start3A_133 = tpu.memref_slice %arg9[%mul3A_123, %dma_start3A_132] : memref<40x128xi32, #tpu.memory_space<vmem>> -> memref<1x128xi32, #tpu.memory_space<vmem>>
        %dma_start3A_134 = tpu.memref_squeeze %dma_start3A_133 : memref<1x128xi32, #tpu.memory_space<vmem>> -> memref<128xi32, #tpu.memory_space<vmem>>
        %dma_start3A_135 = arith.constant 0 : i32
        %dma_start3A_136 = arith.constant 0 : i32
        %dma_start3A_137 = tpu.memref_slice %arg13[%dma_start3A_135, %dma_start3A_136] : memref<10240x128xf32, #tpu.memory_space<vmem_shared>> -> memref<10240x128xf32, #tpu.memory_space<vmem_shared>>
        tpu.enqueue_indirect_dma source(%arg10 : memref<128x128xf32, #tpu.memory_space<vmem>>) target(%dma_start3A_137 : memref<10240x128xf32, #tpu.memory_space<vmem_shared>>) offsets(%dma_start3A_134 : memref<128xi32, #tpu.memory_space<vmem>>) semaphore(%arg16 : memref<!tpu.dma_semaphore, #tpu.memory_space<semaphore_mem>>) {add = true}
        %dma_wait3A_138 = arith.constant 0 : i32
        %dma_wait3A_139 = tpu.memref_slice %arg8[%add3A_125, %dma_wait3A_138] : memref<40x128xi32, #tpu.memory_space<vmem>> -> memref<1x128xi32, #tpu.memory_space<vmem>>
        %dma_wait3A_140 = tpu.memref_squeeze %dma_wait3A_139 : memref<1x128xi32, #tpu.memory_space<vmem>> -> memref<128xi32, #tpu.memory_space<vmem>>
        %dma_wait3A_141 = arith.constant 0 : i32
        %dma_wait3A_142 = arith.constant 0 : i32
        %dma_wait3A_143 = tpu.memref_slice %arg2[%dma_wait3A_141, %dma_wait3A_142] : memref<10000x128xf32, #tpu.memory_space<hbm>> -> memref<10000x128xf32, #tpu.memory_space<hbm>>
        tpu.wait_indirect_dma semaphore(%arg15 : memref<!tpu.dma_semaphore, #tpu.memory_space<semaphore_mem>>) src(%dma_wait3A_143 : memref<10000x128xf32, #tpu.memory_space<hbm>>) dst(%arg11 : memref<128x128xf32, #tpu.memory_space<vmem>>)
        %dma_start3A_144 = arith.constant 0 : i32
        %dma_start3A_145 = tpu.memref_slice %arg9[%add3A_125, %dma_start3A_144] : memref<40x128xi32, #tpu.memory_space<vmem>> -> memref<1x128xi32, #tpu.memory_space<vmem>>
        %dma_start3A_146 = tpu.memref_squeeze %dma_start3A_145 : memref<1x128xi32, #tpu.memory_space<vmem>> -> memref<128xi32, #tpu.memory_space<vmem>>
        %dma_start3A_147 = arith.constant 0 : i32
        %dma_start3A_148 = arith.constant 0 : i32
        %dma_start3A_149 = tpu.memref_slice %arg13[%dma_start3A_147, %dma_start3A_148] : memref<10240x128xf32, #tpu.memory_space<vmem_shared>> -> memref<10240x128xf32, #tpu.memory_space<vmem_shared>>
        tpu.enqueue_indirect_dma source(%arg11 : memref<128x128xf32, #tpu.memory_space<vmem>>) target(%dma_start3A_149 : memref<10240x128xf32, #tpu.memory_space<vmem_shared>>) offsets(%dma_start3A_146 : memref<128xi32, #tpu.memory_space<vmem>>) semaphore(%arg17 : memref<!tpu.dma_semaphore, #tpu.memory_space<semaphore_mem>>) {add = true}
        %dma_wait3A_150 = arith.constant 0 : i32
        %dma_wait3A_151 = tpu.memref_slice %arg9[%mul3A_123, %dma_wait3A_150] : memref<40x128xi32, #tpu.memory_space<vmem>> -> memref<1x128xi32, #tpu.memory_space<vmem>>
        %dma_wait3A_152 = tpu.memref_squeeze %dma_wait3A_151 : memref<1x128xi32, #tpu.memory_space<vmem>> -> memref<128xi32, #tpu.memory_space<vmem>>
        %dma_wait3A_153 = arith.constant 0 : i32
        %dma_wait3A_154 = arith.constant 0 : i32
        %dma_wait3A_155 = tpu.memref_slice %arg13[%dma_wait3A_153, %dma_wait3A_154] : memref<10240x128xf32, #tpu.memory_space<vmem_shared>> -> memref<10240x128xf32, #tpu.memory_space<vmem_shared>>
        tpu.wait_indirect_dma semaphore(%arg16 : memref<!tpu.dma_semaphore, #tpu.memory_space<semaphore_mem>>) src(%arg10 : memref<128x128xf32, #tpu.memory_space<vmem>>) dst(%dma_wait3A_155 : memref<10240x128xf32, #tpu.memory_space<vmem_shared>>)
        %add3A_156 = arith.constant 2 : i32
        %add3A_157 = arith.addi %mul3A_123, %add3A_156 : i32
        %dma_start3A_158 = arith.constant 0 : i32
        %dma_start3A_159 = tpu.memref_slice %arg8[%add3A_157, %dma_start3A_158] : memref<40x128xi32, #tpu.memory_space<vmem>> -> memref<1x128xi32, #tpu.memory_space<vmem>>
        %dma_start3A_160 = tpu.memref_squeeze %dma_start3A_159 : memref<1x128xi32, #tpu.memory_space<vmem>> -> memref<128xi32, #tpu.memory_space<vmem>>
        %dma_start3A_161 = arith.constant 0 : i32
        %dma_start3A_162 = arith.constant 0 : i32
        %dma_start3A_163 = tpu.memref_slice %arg2[%dma_start3A_161, %dma_start3A_162] : memref<10000x128xf32, #tpu.memory_space<hbm>> -> memref<10000x128xf32, #tpu.memory_space<hbm>>
        tpu.enqueue_indirect_dma source(%dma_start3A_163 : memref<10000x128xf32, #tpu.memory_space<hbm>>) target(%arg10 : memref<128x128xf32, #tpu.memory_space<vmem>>) offsets(%dma_start3A_160 : memref<128xi32, #tpu.memory_space<vmem>>) semaphore(%arg14 : memref<!tpu.dma_semaphore, #tpu.memory_space<semaphore_mem>>)
        %dma_wait3A_164 = arith.constant 0 : i32
        %dma_wait3A_165 = tpu.memref_slice %arg9[%add3A_125, %dma_wait3A_164] : memref<40x128xi32, #tpu.memory_space<vmem>> -> memref<1x128xi32, #tpu.memory_space<vmem>>
        %dma_wait3A_166 = tpu.memref_squeeze %dma_wait3A_165 : memref<1x128xi32, #tpu.memory_space<vmem>> -> memref<128xi32, #tpu.memory_space<vmem>>
        %dma_wait3A_167 = arith.constant 0 : i32
        %dma_wait3A_168 = arith.constant 0 : i32
        %dma_wait3A_169 = tpu.memref_slice %arg13[%dma_wait3A_167, %dma_wait3A_168] : memref<10240x128xf32, #tpu.memory_space<vmem_shared>> -> memref<10240x128xf32, #tpu.memory_space<vmem_shared>>
        tpu.wait_indirect_dma semaphore(%arg17 : memref<!tpu.dma_semaphore, #tpu.memory_space<semaphore_mem>>) src(%arg11 : memref<128x128xf32, #tpu.memory_space<vmem>>) dst(%dma_wait3A_169 : memref<10240x128xf32, #tpu.memory_space<vmem_shared>>)
        %add3A_170 = arith.constant 2 : i32
        %add3A_171 = arith.addi %add3A_125, %add3A_170 : i32
        %dma_start3A_172 = arith.constant 0 : i32
        %dma_start3A_173 = tpu.memref_slice %arg8[%add3A_171, %dma_start3A_172] : memref<40x128xi32, #tpu.memory_space<vmem>> -> memref<1x128xi32, #tpu.memory_space<vmem>>
        %dma_start3A_174 = tpu.memref_squeeze %dma_start3A_173 : memref<1x128xi32, #tpu.memory_space<vmem>> -> memref<128xi32, #tpu.memory_space<vmem>>
        %dma_start3A_175 = arith.constant 0 : i32
        %dma_start3A_176 = arith.constant 0 : i32
        %dma_start3A_177 = tpu.memref_slice %arg2[%dma_start3A_175, %dma_start3A_176] : memref<10000x128xf32, #tpu.memory_space<hbm>> -> memref<10000x128xf32, #tpu.memory_space<hbm>>
        tpu.enqueue_indirect_dma source(%dma_start3A_177 : memref<10000x128xf32, #tpu.memory_space<hbm>>) target(%arg11 : memref<128x128xf32, #tpu.memory_space<vmem>>) offsets(%dma_start3A_174 : memref<128xi32, #tpu.memory_space<vmem>>) semaphore(%arg15 : memref<!tpu.dma_semaphore, #tpu.memory_space<semaphore_mem>>)
      }
      %scan3A_74 = arith.constant 19 : i32
      %dma_wait3A_75 = arith.constant 38 : i32
      %dma_wait3A_76 = arith.constant 0 : i32
      %dma_wait3A_77 = tpu.memref_slice %arg8[%dma_wait3A_75, %dma_wait3A_76] : memref<40x128xi32, #tpu.memory_space<vmem>> -> memref<1x128xi32, #tpu.memory_space<vmem>>
      %dma_wait3A_78 = tpu.memref_squeeze %dma_wait3A_77 : memref<1x128xi32, #tpu.memory_space<vmem>> -> memref<128xi32, #tpu.memory_space<vmem>>
      %dma_wait3A_79 = arith.constant 0 : i32
      %dma_wait3A_80 = arith.constant 0 : i32
      %dma_wait3A_81 = tpu.memref_slice %arg2[%dma_wait3A_79, %dma_wait3A_80] : memref<10000x128xf32, #tpu.memory_space<hbm>> -> memref<10000x128xf32, #tpu.memory_space<hbm>>
      tpu.wait_indirect_dma semaphore(%arg14 : memref<!tpu.dma_semaphore, #tpu.memory_space<semaphore_mem>>) src(%dma_wait3A_81 : memref<10000x128xf32, #tpu.memory_space<hbm>>) dst(%arg10 : memref<128x128xf32, #tpu.memory_space<vmem>>)
      %dma_start3A_82 = arith.constant 38 : i32
      %dma_start3A_83 = arith.constant 0 : i32
      %dma_start3A_84 = tpu.memref_slice %arg9[%dma_start3A_82, %dma_start3A_83] : memref<40x128xi32, #tpu.memory_space<vmem>> -> memref<1x128xi32, #tpu.memory_space<vmem>>
      %dma_start3A_85 = tpu.memref_squeeze %dma_start3A_84 : memref<1x128xi32, #tpu.memory_space<vmem>> -> memref<128xi32, #tpu.memory_space<vmem>>
      %dma_start3A_86 = arith.constant 0 : i32
      %dma_start3A_87 = arith.constant 0 : i32
      %dma_start3A_88 = tpu.memref_slice %arg13[%dma_start3A_86, %dma_start3A_87] : memref<10240x128xf32, #tpu.memory_space<vmem_shared>> -> memref<10240x128xf32, #tpu.memory_space<vmem_shared>>
      tpu.enqueue_indirect_dma source(%arg10 : memref<128x128xf32, #tpu.memory_space<vmem>>) target(%dma_start3A_88 : memref<10240x128xf32, #tpu.memory_space<vmem_shared>>) offsets(%dma_start3A_85 : memref<128xi32, #tpu.memory_space<vmem>>) semaphore(%arg16 : memref<!tpu.dma_semaphore, #tpu.memory_space<semaphore_mem>>) {add = true}
      %dma_wait3A_89 = arith.constant 39 : i32
      %dma_wait3A_90 = arith.constant 0 : i32
      %dma_wait3A_91 = tpu.memref_slice %arg8[%dma_wait3A_89, %dma_wait3A_90] : memref<40x128xi32, #tpu.memory_space<vmem>> -> memref<1x128xi32, #tpu.memory_space<vmem>>
      %dma_wait3A_92 = tpu.memref_squeeze %dma_wait3A_91 : memref<1x128xi32, #tpu.memory_space<vmem>> -> memref<128xi32, #tpu.memory_space<vmem>>
      %dma_wait3A_93 = arith.constant 0 : i32
      %dma_wait3A_94 = arith.constant 0 : i32
      %dma_wait3A_95 = tpu.memref_slice %arg2[%dma_wait3A_93, %dma_wait3A_94] : memref<10000x128xf32, #tpu.memory_space<hbm>> -> memref<10000x128xf32, #tpu.memory_space<hbm>>
      tpu.wait_indirect_dma semaphore(%arg15 : memref<!tpu.dma_semaphore, #tpu.memory_space<semaphore_mem>>) src(%dma_wait3A_95 : memref<10000x128xf32, #tpu.memory_space<hbm>>) dst(%arg11 : memref<128x128xf32, #tpu.memory_space<vmem>>)
      %dma_start3A_96 = arith.constant 39 : i32
      %dma_start3A_97 = arith.constant 0 : i32
      %dma_start3A_98 = tpu.memref_slice %arg9[%dma_start3A_96, %dma_start3A_97] : memref<40x128xi32, #tpu.memory_space<vmem>> -> memref<1x128xi32, #tpu.memory_space<vmem>>
      %dma_start3A_99 = tpu.memref_squeeze %dma_start3A_98 : memref<1x128xi32, #tpu.memory_space<vmem>> -> memref<128xi32, #tpu.memory_space<vmem>>
      %dma_start3A_100 = arith.constant 0 : i32
      %dma_start3A_101 = arith.constant 0 : i32
      %dma_start3A_102 = tpu.memref_slice %arg13[%dma_start3A_100, %dma_start3A_101] : memref<10240x128xf32, #tpu.memory_space<vmem_shared>> -> memref<10240x128xf32, #tpu.memory_space<vmem_shared>>
      tpu.enqueue_indirect_dma source(%arg11 : memref<128x128xf32, #tpu.memory_space<vmem>>) target(%dma_start3A_102 : memref<10240x128xf32, #tpu.memory_space<vmem_shared>>) offsets(%dma_start3A_99 : memref<128xi32, #tpu.memory_space<vmem>>) semaphore(%arg17 : memref<!tpu.dma_semaphore, #tpu.memory_space<semaphore_mem>>) {add = true}
      %dma_wait3A_103 = arith.constant 38 : i32
      %dma_wait3A_104 = arith.constant 0 : i32
      %dma_wait3A_105 = tpu.memref_slice %arg9[%dma_wait3A_103, %dma_wait3A_104] : memref<40x128xi32, #tpu.memory_space<vmem>> -> memref<1x128xi32, #tpu.memory_space<vmem>>
      %dma_wait3A_106 = tpu.memref_squeeze %dma_wait3A_105 : memref<1x128xi32, #tpu.memory_space<vmem>> -> memref<128xi32, #tpu.memory_space<vmem>>
      %dma_wait3A_107 = arith.constant 0 : i32
      %dma_wait3A_108 = arith.constant 0 : i32
      %dma_wait3A_109 = tpu.memref_slice %arg13[%dma_wait3A_107, %dma_wait3A_108] : memref<10240x128xf32, #tpu.memory_space<vmem_shared>> -> memref<10240x128xf32, #tpu.memory_space<vmem_shared>>
      tpu.wait_indirect_dma semaphore(%arg16 : memref<!tpu.dma_semaphore, #tpu.memory_space<semaphore_mem>>) src(%arg10 : memref<128x128xf32, #tpu.memory_space<vmem>>) dst(%dma_wait3A_109 : memref<10240x128xf32, #tpu.memory_space<vmem_shared>>)
      %dma_wait3A_110 = arith.constant 39 : i32
      %dma_wait3A_111 = arith.constant 0 : i32
      %dma_wait3A_112 = tpu.memref_slice %arg9[%dma_wait3A_110, %dma_wait3A_111] : memref<40x128xi32, #tpu.memory_space<vmem>> -> memref<1x128xi32, #tpu.memory_space<vmem>>
      %dma_wait3A_113 = tpu.memref_squeeze %dma_wait3A_112 : memref<1x128xi32, #tpu.memory_space<vmem>> -> memref<128xi32, #tpu.memory_space<vmem>>
      %dma_wait3A_114 = arith.constant 0 : i32
      %dma_wait3A_115 = arith.constant 0 : i32
      %dma_wait3A_116 = tpu.memref_slice %arg13[%dma_wait3A_114, %dma_wait3A_115] : memref<10240x128xf32, #tpu.memory_space<vmem_shared>> -> memref<10240x128xf32, #tpu.memory_space<vmem_shared>>
      tpu.wait_indirect_dma semaphore(%arg17 : memref<!tpu.dma_semaphore, #tpu.memory_space<semaphore_mem>>) src(%arg11 : memref<128x128xf32, #tpu.memory_space<vmem>>) dst(%dma_wait3A_116 : memref<10240x128xf32, #tpu.memory_space<vmem_shared>>)
    }
    %scan3A_21 = arith.constant 2 : i32
    %mul3A_22 = arith.constant 80 : i32
    %mul3A_23 = arith.muli %add3A, %mul3A_22 : i32
    %scan3A_24 = arith.constant 0 : i32
    %scan3A_25 = arith.constant 2 : i32
    %scan3A_26 = arith.addi %scan3A_24, %scan3A_25 : i32
    %scan3A_27 = arith.constant 1 : i32
    scf.for %scan3A_34 = %scan3A_24 to %scan3A_26 step %scan3A_27  : i32 {
      %mul3A_35 = arith.constant 1 : i32
      %mul3A_36 = arith.muli %scan3A_34, %mul3A_35 : i32
      %add3A_37 = arith.constant 0 : i32
      %add3A_38 = arith.addi %add3A_37, %mul3A_36 : i32
      %mul3A_39 = arith.constant 40 : i32
      %mul3A_40 = arith.muli %add3A_38, %mul3A_39 : i32
      %add3A_41 = arith.addi %mul3A_23, %mul3A_40 : i32
      %dma_start3A = arith.constant 0 : i32
      %dma_start3A_42 = tpu.memref_slice %arg4[%add3A_41, %dma_start3A] : memref<2560x128xi32, #tpu.memory_space<hbm>> -> memref<40x128xi32, #tpu.memory_space<hbm>>
      %dma_start3A_43 = arith.constant 0 : i32
      %dma_start3A_44 = tpu.memref_slice %arg4[%add3A_41, %dma_start3A_43] : memref<2560x128xi32, #tpu.memory_space<hbm>> -> memref<40x128xi32, #tpu.memory_space<hbm>>
      tpu.enqueue_dma source(%dma_start3A_44 : memref<40x128xi32, #tpu.memory_space<hbm>>) target(%arg8 : memref<40x128xi32, #tpu.memory_space<vmem>>) target_semaphore(%arg14 : memref<!tpu.dma_semaphore, #tpu.memory_space<semaphore_mem>>)
      %dma_start3A_45 = arith.constant 0 : i32
      %dma_start3A_46 = tpu.memref_slice %arg5[%add3A_41, %dma_start3A_45] : memref<2560x128xi32, #tpu.memory_space<hbm>> -> memref<40x128xi32, #tpu.memory_space<hbm>>
      %dma_start3A_47 = arith.constant 0 : i32
      %dma_start3A_48 = tpu.memref_slice %arg5[%add3A_41, %dma_start3A_47] : memref<2560x128xi32, #tpu.memory_space<hbm>> -> memref<40x128xi32, #tpu.memory_space<hbm>>
      tpu.enqueue_dma source(%dma_start3A_48 : memref<40x128xi32, #tpu.memory_space<hbm>>) target(%arg9 : memref<40x128xi32, #tpu.memory_space<vmem>>) target_semaphore(%arg15 : memref<!tpu.dma_semaphore, #tpu.memory_space<semaphore_mem>>)
      %dma_wait3A = arith.constant 0 : i32
      %dma_wait3A_49 = tpu.memref_slice %arg4[%add3A_41, %dma_wait3A] : memref<2560x128xi32, #tpu.memory_space<hbm>> -> memref<40x128xi32, #tpu.memory_space<hbm>>
      %dma_wait3A_50 = arith.constant 0 : i32
      %dma_wait3A_51 = tpu.memref_slice %arg4[%add3A_41, %dma_wait3A_50] : memref<2560x128xi32, #tpu.memory_space<hbm>> -> memref<40x128xi32, #tpu.memory_space<hbm>>
      tpu.wait_dma2 semaphore(%arg14 : memref<!tpu.dma_semaphore, #tpu.memory_space<semaphore_mem>>) src(%dma_wait3A_51 : memref<40x128xi32, #tpu.memory_space<hbm>>) dst(%arg8 : memref<40x128xi32, #tpu.memory_space<vmem>>)
      %dma_wait3A_52 = arith.constant 0 : i32
      %dma_wait3A_53 = tpu.memref_slice %arg5[%add3A_41, %dma_wait3A_52] : memref<2560x128xi32, #tpu.memory_space<hbm>> -> memref<40x128xi32, #tpu.memory_space<hbm>>
      %dma_wait3A_54 = arith.constant 0 : i32
      %dma_wait3A_55 = tpu.memref_slice %arg5[%add3A_41, %dma_wait3A_54] : memref<2560x128xi32, #tpu.memory_space<hbm>> -> memref<40x128xi32, #tpu.memory_space<hbm>>
      tpu.wait_dma2 semaphore(%arg15 : memref<!tpu.dma_semaphore, #tpu.memory_space<semaphore_mem>>) src(%dma_wait3A_55 : memref<40x128xi32, #tpu.memory_space<hbm>>) dst(%arg9 : memref<40x128xi32, #tpu.memory_space<vmem>>)
      %dma_start3A_56 = arith.constant 0 : i32
      %dma_start3A_57 = arith.constant 0 : i32
      %dma_start3A_58 = tpu.memref_slice %arg8[%dma_start3A_56, %dma_start3A_57] : memref<40x128xi32, #tpu.memory_space<vmem>> -> memref<1x128xi32, #tpu.memory_space<vmem>>
      %dma_start3A_59 = tpu.memref_squeeze %dma_start3A_58 : memref<1x128xi32, #tpu.memory_space<vmem>> -> memref<128xi32, #tpu.memory_space<vmem>>
      %dma_start3A_60 = arith.constant 0 : i32
      %dma_start3A_61 = arith.constant 0 : i32
      %dma_start3A_62 = tpu.memref_slice %arg2[%dma_start3A_60, %dma_start3A_61] : memref<10000x128xf32, #tpu.memory_space<hbm>> -> memref<10000x128xf32, #tpu.memory_space<hbm>>
      tpu.enqueue_indirect_dma source(%dma_start3A_62 : memref<10000x128xf32, #tpu.memory_space<hbm>>) target(%arg10 : memref<128x128xf32, #tpu.memory_space<vmem>>) offsets(%dma_start3A_59 : memref<128xi32, #tpu.memory_space<vmem>>) semaphore(%arg14 : memref<!tpu.dma_semaphore, #tpu.memory_space<semaphore_mem>>)
      %dma_start3A_63 = arith.constant 1 : i32
      %dma_start3A_64 = arith.constant 0 : i32
      %dma_start3A_65 = tpu.memref_slice %arg8[%dma_start3A_63, %dma_start3A_64] : memref<40x128xi32, #tpu.memory_space<vmem>> -> memref<1x128xi32, #tpu.memory_space<vmem>>
      %dma_start3A_66 = tpu.memref_squeeze %dma_start3A_65 : memref<1x128xi32, #tpu.memory_space<vmem>> -> memref<128xi32, #tpu.memory_space<vmem>>
      %dma_start3A_67 = arith.constant 0 : i32
      %dma_start3A_68 = arith.constant 0 : i32
      %dma_start3A_69 = tpu.memref_slice %arg2[%dma_start3A_67, %dma_start3A_68] : memref<10000x128xf32, #tpu.memory_space<hbm>> -> memref<10000x128xf32, #tpu.memory_space<hbm>>
      tpu.enqueue_indirect_dma source(%dma_start3A_69 : memref<10000x128xf32, #tpu.memory_space<hbm>>) target(%arg11 : memref<128x128xf32, #tpu.memory_space<vmem>>) offsets(%dma_start3A_66 : memref<128xi32, #tpu.memory_space<vmem>>) semaphore(%arg15 : memref<!tpu.dma_semaphore, #tpu.memory_space<semaphore_mem>>)
      %scan3A_70 = arith.constant 0 : i32
      %scan3A_71 = arith.constant 19 : i32
      %scan3A_72 = arith.addi %scan3A_70, %scan3A_71 : i32
      %scan3A_73 = arith.constant 1 : i32
      scf.for %scan3A_117 = %scan3A_70 to %scan3A_72 step %scan3A_73  : i32 {
        %mul3A_118 = arith.constant 1 : i32
        %mul3A_119 = arith.muli %scan3A_117, %mul3A_118 : i32
        %add3A_120 = arith.constant 0 : i32
        %add3A_121 = arith.addi %add3A_120, %mul3A_119 : i32
        %mul3A_122 = arith.constant 2 : i32
        %mul3A_123 = arith.muli %mul3A_122, %add3A_121 : i32
        %add3A_124 = arith.constant 1 : i32
        %add3A_125 = arith.addi %mul3A_123, %add3A_124 : i32
        %dma_wait3A_126 = arith.constant 0 : i32
        %dma_wait3A_127 = tpu.memref_slice %arg8[%mul3A_123, %dma_wait3A_126] : memref<40x128xi32, #tpu.memory_space<vmem>> -> memref<1x128xi32, #tpu.memory_space<vmem>>
        %dma_wait3A_128 = tpu.memref_squeeze %dma_wait3A_127 : memref<1x128xi32, #tpu.memory_space<vmem>> -> memref<128xi32, #tpu.memory_space<vmem>>
        %dma_wait3A_129 = arith.constant 0 : i32
        %dma_wait3A_130 = arith.constant 0 : i32
        %dma_wait3A_131 = tpu.memref_slice %arg2[%dma_wait3A_129, %dma_wait3A_130] : memref<10000x128xf32, #tpu.memory_space<hbm>> -> memref<10000x128xf32, #tpu.memory_space<hbm>>
        tpu.wait_indirect_dma semaphore(%arg14 : memref<!tpu.dma_semaphore, #tpu.memory_space<semaphore_mem>>) src(%dma_wait3A_131 : memref<10000x128xf32, #tpu.memory_space<hbm>>) dst(%arg10 : memref<128x128xf32, #tpu.memory_space<vmem>>)
        %dma_start3A_132 = arith.constant 0 : i32
        %dma_start3A_133 = tpu.memref_slice %arg9[%mul3A_123, %dma_start3A_132] : memref<40x128xi32, #tpu.memory_space<vmem>> -> memref<1x128xi32, #tpu.memory_space<vmem>>
        %dma_start3A_134 = tpu.memref_squeeze %dma_start3A_133 : memref<1x128xi32, #tpu.memory_space<vmem>> -> memref<128xi32, #tpu.memory_space<vmem>>
        %dma_start3A_135 = arith.constant 0 : i32
        %dma_start3A_136 = arith.constant 0 : i32
        %dma_start3A_137 = tpu.memref_slice %arg13[%dma_start3A_135, %dma_start3A_136] : memref<10240x128xf32, #tpu.memory_space<vmem_shared>> -> memref<10240x128xf32, #tpu.memory_space<vmem_shared>>
        tpu.enqueue_indirect_dma source(%arg10 : memref<128x128xf32, #tpu.memory_space<vmem>>) target(%dma_start3A_137 : memref<10240x128xf32, #tpu.memory_space<vmem_shared>>) offsets(%dma_start3A_134 : memref<128xi32, #tpu.memory_space<vmem>>) semaphore(%arg16 : memref<!tpu.dma_semaphore, #tpu.memory_space<semaphore_mem>>) {add = true}
        %dma_wait3A_138 = arith.constant 0 : i32
        %dma_wait3A_139 = tpu.memref_slice %arg8[%add3A_125, %dma_wait3A_138] : memref<40x128xi32, #tpu.memory_space<vmem>> -> memref<1x128xi32, #tpu.memory_space<vmem>>
        %dma_wait3A_140 = tpu.memref_squeeze %dma_wait3A_139 : memref<1x128xi32, #tpu.memory_space<vmem>> -> memref<128xi32, #tpu.memory_space<vmem>>
        %dma_wait3A_141 = arith.constant 0 : i32
        %dma_wait3A_142 = arith.constant 0 : i32
        %dma_wait3A_143 = tpu.memref_slice %arg2[%dma_wait3A_141, %dma_wait3A_142] : memref<10000x128xf32, #tpu.memory_space<hbm>> -> memref<10000x128xf32, #tpu.memory_space<hbm>>
        tpu.wait_indirect_dma semaphore(%arg15 : memref<!tpu.dma_semaphore, #tpu.memory_space<semaphore_mem>>) src(%dma_wait3A_143 : memref<10000x128xf32, #tpu.memory_space<hbm>>) dst(%arg11 : memref<128x128xf32, #tpu.memory_space<vmem>>)
        %dma_start3A_144 = arith.constant 0 : i32
        %dma_start3A_145 = tpu.memref_slice %arg9[%add3A_125, %dma_start3A_144] : memref<40x128xi32, #tpu.memory_space<vmem>> -> memref<1x128xi32, #tpu.memory_space<vmem>>
        %dma_start3A_146 = tpu.memref_squeeze %dma_start3A_145 : memref<1x128xi32, #tpu.memory_space<vmem>> -> memref<128xi32, #tpu.memory_space<vmem>>
        %dma_start3A_147 = arith.constant 0 : i32
        %dma_start3A_148 = arith.constant 0 : i32
        %dma_start3A_149 = tpu.memref_slice %arg13[%dma_start3A_147, %dma_start3A_148] : memref<10240x128xf32, #tpu.memory_space<vmem_shared>> -> memref<10240x128xf32, #tpu.memory_space<vmem_shared>>
        tpu.enqueue_indirect_dma source(%arg11 : memref<128x128xf32, #tpu.memory_space<vmem>>) target(%dma_start3A_149 : memref<10240x128xf32, #tpu.memory_space<vmem_shared>>) offsets(%dma_start3A_146 : memref<128xi32, #tpu.memory_space<vmem>>) semaphore(%arg17 : memref<!tpu.dma_semaphore, #tpu.memory_space<semaphore_mem>>) {add = true}
        %dma_wait3A_150 = arith.constant 0 : i32
        %dma_wait3A_151 = tpu.memref_slice %arg9[%mul3A_123, %dma_wait3A_150] : memref<40x128xi32, #tpu.memory_space<vmem>> -> memref<1x128xi32, #tpu.memory_space<vmem>>
        %dma_wait3A_152 = tpu.memref_squeeze %dma_wait3A_151 : memref<1x128xi32, #tpu.memory_space<vmem>> -> memref<128xi32, #tpu.memory_space<vmem>>
        %dma_wait3A_153 = arith.constant 0 : i32
        %dma_wait3A_154 = arith.constant 0 : i32
        %dma_wait3A_155 = tpu.memref_slice %arg13[%dma_wait3A_153, %dma_wait3A_154] : memref<10240x128xf32, #tpu.memory_space<vmem_shared>> -> memref<10240x128xf32, #tpu.memory_space<vmem_shared>>
        tpu.wait_indirect_dma semaphore(%arg16 : memref<!tpu.dma_semaphore, #tpu.memory_space<semaphore_mem>>) src(%arg10 : memref<128x128xf32, #tpu.memory_space<vmem>>) dst(%dma_wait3A_155 : memref<10240x128xf32, #tpu.memory_space<vmem_shared>>)
        %add3A_156 = arith.constant 2 : i32
        %add3A_157 = arith.addi %mul3A_123, %add3A_156 : i32
        %dma_start3A_158 = arith.constant 0 : i32
        %dma_start3A_159 = tpu.memref_slice %arg8[%add3A_157, %dma_start3A_158] : memref<40x128xi32, #tpu.memory_space<vmem>> -> memref<1x128xi32, #tpu.memory_space<vmem>>
        %dma_start3A_160 = tpu.memref_squeeze %dma_start3A_159 : memref<1x128xi32, #tpu.memory_space<vmem>> -> memref<128xi32, #tpu.memory_space<vmem>>
        %dma_start3A_161 = arith.constant 0 : i32
        %dma_start3A_162 = arith.constant 0 : i32
        %dma_start3A_163 = tpu.memref_slice %arg2[%dma_start3A_161, %dma_start3A_162] : memref<10000x128xf32, #tpu.memory_space<hbm>> -> memref<10000x128xf32, #tpu.memory_space<hbm>>
        tpu.enqueue_indirect_dma source(%dma_start3A_163 : memref<10000x128xf32, #tpu.memory_space<hbm>>) target(%arg10 : memref<128x128xf32, #tpu.memory_space<vmem>>) offsets(%dma_start3A_160 : memref<128xi32, #tpu.memory_space<vmem>>) semaphore(%arg14 : memref<!tpu.dma_semaphore, #tpu.memory_space<semaphore_mem>>)
        %dma_wait3A_164 = arith.constant 0 : i32
        %dma_wait3A_165 = tpu.memref_slice %arg9[%add3A_125, %dma_wait3A_164] : memref<40x128xi32, #tpu.memory_space<vmem>> -> memref<1x128xi32, #tpu.memory_space<vmem>>
        %dma_wait3A_166 = tpu.memref_squeeze %dma_wait3A_165 : memref<1x128xi32, #tpu.memory_space<vmem>> -> memref<128xi32, #tpu.memory_space<vmem>>
        %dma_wait3A_167 = arith.constant 0 : i32
        %dma_wait3A_168 = arith.constant 0 : i32
        %dma_wait3A_169 = tpu.memref_slice %arg13[%dma_wait3A_167, %dma_wait3A_168] : memref<10240x128xf32, #tpu.memory_space<vmem_shared>> -> memref<10240x128xf32, #tpu.memory_space<vmem_shared>>
        tpu.wait_indirect_dma semaphore(%arg17 : memref<!tpu.dma_semaphore, #tpu.memory_space<semaphore_mem>>) src(%arg11 : memref<128x128xf32, #tpu.memory_space<vmem>>) dst(%dma_wait3A_169 : memref<10240x128xf32, #tpu.memory_space<vmem_shared>>)
        %add3A_170 = arith.constant 2 : i32
        %add3A_171 = arith.addi %add3A_125, %add3A_170 : i32
        %dma_start3A_172 = arith.constant 0 : i32
        %dma_start3A_173 = tpu.memref_slice %arg8[%add3A_171, %dma_start3A_172] : memref<40x128xi32, #tpu.memory_space<vmem>> -> memref<1x128xi32, #tpu.memory_space<vmem>>
        %dma_start3A_174 = tpu.memref_squeeze %dma_start3A_173 : memref<1x128xi32, #tpu.memory_space<vmem>> -> memref<128xi32, #tpu.memory_space<vmem>>
        %dma_start3A_175 = arith.constant 0 : i32
        %dma_start3A_176 = arith.constant 0 : i32
        %dma_start3A_177 = tpu.memref_slice %arg2[%dma_start3A_175, %dma_start3A_176] : memref<10000x128xf32, #tpu.memory_space<hbm>> -> memref<10000x128xf32, #tpu.memory_space<hbm>>
        tpu.enqueue_indirect_dma source(%dma_start3A_177 : memref<10000x128xf32, #tpu.memory_space<hbm>>) target(%arg11 : memref<128x128xf32, #tpu.memory_space<vmem>>) offsets(%dma_start3A_174 : memref<128xi32, #tpu.memory_space<vmem>>) semaphore(%arg15 : memref<!tpu.dma_semaphore, #tpu.memory_space<semaphore_mem>>)
      }
      %scan3A_74 = arith.constant 19 : i32
      %dma_wait3A_75 = arith.constant 38 : i32
      %dma_wait3A_76 = arith.constant 0 : i32
      %dma_wait3A_77 = tpu.memref_slice %arg8[%dma_wait3A_75, %dma_wait3A_76] : memref<40x128xi32, #tpu.memory_space<vmem>> -> memref<1x128xi32, #tpu.memory_space<vmem>>
      %dma_wait3A_78 = tpu.memref_squeeze %dma_wait3A_77 : memref<1x128xi32, #tpu.memory_space<vmem>> -> memref<128xi32, #tpu.memory_space<vmem>>
      %dma_wait3A_79 = arith.constant 0 : i32
      %dma_wait3A_80 = arith.constant 0 : i32
      %dma_wait3A_81 = tpu.memref_slice %arg2[%dma_wait3A_79, %dma_wait3A_80] : memref<10000x128xf32, #tpu.memory_space<hbm>> -> memref<10000x128xf32, #tpu.memory_space<hbm>>
      tpu.wait_indirect_dma semaphore(%arg14 : memref<!tpu.dma_semaphore, #tpu.memory_space<semaphore_mem>>) src(%dma_wait3A_81 : memref<10000x128xf32, #tpu.memory_space<hbm>>) dst(%arg10 : memref<128x128xf32, #tpu.memory_space<vmem>>)
      %dma_start3A_82 = arith.constant 38 : i32
      %dma_start3A_83 = arith.constant 0 : i32
      %dma_start3A_84 = tpu.memref_slice %arg9[%dma_start3A_82, %dma_start3A_83] : memref<40x128xi32, #tpu.memory_space<vmem>> -> memref<1x128xi32, #tpu.memory_space<vmem>>
      %dma_start3A_85 = tpu.memref_squeeze %dma_start3A_84 : memref<1x128xi32, #tpu.memory_space<vmem>> -> memref<128xi32, #tpu.memory_space<vmem>>
      %dma_start3A_86 = arith.constant 0 : i32
      %dma_start3A_87 = arith.constant 0 : i32
      %dma_start3A_88 = tpu.memref_slice %arg13[%dma_start3A_86, %dma_start3A_87] : memref<10240x128xf32, #tpu.memory_space<vmem_shared>> -> memref<10240x128xf32, #tpu.memory_space<vmem_shared>>
      tpu.enqueue_indirect_dma source(%arg10 : memref<128x128xf32, #tpu.memory_space<vmem>>) target(%dma_start3A_88 : memref<10240x128xf32, #tpu.memory_space<vmem_shared>>) offsets(%dma_start3A_85 : memref<128xi32, #tpu.memory_space<vmem>>) semaphore(%arg16 : memref<!tpu.dma_semaphore, #tpu.memory_space<semaphore_mem>>) {add = true}
      %dma_wait3A_89 = arith.constant 39 : i32
      %dma_wait3A_90 = arith.constant 0 : i32
      %dma_wait3A_91 = tpu.memref_slice %arg8[%dma_wait3A_89, %dma_wait3A_90] : memref<40x128xi32, #tpu.memory_space<vmem>> -> memref<1x128xi32, #tpu.memory_space<vmem>>
      %dma_wait3A_92 = tpu.memref_squeeze %dma_wait3A_91 : memref<1x128xi32, #tpu.memory_space<vmem>> -> memref<128xi32, #tpu.memory_space<vmem>>
      %dma_wait3A_93 = arith.constant 0 : i32
      %dma_wait3A_94 = arith.constant 0 : i32
      %dma_wait3A_95 = tpu.memref_slice %arg2[%dma_wait3A_93, %dma_wait3A_94] : memref<10000x128xf32, #tpu.memory_space<hbm>> -> memref<10000x128xf32, #tpu.memory_space<hbm>>
      tpu.wait_indirect_dma semaphore(%arg15 : memref<!tpu.dma_semaphore, #tpu.memory_space<semaphore_mem>>) src(%dma_wait3A_95 : memref<10000x128xf32, #tpu.memory_space<hbm>>) dst(%arg11 : memref<128x128xf32, #tpu.memory_space<vmem>>)
      %dma_start3A_96 = arith.constant 39 : i32
      %dma_start3A_97 = arith.constant 0 : i32
      %dma_start3A_98 = tpu.memref_slice %arg9[%dma_start3A_96, %dma_start3A_97] : memref<40x128xi32, #tpu.memory_space<vmem>> -> memref<1x128xi32, #tpu.memory_space<vmem>>
      %dma_start3A_99 = tpu.memref_squeeze %dma_start3A_98 : memref<1x128xi32, #tpu.memory_space<vmem>> -> memref<128xi32, #tpu.memory_space<vmem>>
      %dma_start3A_100 = arith.constant 0 : i32
      %dma_start3A_101 = arith.constant 0 : i32
      %dma_start3A_102 = tpu.memref_slice %arg13[%dma_start3A_100, %dma_start3A_101] : memref<10240x128xf32, #tpu.memory_space<vmem_shared>> -> memref<10240x128xf32, #tpu.memory_space<vmem_shared>>
      tpu.enqueue_indirect_dma source(%arg11 : memref<128x128xf32, #tpu.memory_space<vmem>>) target(%dma_start3A_102 : memref<10240x128xf32, #tpu.memory_space<vmem_shared>>) offsets(%dma_start3A_99 : memref<128xi32, #tpu.memory_space<vmem>>) semaphore(%arg17 : memref<!tpu.dma_semaphore, #tpu.memory_space<semaphore_mem>>) {add = true}
      %dma_wait3A_103 = arith.constant 38 : i32
      %dma_wait3A_104 = arith.constant 0 : i32
      %dma_wait3A_105 = tpu.memref_slice %arg9[%dma_wait3A_103, %dma_wait3A_104] : memref<40x128xi32, #tpu.memory_space<vmem>> -> memref<1x128xi32, #tpu.memory_space<vmem>>
      %dma_wait3A_106 = tpu.memref_squeeze %dma_wait3A_105 : memref<1x128xi32, #tpu.memory_space<vmem>> -> memref<128xi32, #tpu.memory_space<vmem>>
      %dma_wait3A_107 = arith.constant 0 : i32
      %dma_wait3A_108 = arith.constant 0 : i32
      %dma_wait3A_109 = tpu.memref_slice %arg13[%dma_wait3A_107, %dma_wait3A_108] : memref<10240x128xf32, #tpu.memory_space<vmem_shared>> -> memref<10240x128xf32, #tpu.memory_space<vmem_shared>>
      tpu.wait_indirect_dma semaphore(%arg16 : memref<!tpu.dma_semaphore, #tpu.memory_space<semaphore_mem>>) src(%arg10 : memref<128x128xf32, #tpu.memory_space<vmem>>) dst(%dma_wait3A_109 : memref<10240x128xf32, #tpu.memory_space<vmem_shared>>)
      %dma_wait3A_110 = arith.constant 39 : i32
      %dma_wait3A_111 = arith.constant 0 : i32
      %dma_wait3A_112 = tpu.memref_slice %arg9[%dma_wait3A_110, %dma_wait3A_111] : memref<40x128xi32, #tpu.memory_space<vmem>> -> memref<1x128xi32, #tpu.memory_space<vmem>>
      %dma_wait3A_113 = tpu.memref_squeeze %dma_wait3A_112 : memref<1x128xi32, #tpu.memory_space<vmem>> -> memref<128xi32, #tpu.memory_space<vmem>>
      %dma_wait3A_114 = arith.constant 0 : i32
      %dma_wait3A_115 = arith.constant 0 : i32
      %dma_wait3A_116 = tpu.memref_slice %arg13[%dma_wait3A_114, %dma_wait3A_115] : memref<10240x128xf32, #tpu.memory_space<vmem_shared>> -> memref<10240x128xf32, #tpu.memory_space<vmem_shared>>
      tpu.wait_indirect_dma semaphore(%arg17 : memref<!tpu.dma_semaphore, #tpu.memory_space<semaphore_mem>>) src(%arg11 : memref<128x128xf32, #tpu.memory_space<vmem>>) dst(%dma_wait3A_116 : memref<10240x128xf32, #tpu.memory_space<vmem_shared>>)
    }
    %scan3A_28 = arith.constant 2 : i32
    %barrier3A_29 = arith.constant 0 : index
    tpu.barrier barrier_id(%barrier3A_29)
    %mul3A_30 = arith.constant 640 : i32
    %mul3A_31 = arith.muli %arg1, %mul3A_30 : i32
    %mul3A_32 = arith.constant 640 : i32
    %mul3A_33 = arith.muli %arg1, %mul3A_32 : i32
    "tpu.region"() ({
      %run_scoped3A = tpu.sem_alloc : memref<!tpu.dma_semaphore, #tpu.memory_space<semaphore_mem>>
      %dma_start3A = arith.constant 0 : i32
      %dma_start3A_34 = tpu.memref_slice %arg7[%arg0, %mul3A_33, %dma_start3A] : memref<2x10240x128xf32, #tpu.memory_space<hbm>> -> memref<1x640x128xf32, #tpu.memory_space<hbm>>
      %dma_start3A_35 = tpu.memref_squeeze %dma_start3A_34 : memref<1x640x128xf32, #tpu.memory_space<hbm>> -> memref<640x128xf32, #tpu.memory_space<hbm>>
      %dma_start3A_36 = arith.constant 0 : i32
      %dma_start3A_37 = tpu.memref_slice %arg13[%mul3A_31, %dma_start3A_36] : memref<10240x128xf32, #tpu.memory_space<vmem_shared>> -> memref<640x128xf32, #tpu.memory_space<vmem_shared>>
      tpu.enqueue_dma source(%dma_start3A_37 : memref<640x128xf32, #tpu.memory_space<vmem_shared>>) target(%dma_start3A_35 : memref<640x128xf32, #tpu.memory_space<hbm>>) target_semaphore(%run_scoped3A : memref<!tpu.dma_semaphore, #tpu.memory_space<semaphore_mem>>)
      %dma_wait3A = arith.constant 0 : i32
      %dma_wait3A_38 = tpu.memref_slice %arg7[%arg0, %mul3A_33, %dma_wait3A] : memref<2x10240x128xf32, #tpu.memory_space<hbm>> -> memref<1x640x128xf32, #tpu.memory_space<hbm>>
      %dma_wait3A_39 = tpu.memref_squeeze %dma_wait3A_38 : memref<1x640x128xf32, #tpu.memory_space<hbm>> -> memref<640x128xf32, #tpu.memory_space<hbm>>
      %dma_wait3A_40 = arith.constant 0 : i32
      %dma_wait3A_41 = tpu.memref_slice %arg13[%mul3A_31, %dma_wait3A_40] : memref<10240x128xf32, #tpu.memory_space<vmem_shared>> -> memref<640x128xf32, #tpu.memory_space<vmem_shared>>
      tpu.wait_dma2 semaphore(%run_scoped3A : memref<!tpu.dma_semaphore, #tpu.memory_space<semaphore_mem>>) src(%dma_wait3A_41 : memref<640x128xf32, #tpu.memory_space<vmem_shared>>) dst(%dma_wait3A_39 : memref<640x128xf32, #tpu.memory_space<hbm>>)
      tpu.yield
    }) : () -> ()
    return
  }
}

module attributes {stable_mosaic.version = 14 : i64} {
  func.func @body(%arg0: i32, %arg1: memref<2x10240xf32, #tpu.memory_space<vmem>>, %arg2: memref<2048x128xf32, #tpu.memory_space<vmem>>, %arg3: memref<2048x128xf32, #tpu.memory_space<vmem>>, %arg4: memref<2x2048x128xf32, #tpu.memory_space<vmem>>, %arg5: memref<2048x128xf32, #tpu.memory_space<vmem>>) attributes {dimension_semantics = [#tpu.dimension_semantics<arbitrary>], iteration_bounds = array<i64: 5>, scalar_prefetch = 0 : i64, scratch_operands = 0 : i64, tpu.core_type = #tpu.core_type<tc>, window_params = [{pipeline_mode = #tpu.pipeline_mode<synchronous>, transform_indices = @transform_0, window_bounds = array<i64: 2, 10240>}, {transform_indices = @transform_1, window_bounds = array<i64: 2048, 128>}, {transform_indices = @transform_2, window_bounds = array<i64: 2048, 128>}, {transform_indices = @transform_3, window_bounds = array<i64: 2, 2048, 128>}, {transform_indices = @transform_4, window_bounds = array<i64: 2048, 128>}]} {
    %mul3A = arith.constant 2048 : i32
    %mul3A_0 = arith.muli %arg0, %mul3A : i32
    %get3A = arith.constant 0 : index
    %get3A_1 = arith.index_cast %mul3A_0 : i32 to index
    %get3A_2 = vector.load %arg1[%get3A, %get3A_1] : memref<2x10240xf32, #tpu.memory_space<vmem>>, vector<1x2048xf32>
    %get3A_3 = vector.shape_cast %get3A_2 : vector<1x2048xf32> to vector<2048xf32>
    %mul3A_4 = arith.constant 2048 : i32
    %mul3A_5 = arith.muli %arg0, %mul3A_4 : i32
    %get3A_6 = arith.constant 1 : index
    %get3A_7 = arith.index_cast %mul3A_5 : i32 to index
    %get3A_8 = vector.load %arg1[%get3A_6, %get3A_7] : memref<2x10240xf32, #tpu.memory_space<vmem>>, vector<1x2048xf32>
    %get3A_9 = vector.shape_cast %get3A_8 : vector<1x2048xf32> to vector<2048xf32>
    %add3A = arith.addf %get3A_3, %get3A_9 : vector<2048xf32>
    %max3A = arith.constant 1.000000e+00 : f32
    %max3A_10 = vector.broadcast %max3A : f32 to vector<2048xf32>
    %max3A_11 = arith.maximumf %add3A, %max3A_10 : vector<2048xf32>
    %rsqrt3A = math.rsqrt %max3A_11 : vector<2048xf32>
    %broadcast_in_dim3A = vector.shape_cast %rsqrt3A : vector<2048xf32> to vector<2048x1xf32>
    %broadcast_in_dim3A_12 = vector.shape_cast %broadcast_in_dim3A : vector<2048x1xf32> to vector<2048x1xf32>
    %broadcast_in_dim3A_13 = vector.broadcast %broadcast_in_dim3A_12 : vector<2048x1xf32> to vector<2048x128xf32>
    %swap3A = arith.constant 0 : index
    %swap3A_14 = arith.constant 0 : index
    %swap3A_15 = vector.load %arg5[%swap3A, %swap3A_14] : memref<2048x128xf32, #tpu.memory_space<vmem>>, vector<2048x128xf32>
    tpu.vector_store %arg5[%swap3A, %swap3A_14], %broadcast_in_dim3A_13 {strides = array<i32>} : memref<2048x128xf32, #tpu.memory_space<vmem>>, vector<2048x128xf32>,
    %get3A_16 = arith.constant 0 : index
    %get3A_17 = arith.constant 0 : index
    %get3A_18 = vector.load %arg2[%get3A_16, %get3A_17] : memref<2048x128xf32, #tpu.memory_space<vmem>>, vector<2048x128xf32>
    %mul3A_19 = arith.mulf %get3A_18, %broadcast_in_dim3A_13 : vector<2048x128xf32>
    %swap3A_20 = arith.constant 0 : index
    %swap3A_21 = arith.constant 0 : index
    %swap3A_22 = arith.constant 0 : index
    %swap3A_23 = vector.load %arg4[%swap3A_20, %swap3A_21, %swap3A_22] : memref<2x2048x128xf32, #tpu.memory_space<vmem>>, vector<1x2048x128xf32>
    %swap3A_24 = vector.shape_cast %swap3A_23 : vector<1x2048x128xf32> to vector<2048x128xf32>
    %swap3A_25 = vector.shape_cast %mul3A_19 : vector<2048x128xf32> to vector<1x2048x128xf32>
    tpu.vector_store %arg4[%swap3A_20, %swap3A_21, %swap3A_22], %swap3A_25 {strides = array<i32>} : memref<2x2048x128xf32, #tpu.memory_space<vmem>>, vector<1x2048x128xf32>,
    %get3A_26 = arith.constant 0 : index
    %get3A_27 = arith.constant 0 : index
    %get3A_28 = vector.load %arg3[%get3A_26, %get3A_27] : memref<2048x128xf32, #tpu.memory_space<vmem>>, vector<2048x128xf32>
    %mul3A_29 = arith.mulf %get3A_28, %broadcast_in_dim3A_13 : vector<2048x128xf32>
    %swap3A_30 = arith.constant 1 : index
    %swap3A_31 = arith.constant 0 : index
    %swap3A_32 = arith.constant 0 : index
    %swap3A_33 = vector.load %arg4[%swap3A_30, %swap3A_31, %swap3A_32] : memref<2x2048x128xf32, #tpu.memory_space<vmem>>, vector<1x2048x128xf32>
    %swap3A_34 = vector.shape_cast %swap3A_33 : vector<1x2048x128xf32> to vector<2048x128xf32>
    %swap3A_35 = vector.shape_cast %mul3A_29 : vector<2048x128xf32> to vector<1x2048x128xf32>
    tpu.vector_store %arg4[%swap3A_30, %swap3A_31, %swap3A_32], %swap3A_35 {strides = array<i32>} : memref<2x2048x128xf32, #tpu.memory_space<vmem>>, vector<1x2048x128xf32>,
    return
  }
  func.func @transform_0(%arg0: i32) -> (i32, i32) {
    %c0_i32 = arith.constant 0 : i32
    %c0_i32_0 = arith.constant 0 : i32
    %c0_i32_1 = arith.constant 0 : i32
    return %c0_i32, %c0_i32_0 : i32, i32
  }
  func.func @transform_1(%arg0: i32) -> (i32, i32) {
    %c0_i32 = arith.constant 0 : i32
    %c0_i32_0 = arith.constant 0 : i32
    return %arg0, %c0_i32 : i32, i32
  }
  func.func @transform_2(%arg0: i32) -> (i32, i32) {
    %c0_i32 = arith.constant 0 : i32
    %c0_i32_0 = arith.constant 0 : i32
    return %arg0, %c0_i32 : i32, i32
  }
  func.func @transform_3(%arg0: i32) -> (i32, i32, i32) {
    %c0_i32 = arith.constant 0 : i32
    %c0_i32_0 = arith.constant 0 : i32
    %c0_i32_1 = arith.constant 0 : i32
    return %c0_i32, %arg0, %c0_i32_0 : i32, i32, i32
  }
  func.func @transform_4(%arg0: i32) -> (i32, i32) {
    %c0_i32 = arith.constant 0 : i32
    %c0_i32_0 = arith.constant 0 : i32
    return %arg0, %c0_i32 : i32, i32
  }
}

module attributes {stable_mosaic.version = 14 : i64} {
  func.func @body(%arg0: i32, %arg1: memref<2x2048x128xf32, #tpu.memory_space<vmem>>, %arg2: memref<2048x128xf32, #tpu.memory_space<vmem>>, %arg3: memref<2048x128xf32, #tpu.memory_space<vmem>>, %arg4: memref<128x128xf32, #tpu.memory_space<vmem>>, %arg5: memref<1x128xf32, #tpu.memory_space<vmem>>, %arg6: memref<128x128xf32, #tpu.memory_space<vmem>>, %arg7: memref<1x128xf32, #tpu.memory_space<vmem>>, %arg8: memref<128x128xf32, #tpu.memory_space<vmem>>, %arg9: memref<1x128xf32, #tpu.memory_space<vmem>>, %arg10: memref<128x128xf32, #tpu.memory_space<vmem>>, %arg11: memref<1x128xf32, #tpu.memory_space<vmem>>, %arg12: memref<128x128xf32, #tpu.memory_space<vmem>>, %arg13: memref<1x128xf32, #tpu.memory_space<vmem>>, %arg14: memref<2048x128xf32, #tpu.memory_space<vmem>>, %arg15: memref<2048x128xf32, #tpu.memory_space<vmem>>, %arg16: memref<2048x128xf32, #tpu.memory_space<vmem>>) attributes {dimension_semantics = [#tpu.dimension_semantics<arbitrary>], iteration_bounds = array<i64: 5>, scalar_prefetch = 0 : i64, scratch_operands = 0 : i64, tpu.core_type = #tpu.core_type<tc>, window_params = [{transform_indices = @transform_0, window_bounds = array<i64: 2, 2048, 128>}, {transform_indices = @transform_1, window_bounds = array<i64: 2048, 128>}, {transform_indices = @transform_2, window_bounds = array<i64: 2048, 128>}, {pipeline_mode = #tpu.pipeline_mode<synchronous>, transform_indices = @transform_3, window_bounds = array<i64: 128, 128>}, {pipeline_mode = #tpu.pipeline_mode<synchronous>, transform_indices = @transform_4, window_bounds = array<i64: 1, 128>}, {pipeline_mode = #tpu.pipeline_mode<synchronous>, transform_indices = @transform_5, window_bounds = array<i64: 128, 128>}, {pipeline_mode = #tpu.pipeline_mode<synchronous>, transform_indices = @transform_6, window_bounds = array<i64: 1, 128>}, {pipeline_mode = #tpu.pipeline_mode<synchronous>, transform_indices = @transform_7, window_bounds = array<i64: 128, 128>}, {pipeline_mode = #tpu.pipeline_mode<synchronous>, transform_indices = @transform_8, window_bounds = array<i64: 1, 128>}, {pipeline_mode = #tpu.pipeline_mode<synchronous>, transform_indices = @transform_9, window_bounds = array<i64: 128, 128>}, {pipeline_mode = #tpu.pipeline_mode<synchronous>, transform_indices = @transform_10, window_bounds = array<i64: 1, 128>}, {pipeline_mode = #tpu.pipeline_mode<synchronous>, transform_indices = @transform_11, window_bounds = array<i64: 128, 128>}, {pipeline_mode = #tpu.pipeline_mode<synchronous>, transform_indices = @transform_12, window_bounds = array<i64: 1, 128>}, {transform_indices = @transform_13, window_bounds = array<i64: 2048, 128>}, {transform_indices = @transform_14, window_bounds = array<i64: 2048, 128>}, {transform_indices = @transform_15, window_bounds = array<i64: 2048, 128>}]} {
    %get3A = arith.constant 0 : index
    %get3A_0 = arith.constant 0 : index
    %get3A_1 = vector.load %arg2[%get3A, %get3A_0] : memref<2048x128xf32, #tpu.memory_space<vmem>>, vector<2048x128xf32>
    %get3A_2 = arith.constant 0 : index
    %get3A_3 = arith.constant 0 : index
    %get3A_4 = arith.constant 0 : index
    %get3A_5 = vector.load %arg1[%get3A_2, %get3A_3, %get3A_4] : memref<2x2048x128xf32, #tpu.memory_space<vmem>>, vector<1x2048x128xf32>
    %get3A_6 = vector.shape_cast %get3A_5 : vector<1x2048x128xf32> to vector<2048x128xf32>
    %mul3A = arith.mulf %get3A_6, %get3A_1 : vector<2048x128xf32>
    %get3A_7 = arith.constant 1 : index
    %get3A_8 = arith.constant 0 : index
    %get3A_9 = arith.constant 0 : index
    %get3A_10 = vector.load %arg1[%get3A_7, %get3A_8, %get3A_9] : memref<2x2048x128xf32, #tpu.memory_space<vmem>>, vector<1x2048x128xf32>
    %get3A_11 = vector.shape_cast %get3A_10 : vector<1x2048x128xf32> to vector<2048x128xf32>
    %mul3A_12 = arith.mulf %get3A_11, %get3A_1 : vector<2048x128xf32>
    %get3A_13 = arith.constant 0 : index
    %get3A_14 = arith.constant 0 : index
    %get3A_15 = vector.load %arg4[%get3A_13, %get3A_14] : memref<128x128xf32, #tpu.memory_space<vmem>>, vector<128x128xf32>
    %dot_general3A = arith.constant dense<0.000000e+00> : vector<2048x128xf32>
    %dot_general3A_16 = tpu.matmul %mul3A, %get3A_15, %dot_general3A {dimension_numbers = #tpu.dot_dimension_numbers<[1], [0], [0], [1], [0, 0, 1, 1], [], []>, transpose_lhs_hint = false} : vector<2048x128xf32>, vector<128x128xf32>, vector<2048x128xf32> -> vector<2048x128xf32>
    %get3A_17 = arith.constant 0 : index
    %get3A_18 = arith.constant 0 : index
    %get3A_19 = vector.load %arg5[%get3A_17, %get3A_18] : memref<1x128xf32, #tpu.memory_space<vmem>>, vector<1x128xf32>
    %add3A = vector.broadcast %get3A_19 : vector<1x128xf32> to vector<2048x128xf32>
    %add3A_20 = arith.addf %dot_general3A_16, %add3A : vector<2048x128xf32>
    %get3A_21 = arith.constant 0 : index
    %get3A_22 = arith.constant 0 : index
    %get3A_23 = vector.load %arg6[%get3A_21, %get3A_22] : memref<128x128xf32, #tpu.memory_space<vmem>>, vector<128x128xf32>
    %dot_general3A_24 = arith.constant dense<0.000000e+00> : vector<2048x128xf32>
    %dot_general3A_25 = tpu.matmul %mul3A, %get3A_23, %dot_general3A_24 {dimension_numbers = #tpu.dot_dimension_numbers<[1], [0], [0], [1], [0, 0, 1, 1], [], []>, transpose_lhs_hint = false} : vector<2048x128xf32>, vector<128x128xf32>, vector<2048x128xf32> -> vector<2048x128xf32>
    %get3A_26 = arith.constant 0 : index
    %get3A_27 = arith.constant 0 : index
    %get3A_28 = vector.load %arg7[%get3A_26, %get3A_27] : memref<1x128xf32, #tpu.memory_space<vmem>>, vector<1x128xf32>
    %add3A_29 = vector.broadcast %get3A_28 : vector<1x128xf32> to vector<2048x128xf32>
    %add3A_30 = arith.addf %dot_general3A_25, %add3A_29 : vector<2048x128xf32>
    %get3A_31 = arith.constant 0 : index
    %get3A_32 = arith.constant 0 : index
    %get3A_33 = vector.load %arg8[%get3A_31, %get3A_32] : memref<128x128xf32, #tpu.memory_space<vmem>>, vector<128x128xf32>
    %dot_general3A_34 = arith.constant dense<0.000000e+00> : vector<2048x128xf32>
    %dot_general3A_35 = tpu.matmul %mul3A, %get3A_33, %dot_general3A_34 {dimension_numbers = #tpu.dot_dimension_numbers<[1], [0], [0], [1], [0, 0, 1, 1], [], []>, transpose_lhs_hint = false} : vector<2048x128xf32>, vector<128x128xf32>, vector<2048x128xf32> -> vector<2048x128xf32>
    %get3A_36 = arith.constant 0 : index
    %get3A_37 = arith.constant 0 : index
    %get3A_38 = vector.load %arg9[%get3A_36, %get3A_37] : memref<1x128xf32, #tpu.memory_space<vmem>>, vector<1x128xf32>
    %add3A_39 = vector.broadcast %get3A_38 : vector<1x128xf32> to vector<2048x128xf32>
    %add3A_40 = arith.addf %dot_general3A_35, %add3A_39 : vector<2048x128xf32>
    %get3A_41 = arith.constant 0 : index
    %get3A_42 = arith.constant 0 : index
    %get3A_43 = vector.load %arg10[%get3A_41, %get3A_42] : memref<128x128xf32, #tpu.memory_space<vmem>>, vector<128x128xf32>
    %dot_general3A_44 = arith.constant dense<0.000000e+00> : vector<2048x128xf32>
    %dot_general3A_45 = tpu.matmul %mul3A_12, %get3A_43, %dot_general3A_44 {dimension_numbers = #tpu.dot_dimension_numbers<[1], [0], [0], [1], [0, 0, 1, 1], [], []>, transpose_lhs_hint = false} : vector<2048x128xf32>, vector<128x128xf32>, vector<2048x128xf32> -> vector<2048x128xf32>
    %add3A_46 = arith.addf %add3A_20, %dot_general3A_45 : vector<2048x128xf32>
    %get3A_47 = arith.constant 0 : index
    %get3A_48 = arith.constant 0 : index
    %get3A_49 = vector.load %arg11[%get3A_47, %get3A_48] : memref<1x128xf32, #tpu.memory_space<vmem>>, vector<1x128xf32>
    %add3A_50 = vector.broadcast %get3A_49 : vector<1x128xf32> to vector<2048x128xf32>
    %add3A_51 = arith.addf %add3A_46, %add3A_50 : vector<2048x128xf32>
    %logistic3A = arith.negf %add3A_51 : vector<2048x128xf32>
    %logistic3A_52 = math.exp %logistic3A : vector<2048x128xf32>
    %logistic3A_53 = arith.constant 1.000000e+00 : f32
    %logistic3A_54 = vector.broadcast %logistic3A_53 : f32 to vector<2048x128xf32>
    %logistic3A_55 = arith.addf %logistic3A_54, %logistic3A_52 : vector<2048x128xf32>
    %logistic3A_56 = arith.divf %logistic3A_54, %logistic3A_55 : vector<2048x128xf32>
    %get3A_57 = arith.constant 0 : index
    %get3A_58 = arith.constant 0 : index
    %get3A_59 = vector.load %arg12[%get3A_57, %get3A_58] : memref<128x128xf32, #tpu.memory_space<vmem>>, vector<128x128xf32>
    %dot_general3A_60 = arith.constant dense<0.000000e+00> : vector<2048x128xf32>
    %dot_general3A_61 = tpu.matmul %mul3A_12, %get3A_59, %dot_general3A_60 {dimension_numbers = #tpu.dot_dimension_numbers<[1], [0], [0], [1], [0, 0, 1, 1], [], []>, transpose_lhs_hint = false} : vector<2048x128xf32>, vector<128x128xf32>, vector<2048x128xf32> -> vector<2048x128xf32>
    %add3A_62 = arith.addf %add3A_30, %dot_general3A_61 : vector<2048x128xf32>
    %get3A_63 = arith.constant 0 : index
    %get3A_64 = arith.constant 0 : index
    %get3A_65 = vector.load %arg13[%get3A_63, %get3A_64] : memref<1x128xf32, #tpu.memory_space<vmem>>, vector<1x128xf32>
    %add3A_66 = vector.broadcast %get3A_65 : vector<1x128xf32> to vector<2048x128xf32>
    %add3A_67 = arith.addf %add3A_62, %add3A_66 : vector<2048x128xf32>
    %logistic3A_68 = arith.negf %add3A_67 : vector<2048x128xf32>
    %logistic3A_69 = math.exp %logistic3A_68 : vector<2048x128xf32>
    %logistic3A_70 = arith.constant 1.000000e+00 : f32
    %logistic3A_71 = vector.broadcast %logistic3A_70 : f32 to vector<2048x128xf32>
    %logistic3A_72 = arith.addf %logistic3A_71, %logistic3A_69 : vector<2048x128xf32>
    %logistic3A_73 = arith.divf %logistic3A_71, %logistic3A_72 : vector<2048x128xf32>
    %get3A_74 = arith.constant 0 : index
    %get3A_75 = arith.constant 0 : index
    %get3A_76 = vector.load %arg3[%get3A_74, %get3A_75] : memref<2048x128xf32, #tpu.memory_space<vmem>>, vector<2048x128xf32>
    %mul3A_77 = arith.mulf %logistic3A_56, %get3A_76 : vector<2048x128xf32>
    %mul3A_78 = arith.mulf %mul3A_77, %get3A_1 : vector<2048x128xf32>
    %swap3A = arith.constant 0 : index
    %swap3A_79 = arith.constant 0 : index
    %swap3A_80 = vector.load %arg14[%swap3A, %swap3A_79] : memref<2048x128xf32, #tpu.memory_space<vmem>>, vector<2048x128xf32>
    tpu.vector_store %arg14[%swap3A, %swap3A_79], %mul3A_78 {strides = array<i32>} : memref<2048x128xf32, #tpu.memory_space<vmem>>, vector<2048x128xf32>,
    %swap3A_81 = arith.constant 0 : index
    %swap3A_82 = arith.constant 0 : index
    %swap3A_83 = vector.load %arg15[%swap3A_81, %swap3A_82] : memref<2048x128xf32, #tpu.memory_space<vmem>>, vector<2048x128xf32>
    tpu.vector_store %arg15[%swap3A_81, %swap3A_82], %logistic3A_73 {strides = array<i32>} : memref<2048x128xf32, #tpu.memory_space<vmem>>, vector<2048x128xf32>,
    %swap3A_84 = arith.constant 0 : index
    %swap3A_85 = arith.constant 0 : index
    %swap3A_86 = vector.load %arg16[%swap3A_84, %swap3A_85] : memref<2048x128xf32, #tpu.memory_space<vmem>>, vector<2048x128xf32>
    tpu.vector_store %arg16[%swap3A_84, %swap3A_85], %add3A_40 {strides = array<i32>} : memref<2048x128xf32, #tpu.memory_space<vmem>>, vector<2048x128xf32>,
    return
  }
  func.func @transform_0(%arg0: i32) -> (i32, i32, i32) {
    %c0_i32 = arith.constant 0 : i32
    %c0_i32_0 = arith.constant 0 : i32
    %c0_i32_1 = arith.constant 0 : i32
    return %c0_i32, %arg0, %c0_i32_0 : i32, i32, i32
  }
  func.func @transform_1(%arg0: i32) -> (i32, i32) {
    %c0_i32 = arith.constant 0 : i32
    %c0_i32_0 = arith.constant 0 : i32
    return %arg0, %c0_i32 : i32, i32
  }
  func.func @transform_2(%arg0: i32) -> (i32, i32) {
    %c0_i32 = arith.constant 0 : i32
    %c0_i32_0 = arith.constant 0 : i32
    return %arg0, %c0_i32 : i32, i32
  }
  func.func @transform_3(%arg0: i32) -> (i32, i32) {
    %c0_i32 = arith.constant 0 : i32
    %c0_i32_0 = arith.constant 0 : i32
    %c0_i32_1 = arith.constant 0 : i32
    return %c0_i32, %c0_i32_0 : i32, i32
  }
  func.func @transform_4(%arg0: i32) -> (i32, i32) {
    %c0_i32 = arith.constant 0 : i32
    %c0_i32_0 = arith.constant 0 : i32
    %c0_i32_1 = arith.constant 0 : i32
    return %c0_i32, %c0_i32_0 : i32, i32
  }
  func.func @transform_5(%arg0: i32) -> (i32, i32) {
    %c0_i32 = arith.constant 0 : i32
    %c0_i32_0 = arith.constant 0 : i32
    %c0_i32_1 = arith.constant 0 : i32
    return %c0_i32, %c0_i32_0 : i32, i32
  }
  func.func @transform_6(%arg0: i32) -> (i32, i32) {
    %c0_i32 = arith.constant 0 : i32
    %c0_i32_0 = arith.constant 0 : i32
    %c0_i32_1 = arith.constant 0 : i32
    return %c0_i32, %c0_i32_0 : i32, i32
  }
  func.func @transform_7(%arg0: i32) -> (i32, i32) {
    %c0_i32 = arith.constant 0 : i32
    %c0_i32_0 = arith.constant 0 : i32
    %c0_i32_1 = arith.constant 0 : i32
    return %c0_i32, %c0_i32_0 : i32, i32
  }
  func.func @transform_8(%arg0: i32) -> (i32, i32) {
    %c0_i32 = arith.constant 0 : i32
    %c0_i32_0 = arith.constant 0 : i32
    %c0_i32_1 = arith.constant 0 : i32
    return %c0_i32, %c0_i32_0 : i32, i32
  }
  func.func @transform_9(%arg0: i32) -> (i32, i32) {
    %c0_i32 = arith.constant 0 : i32
    %c0_i32_0 = arith.constant 0 : i32
    %c0_i32_1 = arith.constant 0 : i32
    return %c0_i32, %c0_i32_0 : i32, i32
  }
  func.func @transform_10(%arg0: i32) -> (i32, i32) {
    %c0_i32 = arith.constant 0 : i32
    %c0_i32_0 = arith.constant 0 : i32
    %c0_i32_1 = arith.constant 0 : i32
    return %c0_i32, %c0_i32_0 : i32, i32
  }
  func.func @transform_11(%arg0: i32) -> (i32, i32) {
    %c0_i32 = arith.constant 0 : i32
    %c0_i32_0 = arith.constant 0 : i32
    %c0_i32_1 = arith.constant 0 : i32
    return %c0_i32, %c0_i32_0 : i32, i32
  }
  func.func @transform_12(%arg0: i32) -> (i32, i32) {
    %c0_i32 = arith.constant 0 : i32
    %c0_i32_0 = arith.constant 0 : i32
    %c0_i32_1 = arith.constant 0 : i32
    return %c0_i32, %c0_i32_0 : i32, i32
  }
  func.func @transform_13(%arg0: i32) -> (i32, i32) {
    %c0_i32 = arith.constant 0 : i32
    %c0_i32_0 = arith.constant 0 : i32
    return %arg0, %c0_i32 : i32, i32
  }
  func.func @transform_14(%arg0: i32) -> (i32, i32) {
    %c0_i32 = arith.constant 0 : i32
    %c0_i32_0 = arith.constant 0 : i32
    return %arg0, %c0_i32 : i32, i32
  }
  func.func @transform_15(%arg0: i32) -> (i32, i32) {
    %c0_i32 = arith.constant 0 : i32
    %c0_i32_0 = arith.constant 0 : i32
    return %arg0, %c0_i32 : i32, i32
  }
}

module attributes {stable_mosaic.version = 14 : i64} {
  func.func @body(%arg0: i32, %arg1: memref<2x2048x128xf32, #tpu.memory_space<vmem>>, %arg2: memref<2048x128xf32, #tpu.memory_space<vmem>>, %arg3: memref<2048x128xf32, #tpu.memory_space<vmem>>, %arg4: memref<2048x128xf32, #tpu.memory_space<vmem>>, %arg5: memref<2048x128xf32, #tpu.memory_space<vmem>>, %arg6: memref<128x128xf32, #tpu.memory_space<vmem>>, %arg7: memref<1x128xf32, #tpu.memory_space<vmem>>, %arg8: memref<2048x128xf32, #tpu.memory_space<vmem>>) attributes {dimension_semantics = [#tpu.dimension_semantics<arbitrary>], iteration_bounds = array<i64: 5>, scalar_prefetch = 0 : i64, scratch_operands = 0 : i64, tpu.core_type = #tpu.core_type<tc>, window_params = [{transform_indices = @transform_0, window_bounds = array<i64: 2, 2048, 128>}, {transform_indices = @transform_1, window_bounds = array<i64: 2048, 128>}, {transform_indices = @transform_2, window_bounds = array<i64: 2048, 128>}, {transform_indices = @transform_3, window_bounds = array<i64: 2048, 128>}, {transform_indices = @transform_4, window_bounds = array<i64: 2048, 128>}, {pipeline_mode = #tpu.pipeline_mode<synchronous>, transform_indices = @transform_5, window_bounds = array<i64: 128, 128>}, {pipeline_mode = #tpu.pipeline_mode<synchronous>, transform_indices = @transform_6, window_bounds = array<i64: 1, 128>}, {transform_indices = @transform_7, window_bounds = array<i64: 2048, 128>}]} {
    %get3A = arith.constant 0 : index
    %get3A_0 = arith.constant 0 : index
    %get3A_1 = arith.constant 0 : index
    %get3A_2 = vector.load %arg1[%get3A, %get3A_0, %get3A_1] : memref<2x2048x128xf32, #tpu.memory_space<vmem>>, vector<1x2048x128xf32>
    %get3A_3 = vector.shape_cast %get3A_2 : vector<1x2048x128xf32> to vector<2048x128xf32>
    %get3A_4 = arith.constant 1 : index
    %get3A_5 = arith.constant 0 : index
    %get3A_6 = arith.constant 0 : index
    %get3A_7 = vector.load %arg1[%get3A_4, %get3A_5, %get3A_6] : memref<2x2048x128xf32, #tpu.memory_space<vmem>>, vector<1x2048x128xf32>
    %get3A_8 = vector.shape_cast %get3A_7 : vector<1x2048x128xf32> to vector<2048x128xf32>
    %add3A = arith.addf %get3A_3, %get3A_8 : vector<2048x128xf32>
    %get3A_9 = arith.constant 0 : index
    %get3A_10 = arith.constant 0 : index
    %get3A_11 = vector.load %arg2[%get3A_9, %get3A_10] : memref<2048x128xf32, #tpu.memory_space<vmem>>, vector<2048x128xf32>
    %mul3A = arith.mulf %add3A, %get3A_11 : vector<2048x128xf32>
    %get3A_12 = arith.constant 0 : index
    %get3A_13 = arith.constant 0 : index
    %get3A_14 = vector.load %arg3[%get3A_12, %get3A_13] : memref<2048x128xf32, #tpu.memory_space<vmem>>, vector<2048x128xf32>
    %get3A_15 = arith.constant 0 : index
    %get3A_16 = arith.constant 0 : index
    %get3A_17 = vector.load %arg6[%get3A_15, %get3A_16] : memref<128x128xf32, #tpu.memory_space<vmem>>, vector<128x128xf32>
    %dot_general3A = arith.constant dense<0.000000e+00> : vector<2048x128xf32>
    %dot_general3A_18 = tpu.matmul %mul3A, %get3A_17, %dot_general3A {dimension_numbers = #tpu.dot_dimension_numbers<[1], [0], [0], [1], [0, 0, 1, 1], [], []>, transpose_lhs_hint = false} : vector<2048x128xf32>, vector<128x128xf32>, vector<2048x128xf32> -> vector<2048x128xf32>
    %add3A_19 = arith.addf %get3A_14, %dot_general3A_18 : vector<2048x128xf32>
    %get3A_20 = arith.constant 0 : index
    %get3A_21 = arith.constant 0 : index
    %get3A_22 = vector.load %arg7[%get3A_20, %get3A_21] : memref<1x128xf32, #tpu.memory_space<vmem>>, vector<1x128xf32>
    %add3A_23 = vector.broadcast %get3A_22 : vector<1x128xf32> to vector<2048x128xf32>
    %add3A_24 = arith.addf %add3A_19, %add3A_23 : vector<2048x128xf32>
    %tanh3A = math.tanh %add3A_24 : vector<2048x128xf32>
    %get3A_25 = arith.constant 0 : index
    %get3A_26 = arith.constant 0 : index
    %get3A_27 = vector.load %arg4[%get3A_25, %get3A_26] : memref<2048x128xf32, #tpu.memory_space<vmem>>, vector<2048x128xf32>
    %sub3A = arith.constant 1.000000e+00 : f32
    %sub3A_28 = vector.broadcast %sub3A : f32 to vector<2048x128xf32>
    %sub3A_29 = arith.subf %sub3A_28, %get3A_27 : vector<2048x128xf32>
    %get3A_30 = arith.constant 0 : index
    %get3A_31 = arith.constant 0 : index
    %get3A_32 = vector.load %arg5[%get3A_30, %get3A_31] : memref<2048x128xf32, #tpu.memory_space<vmem>>, vector<2048x128xf32>
    %sub3A_33 = arith.subf %tanh3A, %get3A_32 : vector<2048x128xf32>
    %mul3A_34 = arith.mulf %sub3A_29, %sub3A_33 : vector<2048x128xf32>
    %mul3A_35 = arith.mulf %mul3A_34, %mul3A_34 : vector<2048x128xf32>
    %reduce_sum3A = arith.constant dense<0.000000e+00> : vector<2048xf32>
    %reduce_sum3A_36 = vector.multi_reduction <add>, %mul3A_35, %reduce_sum3A [1] : vector<2048x128xf32> to vector<2048xf32>
    %broadcast_in_dim3A = vector.shape_cast %reduce_sum3A_36 : vector<2048xf32> to vector<2048x1xf32>
    %sqrt3A = math.sqrt %broadcast_in_dim3A : vector<2048x1xf32>
    %max3A = arith.constant 9.99999996E-13 : f32
    %max3A_37 = vector.broadcast %max3A : f32 to vector<2048x1xf32>
    %max3A_38 = arith.maximumf %sqrt3A, %max3A_37 : vector<2048x1xf32>
    %div3A = vector.broadcast %max3A_38 : vector<2048x1xf32> to vector<2048x128xf32>
    %div3A_39 = arith.divf %mul3A_34, %div3A : vector<2048x128xf32>
    %swap3A = arith.constant 0 : index
    %swap3A_40 = arith.constant 0 : index
    %swap3A_41 = vector.load %arg8[%swap3A, %swap3A_40] : memref<2048x128xf32, #tpu.memory_space<vmem>>, vector<2048x128xf32>
    tpu.vector_store %arg8[%swap3A, %swap3A_40], %div3A_39 {strides = array<i32>} : memref<2048x128xf32, #tpu.memory_space<vmem>>, vector<2048x128xf32>,
    return
  }
  func.func @transform_0(%arg0: i32) -> (i32, i32, i32) {
    %c0_i32 = arith.constant 0 : i32
    %c0_i32_0 = arith.constant 0 : i32
    %c0_i32_1 = arith.constant 0 : i32
    return %c0_i32, %arg0, %c0_i32_0 : i32, i32, i32
  }
  func.func @transform_1(%arg0: i32) -> (i32, i32) {
    %c0_i32 = arith.constant 0 : i32
    %c0_i32_0 = arith.constant 0 : i32
    return %arg0, %c0_i32 : i32, i32
  }
  func.func @transform_2(%arg0: i32) -> (i32, i32) {
    %c0_i32 = arith.constant 0 : i32
    %c0_i32_0 = arith.constant 0 : i32
    return %arg0, %c0_i32 : i32, i32
  }
  func.func @transform_3(%arg0: i32) -> (i32, i32) {
    %c0_i32 = arith.constant 0 : i32
    %c0_i32_0 = arith.constant 0 : i32
    return %arg0, %c0_i32 : i32, i32
  }
  func.func @transform_4(%arg0: i32) -> (i32, i32) {
    %c0_i32 = arith.constant 0 : i32
    %c0_i32_0 = arith.constant 0 : i32
    return %arg0, %c0_i32 : i32, i32
  }
  func.func @transform_5(%arg0: i32) -> (i32, i32) {
    %c0_i32 = arith.constant 0 : i32
    %c0_i32_0 = arith.constant 0 : i32
    %c0_i32_1 = arith.constant 0 : i32
    return %c0_i32, %c0_i32_0 : i32, i32
  }
  func.func @transform_6(%arg0: i32) -> (i32, i32) {
    %c0_i32 = arith.constant 0 : i32
    %c0_i32_0 = arith.constant 0 : i32
    %c0_i32_1 = arith.constant 0 : i32
    return %c0_i32, %c0_i32_0 : i32, i32
  }
  func.func @transform_7(%arg0: i32) -> (i32, i32) {
    %c0_i32 = arith.constant 0 : i32
    %c0_i32_0 = arith.constant 0 : i32
    return %arg0, %c0_i32 : i32, i32
  }
}

</mosaic_0001>

<sc_bundles>
// kernel: kernel.11.cloned.1.call-start
scs
__scs_entry_jumppad:
0x0: {  	(pc) =	sbr.rel $0x88, $3  }
0x1: {  	(tag) =	ssettag $0x0;
	lr =	simm.s32 $0x1  }
0x2: {  	[smem:$0x3F90] =	sst lr;
	_ =	strace $0xD0000000  }
0x3: {  	_ = 	snop  }
0x4: {  	_ = 	snop  }
0x5: {  	_ = 	snop  }
0x6: {  	_ = 	snop  }
0x7: {  	_ = 	snop  }
__scs_overlays_trampoline_lowered:
0x8: {  	[smem:$0x3F9F] =	sst s0  }
0x9: {  	[smem:$0x3FA0] =	sst s1  }
0xa: {  	[smem:$0x3FA1] =	sst s2  }
0xb: {  	[smem:$0x3FA2] =	sst s3  }
0xc: {  	[smem:$0x3FA3] =	sst s4  }
0xd: {  	[smem:$0x3FA4] =	sst s5  }
0xe: {  	[smem:$0x3FA5] =	sst s6  }
0xf: {  	[smem:$0x3FA6] =	sst s7  }
0x10: {  	[smem:$0x3FA7] =	sst s8  }
0x11: {  	[smem:$0x3FA8] =	sst s9;
	s0 =	simm.s32 @!p0 $0x0  }
0x12: {  	s1 =	sld [smem:$0x3F8E];
	s0 =	simm.s32 @p0 $0x1  }
0x13: {  	[smem:$0x3FA9] =	sst s0;
	s0 =	simm.s32 @!p1 $0x0  }
0x14: {  	s2 =	sld [smem:$0x3F8D];
	s0 =	simm.s32 @p1 $0x1  }
0x15: {  	[smem:$0x3FAA] =	sst s0;
	s0 =	simm.s32 @!p2 $0x0  }
0x16: {  	s3 =	sld [smem:$0x3FDB];
	s0 =	simm.s32 @p2 $0x1  }
0x17: {  	s4 =	simm.s32 $0x1BF5;
	[smem:$0x3FAC] =	sst s0  }
0x18: {  	s0 =	sld [smem:$0x3F8F];
	_ =	swait.ge [sflag:s4], $0x0  }
0x19: {  	s7 =	sld [smem:$0x3F90]  }
0x1a: {  	s8 =	sadd.s32 $0xFFFFE003, lr  }
0x1b: {  	s9 =	sadd.s32 $0xFFFFFEF7, lr;
	s5 =	simm.s32 $0xFFFFFFFF;
	p2 =	slt.u32 s8, $0xFFFFF086  }
0x1c: {  	p1 =	slt.u32 s9, $0xF7A;
	s5 =	simm.s32 @!p2 $0x0  }
0x1d: {  	s5 =	simm.s32 @p1 $0x1;
	p0 =	seq.s32 s7, s2  }
0x1e: {  	s7 =	smul.u32 @!p0 $0xF7A, s2;
	p2 =	seq.s32 @!p0 s5, $0x0  }
0x1f: {  	s9 =	smul.u32 $0xF7A, s1;
	s8 =	simm.s32 @!p0 $0x1BF5;
	p2 =	por !p2, p0  }
0x20: {  	[sflag:s8] =	ssyncset.s32 @!p0 $0xFFFFF086;
	s6 =	sadd.s32 @!p0 s3, s7;
	s7 =	simm.s32 @!p0 $0x108  }
0x21: {  	s3 =	sadd.s32 s3, s9;
	s6 =	sadd.s32 @!p0 $0x88, s6;
	s7 =	simm.s32 @p2 $0x1082  }
0x22: {  	[simem:s7], [sflag:s8] =	dma.local @!p0 [hbm:s6], $0xF7A  }
0x23: {  	s9 =	sor.u32 $0xD0000000, s2;
	s6 =	simm.s32 $0x108;
	_ =	swait.ge @!p0 [sflag:s8], $0x0  }
0x24: {  	s3 =	sadd.s32 $0x88, s3;
	s6 =	simm.s32 @!p1 $0x1082;
	[sflag:s4] =	ssyncset.s32 $0xFFFFF086  }
0x25: {  	[simem:s6], [sflag:s4] =	dma.local [hbm:s3], $0xF7A  }
0x26: {  	[smem:$0x3F90] =	sst s1;
	(tag) =	ssettag s2;
	_ =	strace s9  }
0x27: {  	s1 =	sld [smem:$0x3FA0]  }
0x28: {  	s2 =	sld [smem:$0x3FA1]  }
0x29: {  	s4 =	sld [smem:$0x3FA3]  }
0x2a: {  	p0 =	seq.s32 s5, $0x0;
	s5 =	sld [smem:$0x3FA4]  }
0x2b: {  	s6 =	sld [smem:$0x3FA5]  }
0x2c: {  	s7 =	sld [smem:$0x3FA6]  }
0x2d: {  	s3 =	simm.s32 $0x108;
	s8 =	sld [smem:$0x3FA7]  }
0x2e: {  	s3 =	simm.s32 @!p0 $0x1082;
	s9 =	sld [smem:$0x3FA8]  }
0x2f: {  	lr =	sadd.s32 s0, s3;
	s0 =	sld [smem:$0x3F9F]  }
0x30: {  	s3 =	sld [smem:$0x3FA2]  }
0x31: {  	[smem:$0x3FAB] =	sst s10  }
0x32: {  	s10 =	sld [smem:$0x3FA9];
	_ =	sdelay $0x3  }
0x33: {  	p0 =	seq.s32 s10, $0x1;
	s10 =	sld [smem:$0x3FAB];
	_ =	sdelay $0x3  }
0x34: {  	[smem:$0x3FAB] =	sst s10  }
0x35: {  	s10 =	sld [smem:$0x3FAA];
	_ =	sdelay $0x3  }
0x36: {  	p1 =	seq.s32 s10, $0x1;
	s10 =	sld [smem:$0x3FAB];
	_ =	sdelay $0x3  }
0x37: {  	[smem:$0x3FAB] =	sst s10  }
0x38: {  	s10 =	sld [smem:$0x3FAC]  }
0x39: {  	_ = 	snop;
	(pc) =	sbr.ind lr, $3  }
0x3a: {  	_ = 	snop  }
0x3b: {  	_ = 	snop  }
0x3c: {  	p2 =	seq.s32 s10, $0x1;
	s10 =	sld [smem:$0x3FAB]  }
0x3d: {  	_ =	shalt  }
0x3e: {  	_ =	shalt  }
0x3f: {  	_ =	shalt  }
0x40: {  	_ =	shalt  }
0x41: {  	_ =	shalt  }
0x42: {  	_ =	shalt  }
0x43: {  	_ =	shalt  }
0x44: {  	_ =	shalt  }
0x45: {  	_ =	shalt  }
0x46: {  	_ =	shalt  }
0x47: {  	_ =	shalt  }
0x48: {  	_ =	shalt  }
0x49: {  	_ =	shalt  }
0x4a: {  	_ =	shalt  }
0x4b: {  	_ =	shalt  }
0x4c: {  	_ =	shalt  }
0x4d: {  	_ =	shalt  }
0x4e: {  	_ =	shalt  }
0x4f: {  	_ =	shalt  }
0x50: {  	_ =	shalt  }
0x51: {  	_ =	shalt  }
0x52: {  	_ =	shalt  }
0x53: {  	_ =	shalt  }
0x54: {  	_ =	shalt  }
0x55: {  	_ =	shalt  }
0x56: {  	_ =	shalt  }
0x57: {  	_ =	shalt  }
0x58: {  	_ =	shalt  }
0x59: {  	_ =	shalt  }
0x5a: {  	_ =	shalt  }
0x5b: {  	_ =	shalt  }
0x5c: {  	_ =	shalt  }
0x5d: {  	_ =	shalt  }
0x5e: {  	_ =	shalt  }
0x5f: {  	_ =	shalt  }
0x60: {  	_ =	shalt  }
0x61: {  	_ =	shalt  }
0x62: {  	_ =	shalt  }
0x63: {  	_ =	shalt  }
0x64: {  	_ =	shalt  }
0x65: {  	_ =	shalt  }
0x66: {  	_ =	shalt  }
0x67: {  	_ =	shalt  }
0x68: {  	_ =	shalt  }
0x69: {  	_ =	shalt  }
0x6a: {  	_ =	shalt  }
0x6b: {  	_ =	shalt  }
0x6c: {  	_ =	shalt  }
0x6d: {  	_ =	shalt  }
0x6e: {  	_ =	shalt  }
0x6f: {  	_ =	shalt  }
0x70: {  	_ =	shalt  }
0x71: {  	_ =	shalt  }
0x72: {  	_ =	shalt  }
0x73: {  	_ =	shalt  }
0x74: {  	_ =	shalt  }
0x75: {  	_ =	shalt  }
0x76: {  	_ =	shalt  }
0x77: {  	_ =	shalt  }
0x78: {  	_ =	shalt  }
0x79: {  	_ =	shalt  }
0x7a: {  	_ =	shalt  }
0x7b: {  	_ =	shalt  }
0x7c: {  	_ =	shalt  }
0x7d: {  	_ =	shalt  }
0x7e: {  	_ =	shalt  }
0x7f: {  	_ =	shalt  }
0x80: {  	_ =	shalt  }
0x81: {  	_ =	shalt  }
0x82: {  	_ =	shalt  }
0x83: {  	_ =	shalt  }
0x84: {  	_ =	shalt  }
0x85: {  	_ =	shalt  }
0x86: {  	_ =	shalt  }
0x87: {  	_ =	shalt  }
.Lfunc_end0:
.L_simem_size_0:
called_computation.1_lowered:
.L_overlay_start_0:
0x88: {  	s2 =	sld [smem:$0x3FD9]  }
0x89: {  	s3 =	sld [smem:$0x3FFE];
	_ =	sdelay $0x1  }
0x8a: {  	s1 =	srdreg.scid  }
0x8b: {  	s0 =	sand.u32 $0x1, s1  }
0x8c: {  	s16 =	sshll.u32 s0, $0xA;
	s2 =	sadd.s32 s3, s2  }
0x8d: {  	s2 =	sadd.s32 s2, s16  }
0x8e: {  	[smem:$0x3FB7] =	sst s2  }
0x8f: {  	_ = 	snop  }
0x90: {  	(tm) =	ssettm $0x1  }
0x91: {  	s17 =	sld [smem:$0x3FFB];
	_ =	sdelay $0x3  }
0x92: {  	_ =	strace s17  }
0x93: {  	s2 =	sld [smem:$0x3FFC];
	_ =	sdelay $0x3  }
0x94: {  	_ =	strace s2  }
0x95: {  	s2 =	sld [smem:$0x3FFD];
	_ =	sdelay $0x3  }
0x96: {  	_ =	strace s2  }
0x97: {  	_ =	strace $0x8FFFFFFF  }
0x98: {  	s18 =	sld [smem:$0x3FDB];
	_ =	sdelay $0x1  }
0x99: {  	s19 =	simm.s32 $_scs_section_size  }
0x9a: {  	s4 =	simm.s32 $_size__tile_overlayer_lowered;
	s5 =	simm.s32 $_tile_overlayer_lowered  }
0x9b: {  	s22 =	simm.s32 $0x1BFF;
	s21 =	sshll.u32 s5, $0x1;
	s2 =	sadd.s32 s19, s18  }
0x9c: {  	s6 =	simm.s32 $0x0;
	s20 =	sshll.u32 s4, $0x1;
	s4 =	sadd.s32 s21, s2  }
0x9d: {  	[timem:s6], [sflag:s22] =	dma.local [hbm:s4], s20  }
0x9e: {  	_ =	swait.ge [sflag:s22], s20  }
0x9f: {  	s3 =	ssub.s32 $0x0, s20;
	[sflag:s22] =	ssyncset.done $0x0  }
0xa0: {  	[sflag:s22] =	ssyncadd.s32 s3;
	_ =	sdelay $0x1  }
0xa1: {  	s23 =	simm.s32 $0x1B8B  }
0xa2: {  	_ =	swait.ge [sflag:s23], $0x1  }
0xa3: {  	[sflag:s23] =	ssyncset.done $0x0  }
0xa4: {  	s25 =	simm.s32 $0x1B8E;
	s24 =	sld [smem:$0x3FFE];
	[sflag:s23] =	ssyncadd.s32 $0xFFFFFFFF  }
0xa5: {  	s26 =	simm.s32 $execute0_lowered;
	[smem:$0x3FD2] =	sst s25  }
0xa6: {  	s4 =	sshll.u32 s26, $0x1;
	_ =	strace $0x80000049;
	[dreg:$0x1] =	wrdreg $0xFFFFFFFF  }
0xa7: {  	s28 =	simm.s32 $_size_execute0_lowered;
	s2 =	sadd.s32 s2, s4;
	[dreg:$0x0] =	wrdreg $0x0  }
0xa8: {  	s4 =	sshll.u32 s28, $0x1;
	[dreg:$0x2] =	wrdreg s2  }
0xa9: {  	[dreg:$0x3] =	wrdreg s4  }
0xaa: {  	[dreg:$0x4] =	wrdreg $0xC0  }
0xab: {  	_ =	task [dreg:s6], $0x5FFFF  }
0xac: {  	[dreg:$0x1] =	wrdreg $0xFFFFFFFF  }
0xad: {  	[dreg:$0x0] =	wrdreg $0x60  }
0xae: {  	[dreg:$0x2] =	wrdreg s24  }
0xaf: {  	[dreg:$0x3] =	wrdreg $0xB0000  }
0xb0: {  	[dreg:$0x4] =	wrdreg $0x9  }
0xb1: {  	_ =	task.clear_ibuf [dreg:s6], $0x5FFFF;
	_ =	strace $0x90000049  }
0xb2: {  	s29 =	simm.s32 $0x9;
	_ =	strace $0x8000004B  }
0xb3: {  	_ =	swait.ge [sflag:s29], $0x1  }
0xb4: {  	[sflag:s29] =	ssyncadd.s32 $0xFFFFFFFF  }
0xb5: {  	_ =	strace $0x9000004B  }
0xb6: {  	_ =	sfence  }
0xb7: {  	s30 =	sld [smem:$0x0];
	_ =	sdelay $0x2  }
0xb8: {  	s31 =	sshll.u32 s1, $0xD;
	s1 =	sshrl.u32 s1, $0x2  }
0xb9: {  	s3 =	sand.u32 $0x4000, s31;
	s1 =	sadd.s32 s1, s30  }
0xba: {  	s0 =	sor.u32 s3, s0;
	s1 =	sshll.u32 s1, $0x11  }
0xbb: {  	s0 =	sor.u32 s1, s0  }
0xbc: {  	s0 =	sadd.s32 $0x8F2B, s0  }
0xbd: {  	[sflag:s0] =	ssyncadd.remote.s32 $0x1  }
0xbe: {  	_ =	sfence.sel $0xFFFF  }
0xbf: {  	[dreg:$0x0] =	wrdreg $0xFFFFFFFF;
	(pc) =	sbr.abs _section_cstart, $3  }
0xc0: {  	[dreg:$0x1] =	wrdreg $0xFFFFFFFF  }
0xc1: {  	_ =	task.clear_ibuf [dreg:s6], $0x2FFFF;
	_ =	strace $0x9FFFFFFF  }
0xc2: {  	(tm) =	ssettm $0x7FFFFFFF  }
0xc3: {  	_ =	shalt  }
tec
execute0_lowered:
.L_overlay_start_1:
0x0: {  	(tag) =	ssettag $0x1  }
0x1: {  	s0 =	rddreg [dreg:$0x0]  }
0x2: {  	s1 =	rddreg [dreg:$0x1];
	s11 =	stileid.u32  }
0x3: {  	s2 =	srdreg.scid;
	s8 =	smul.u32 $0x14000, s11  }
0x4: {  	s3 =	simm.s32 $0x0;
	s2 =	sand.u32 $0x1, s2;
	s9 =	smul.u32 $0x50000, s11  }
0x5: {  	[smem:$0x7FF] =	sst s3;
	s4 =	smul.u32 $0x27100, s2  }
0x6: {  	s5 =	sadd.s32 $0xE400, s0;
	s7 =	smul.u32 $0x140000, s2;
	s2 =	ssub.s32 $0x2, s2  }
0x7: {  	s6 =	sadd.s32 $0x19000, s0;
	_ =	strace $0x8000004A;
	s25 =	sshrl.u32 s2, $0x1  }
0x8: {  	s9 =	sshrl.u32 s9, $0x2;
	s10 =	sadd.s32 s4, s0;
	s8 =	sadd.s32 s8, s7  }
0x9: {  	s4 =	sadd.s32 $0x4400, s0;
	s2 =	ssub.s32 s2, s25;
	s8 =	sshrl.u32 s8, $0x3  }
0xa: {  	s7 =	sadd.s32 $0x23000, s0;
	s26 =	smax.u32 s2, $0x1;
	s0 =	sadd.s32 s8, s0  }
0xb: {  	s8 =	sadd.s32 s9, s1;
	[dreg:$0x4] =	wrdreg s26;
	s0 =	sadd.s32 $0x7B200, s0  }
0xc: {  	s2 =	sadd.s32 $0x800, s8;
	[dreg:$0x3] =	wrdreg s0  }
0xd: {  	s9 =	smul.u32 $0xA0, s11;
	s11 =	sadd.s32 $0x1000, s8;
	[dreg:$0x5] =	wrdreg s2  }
0xe: {  	s12 =	sadd.s32 $0x1800, s8;
	[dreg:$0x6] =	wrdreg s11  }
0xf: {  	s13 =	sadd.s32 $0x2000, s8;
	[dreg:$0x7] =	wrdreg s12  }
0x10: {  	s14 =	sadd.s32 $0x2800, s8;
	[dreg:$0x8] =	wrdreg s13  }
0x11: {  	s15 =	sadd.s32 $0x3000, s8;
	[dreg:$0x9] =	wrdreg s14  }
0x12: {  	s16 =	sadd.s32 $0x3800, s8;
	[dreg:$0xa] =	wrdreg s15  }
0x13: {  	s17 =	sadd.s32 $0x4000, s8;
	[dreg:$0xb] =	wrdreg s16  }
0x14: {  	s18 =	sadd.s32 $0x4800, s8;
	[dreg:$0xc] =	wrdreg s17  }
0x15: {  	s19 =	sadd.s32 $0x5000, s8;
	[dreg:$0xd] =	wrdreg s18  }
0x16: {  	s20 =	sadd.s32 $0x5800, s8;
	[dreg:$0xe] =	wrdreg s19  }
0x17: {  	s21 =	sadd.s32 $0x6000, s8;
	[dreg:$0xf] =	wrdreg s20  }
0x18: {  	s22 =	sadd.s32 $0x6800, s8;
	[dreg:$0x10] =	wrdreg s21  }
0x19: {  	s23 =	sadd.s32 $0x7000, s8;
	[dreg:$0x11] =	wrdreg s22  }
0x1a: {  	s24 =	sadd.s32 $0x7800, s8;
	[dreg:$0x12] =	wrdreg s23  }
0x1b: {  	s25 =	sadd.s32 $0x8000, s8;
	[dreg:$0x13] =	wrdreg s24  }
0x1c: {  	s26 =	sadd.s32 $0x8800, s8;
	[dreg:$0x14] =	wrdreg s25  }
0x1d: {  	[dreg:$0x15] =	wrdreg s26;
	s2 =	sadd.s32 $0x9000, s8  }
0x1e: {  	s11 =	sadd.s32 $0x9800, s8;
	[dreg:$0x16] =	wrdreg s2  }
0x1f: {  	s12 =	sadd.s32 $0xA000, s8;
	[dreg:$0x17] =	wrdreg s11  }
0x20: {  	s13 =	sadd.s32 $0xA800, s8;
	[dreg:$0x18] =	wrdreg s12  }
0x21: {  	s14 =	sadd.s32 $0xB000, s8;
	[dreg:$0x19] =	wrdreg s13  }
0x22: {  	s15 =	sadd.s32 $0xB800, s8;
	[dreg:$0x1a] =	wrdreg s14  }
0x23: {  	s16 =	sadd.s32 $0xC000, s8;
	[dreg:$0x1b] =	wrdreg s15  }
0x24: {  	s17 =	sadd.s32 $0xC800, s8;
	[dreg:$0x1c] =	wrdreg s16  }
0x25: {  	s18 =	sadd.s32 $0xD000, s8;
	[dreg:$0x1d] =	wrdreg s17  }
0x26: {  	s19 =	sadd.s32 $0xD800, s8;
	[dreg:$0x1e] =	wrdreg s18  }
0x27: {  	s20 =	sadd.s32 $0xE000, s8;
	[dreg:$0x1f] =	wrdreg s19  }
0x28: {  	s21 =	sadd.s32 $0xE800, s8;
	[smem:$0x7F7] =	sst s20  }
0x29: {  	s22 =	sadd.s32 $0xF000, s8;
	[smem:$0x7F8] =	sst s21  }
0x2a: {  	s31 =	simm.s32 $0xA800;
	s23 =	sadd.s32 $0xF800, s8;
	[smem:$0x7F9] =	sst s22  }
0x2b: {  	s10 =	sadd.s32 $0x2D000, s10;
	s24 =	sadd.s32 $0x10000, s8;
	[smem:$0x7FA] =	sst s23  }
0x2c: {  	s28 =	sadd.s32 $0x12800, s8;
	s25 =	sadd.s32 $0x10800, s8;
	[smem:$0x7FB] =	sst s24  }
0x2d: {  	s29 =	sadd.s32 $0x13000, s8;
	s26 =	sadd.s32 $0x11000, s8;
	[smem:$0x7FC] =	sst s25  }
0x2e: {  	s30 =	sadd.s32 $0x13800, s8;
	s0 =	simm.s32 $0x1;
	[smem:$0x7FD] =	sst s26  }
0x2f: {  	s25 =	sadd.s32 $0x11800, s8;
	s26 =	sadd.s32 $0x12000, s8;
	s2 =	simm.s32 $0x1400  }
0x30: {  	s11 =	simm.s32 $0x2;
	s12 =	simm.s32 $0x80;
	s13 =	simm.s32 $0x2800  }
0x31: {  	s14 =	simm.s32 $0x6800;
	s15 =	simm.s32 $0x3;
	s16 =	simm.s32 $0x4  }
0x32: {  	v0 =	vimm.f32 $0.0e+00;
	s17 =	simm.s32 $0x2700;
	s18 =	simm.s32 $0x2780;
	s19 =	simm.s32 $0x5  }
.LBB2_1:
0x33: {  	s20 =	simm.s32 $0x0;
	s21 =	simm.s32 $0x200  }
.LBB2_2:
0x34: {  	p0 =	sne.s32 s21, $0x1E00;
	[tilespmem:s20+$0xA870] =	vst v0  }
0x35: {  	[tilespmem:s20+$0xA800] =	vst v0  }
0x36: {  	[tilespmem:s20+$0xA810] =	vst v0  }
.Ltmp0:
0x37: {  	[tilespmem:s20+$0xA820] =	vst v0;
	(pc) =	sbr.rel @p0 .LBB2_2-.Ltmp0, $4  }
0x38: {  	[tilespmem:s20+$0xA830] =	vst v0  }
0x39: {  	[tilespmem:s20+$0xA840] =	vst v0  }
0x3a: {  	[tilespmem:s20+$0xA850] =	vst v0  }
0x3b: {  	[tilespmem:s20+$0xA860] =	vst v0;
	s20 =	sshra.s32 s21, $0x2;
	s21 =	sadd.s32 $0x200, s21  }
0x3c: {  	[tilespmem:s20+$0xA870] =	vst v0  }
0x3d: {  	[tilespmem:s20+$0xA800] =	vst v0  }
0x3e: {  	[tilespmem:s20+$0xA810] =	vst v0  }
0x3f: {  	[tilespmem:s20+$0xA820] =	vst v0  }
0x40: {  	[tilespmem:s20+$0xA830] =	vst v0  }
0x41: {  	[tilespmem:s20+$0xA840] =	vst v0  }
0x42: {  	[tilespmem:s20+$0xA850] =	vst v0  }
0x43: {  	[tilespmem:s20+$0xA860] =	vst v0;
	s23 =	rddreg [dreg:$0x5]  }
0x44: {  	[spmem:s8] =	stream.linear.scatter [tilespmem:s31], [sflag:$0x1], $0x800, $0x38;
	[tilespmem:$0x1F000] =	vst v63  }
0x45: {  	s24 =	rddreg [dreg:$0x6]  }
0x46: {  	[spmem:s23] =	stream.linear.scatter [tilespmem:s31], [sflag:$0x1], $0x800, $0x38;
	[tilespmem:$0x1F000] =	vst v63  }
0x47: {  	s21 =	rddreg [dreg:$0x7]  }
0x48: {  	[spmem:s24] =	stream.linear.scatter [tilespmem:s31], [sflag:$0x1], $0x800, $0x38;
	[tilespmem:$0x1F000] =	vst v63  }
0x49: {  	s22 =	rddreg [dreg:$0x8]  }
0x4a: {  	[spmem:s21] =	stream.linear.scatter [tilespmem:s31], [sflag:$0x1], $0x800, $0x38;
	[tilespmem:$0x1F000] =	vst v63  }
0x4b: {  	s23 =	rddreg [dreg:$0x9]  }
0x4c: {  	[spmem:s22] =	stream.linear.scatter [tilespmem:s31], [sflag:$0x1], $0x800, $0x38;
	[tilespmem:$0x1F000] =	vst v63  }
0x4d: {  	s24 =	rddreg [dreg:$0xa]  }
0x4e: {  	[spmem:s23] =	stream.linear.scatter [tilespmem:s31], [sflag:$0x1], $0x800, $0x38;
	[tilespmem:$0x1F000] =	vst v63  }
0x4f: {  	s21 =	rddreg [dreg:$0xb]  }
0x50: {  	[spmem:s24] =	stream.linear.scatter [tilespmem:s31], [sflag:$0x1], $0x800, $0x38;
	[tilespmem:$0x1F000] =	vst v63  }
0x51: {  	s22 =	rddreg [dreg:$0xc]  }
0x52: {  	[spmem:s21] =	stream.linear.scatter [tilespmem:s31], [sflag:$0x1], $0x800, $0x38;
	[tilespmem:$0x1F000] =	vst v63  }
0x53: {  	s23 =	rddreg [dreg:$0xd]  }
0x54: {  	[spmem:s22] =	stream.linear.scatter [tilespmem:s31], [sflag:$0x1], $0x800, $0x38;
	[tilespmem:$0x1F000] =	vst v63  }
0x55: {  	s24 =	rddreg [dreg:$0xe]  }
0x56: {  	[spmem:s23] =	stream.linear.scatter [tilespmem:s31], [sflag:$0x1], $0x800, $0x38;
	[tilespmem:$0x1F000] =	vst v63  }
0x57: {  	s21 =	rddreg [dreg:$0xf]  }
0x58: {  	[spmem:s24] =	stream.linear.scatter [tilespmem:s31], [sflag:$0x1], $0x800, $0x38;
	[tilespmem:$0x1F000] =	vst v63  }
0x59: {  	s22 =	rddreg [dreg:$0x10]  }
0x5a: {  	[spmem:s21] =	stream.linear.scatter [tilespmem:s31], [sflag:$0x1], $0x800, $0x38;
	[tilespmem:$0x1F000] =	vst v63  }
0x5b: {  	s23 =	rddreg [dreg:$0x11]  }
0x5c: {  	[spmem:s22] =	stream.linear.scatter [tilespmem:s31], [sflag:$0x1], $0x800, $0x38;
	[tilespmem:$0x1F000] =	vst v63  }
0x5d: {  	s24 =	rddreg [dreg:$0x12]  }
0x5e: {  	[spmem:s23] =	stream.linear.scatter [tilespmem:s31], [sflag:$0x1], $0x800, $0x38;
	[tilespmem:$0x1F000] =	vst v63  }
0x5f: {  	s21 =	rddreg [dreg:$0x13]  }
0x60: {  	[spmem:s24] =	stream.linear.scatter [tilespmem:s31], [sflag:$0x1], $0x800, $0x38;
	[tilespmem:$0x1F000] =	vst v63  }
0x61: {  	s22 =	rddreg [dreg:$0x14]  }
0x62: {  	[spmem:s21] =	stream.linear.scatter [tilespmem:s31], [sflag:$0x1], $0x800, $0x38;
	[tilespmem:$0x1F000] =	vst v63  }
0x63: {  	s23 =	rddreg [dreg:$0x15]  }
0x64: {  	[spmem:s22] =	stream.linear.scatter [tilespmem:s31], [sflag:$0x1], $0x800, $0x38;
	[tilespmem:$0x1F000] =	vst v63  }
0x65: {  	s24 =	rddreg [dreg:$0x16]  }
0x66: {  	[spmem:s23] =	stream.linear.scatter [tilespmem:s31], [sflag:$0x1], $0x800, $0x38;
	[tilespmem:$0x1F000] =	vst v63  }
0x67: {  	s21 =	rddreg [dreg:$0x17]  }
0x68: {  	[spmem:s24] =	stream.linear.scatter [tilespmem:s31], [sflag:$0x1], $0x800, $0x38;
	[tilespmem:$0x1F000] =	vst v63  }
0x69: {  	s22 =	rddreg [dreg:$0x18]  }
0x6a: {  	[spmem:s21] =	stream.linear.scatter [tilespmem:s31], [sflag:$0x1], $0x800, $0x38;
	[tilespmem:$0x1F000] =	vst v63  }
0x6b: {  	s23 =	rddreg [dreg:$0x19]  }
0x6c: {  	[spmem:s22] =	stream.linear.scatter [tilespmem:s31], [sflag:$0x1], $0x800, $0x38;
	[tilespmem:$0x1F000] =	vst v63  }
0x6d: {  	s24 =	rddreg [dreg:$0x1a]  }
0x6e: {  	[spmem:s23] =	stream.linear.scatter [tilespmem:s31], [sflag:$0x1], $0x800, $0x38;
	[tilespmem:$0x1F000] =	vst v63  }
0x6f: {  	s21 =	rddreg [dreg:$0x1b]  }
0x70: {  	[spmem:s24] =	stream.linear.scatter [tilespmem:s31], [sflag:$0x1], $0x800, $0x38;
	[tilespmem:$0x1F000] =	vst v63  }
0x71: {  	s22 =	rddreg [dreg:$0x1c]  }
0x72: {  	[spmem:s21] =	stream.linear.scatter [tilespmem:s31], [sflag:$0x1], $0x800, $0x38;
	[tilespmem:$0x1F000] =	vst v63  }
0x73: {  	s23 =	rddreg [dreg:$0x1d]  }
0x74: {  	[spmem:s22] =	stream.linear.scatter [tilespmem:s31], [sflag:$0x1], $0x800, $0x38;
	[tilespmem:$0x1F000] =	vst v63  }
0x75: {  	s24 =	rddreg [dreg:$0x1e]  }
0x76: {  	[spmem:s23] =	stream.linear.scatter [tilespmem:s31], [sflag:$0x1], $0x800, $0x38;
	[tilespmem:$0x1F000] =	vst v63  }
0x77: {  	s21 =	rddreg [dreg:$0x1f]  }
0x78: {  	[spmem:s24] =	stream.linear.scatter [tilespmem:s31], [sflag:$0x1], $0x800, $0x38;
	[tilespmem:$0x1F000] =	vst v63  }
0x79: {  	s22 =	sld [smem:$0x7F7]  }
0x7a: {  	[spmem:s21] =	stream.linear.scatter [tilespmem:s31], [sflag:$0x1], $0x800, $0x38;
	[tilespmem:$0x1F000] =	vst v63  }
0x7b: {  	s23 =	sld [smem:$0x7F8]  }
0x7c: {  	[spmem:s22] =	stream.linear.scatter [tilespmem:s31], [sflag:$0x1], $0x800, $0x38;
	[tilespmem:$0x1F000] =	vst v63  }
0x7d: {  	s24 =	sld [smem:$0x7F9]  }
0x7e: {  	[spmem:s23] =	stream.linear.scatter [tilespmem:s31], [sflag:$0x1], $0x800, $0x38;
	[tilespmem:$0x1F000] =	vst v63  }
0x7f: {  	s21 =	sld [smem:$0x7FA]  }
0x80: {  	[spmem:s24] =	stream.linear.scatter [tilespmem:s31], [sflag:$0x1], $0x800, $0x38;
	[tilespmem:$0x1F000] =	vst v63  }
0x81: {  	s22 =	sld [smem:$0x7FB]  }
0x82: {  	[spmem:s21] =	stream.linear.scatter [tilespmem:s31], [sflag:$0x1], $0x800, $0x38;
	[tilespmem:$0x1F000] =	vst v63  }
0x83: {  	s23 =	sld [smem:$0x7FC]  }
0x84: {  	[spmem:s22] =	stream.linear.scatter [tilespmem:s31], [sflag:$0x1], $0x800, $0x38;
	[tilespmem:$0x1F000] =	vst v63  }
0x85: {  	s24 =	sld [smem:$0x7FD]  }
0x86: {  	[spmem:s23] =	stream.linear.scatter [tilespmem:s31], [sflag:$0x1], $0x800, $0x38;
	[tilespmem:$0x1F000] =	vst v63  }
0x87: {  	_ = 	snop  }
0x88: {  	[spmem:s24] =	stream.linear.scatter [tilespmem:s31], [sflag:$0x1], $0x800, $0x38;
	[tilespmem:$0x1F000] =	vst v63  }
0x89: {  	_ = 	snop  }
0x8a: {  	[spmem:s25] =	stream.linear.scatter [tilespmem:s31], [sflag:$0x1], $0x800, $0x38;
	[tilespmem:$0x1F000] =	vst v63  }
0x8b: {  	_ = 	snop  }
0x8c: {  	[spmem:s26] =	stream.linear.scatter [tilespmem:s31], [sflag:$0x1], $0x800, $0x38;
	[tilespmem:$0x1F000] =	vst v63  }
0x8d: {  	_ = 	snop  }
0x8e: {  	[spmem:s28] =	stream.linear.scatter [tilespmem:s31], [sflag:$0x1], $0x800, $0x38;
	[tilespmem:$0x1F000] =	vst v63  }
0x8f: {  	_ = 	snop  }
0x90: {  	[spmem:s29] =	stream.linear.scatter [tilespmem:s31], [sflag:$0x1], $0x800, $0x38;
	[tilespmem:$0x1F000] =	vst v63  }
0x91: {  	_ = 	snop  }
0x92: {  	[spmem:s30] =	stream.linear.scatter [tilespmem:s31], [sflag:$0x1], $0x800, $0x38;
	[tilespmem:$0x1F000] =	vst v63  }
0x93: {  	_ =	swait.ge [sflag:s0], $0x800  }
0x94: {  	s20 =	simm.s32 $0x27;
	[sflag:s0] =	ssyncset.done $0x0  }
.LBB2_4:
0x95: {  	p0 =	sne.s32 s20, $0x1;
	s20 =	sadd.s32 $0xFFFFFFFF, s20;
	[sflag:s0] =	ssyncadd.s32 $0xFFFFF800  }
.Ltmp1:
0x96: {  	(pc) =	sbr.rel @p0 .LBB2_4-.Ltmp1, $3  }
0x97: {  	_ =	sdelay $0x1  }
0x98: {  	_ =	swait.ge [sflag:s0], $0x800  }
0x99: {  	[sflag:s0] =	ssyncset.done $0x0  }
0x9a: {  	[sflag:s0] =	ssyncadd.s32 $0xFFFFF800  }
0x9b: {  	s21 =	simm.s32 $0x0;
	s22 =	simm.s32 $0x0;
	[bflag:$0x0] =	sbarrier.arrive $0xFFFF  }
.LBB2_6:
0x9c: {  	s20 =	smul.u32 $0x28, s22;
	_ =	sdelay $0x1  }
0x9d: {  	s20 =	sadd.s32 s9, s20  }
0x9e: {  	s20 =	sshll.u32 s20, $0x4  }
0x9f: {  	s23 =	sadd.s32 s4, s20  }
0xa0: {  	[tilespmem:s21], [sflag:$0x1] =	stream.linear.gather [hbm4b:s23+s21], $0x1400, $0x38;
	[tilespmem:$0x1F000] =	vst v63  }
0xa1: {  	s20 =	sadd.s32 s7, s20  }
0xa2: {  	[tilespmem:s2], [sflag:$0x2] =	stream.linear.gather [hbm4b:s20+s21], $0x1400, $0x38;
	[tilespmem:$0x1F000] =	vst v63  }
0xa3: {  	_ =	swait.ge [sflag:s0], $0x1400  }
0xa4: {  	[sflag:s0] =	ssyncset.done $0x0  }
0xa5: {  	[sflag:s0] =	ssyncadd.s32 $0xFFFFEC00  }
0xa6: {  	_ =	swait.ge [sflag:s11], $0x1400  }
0xa7: {  	[sflag:s11] =	ssyncset.done $0x0  }
0xa8: {  	[sflag:s11] =	ssyncadd.s32 $0xFFFFEC00  }
0xa9: {  	[tilespmem:s13], [sflag:$0x1] =	stream.indirect.gather [hbm4b:s10+s12], $0x80, s21, s12, $0xb8;
	[tilespmem:$0x1F000] =	vst v63  }
0xaa: {  	_ = 	snop  }
0xab: {  	[tilespmem:s14], [sflag:$0x2] =	stream.indirect.gather [hbm4b:s10+s12], $0x80, s12, s12, $0xb8;
	[tilespmem:$0x1F000] =	vst v63  }
0xac: {  	_ =	swait.ge [sflag:s0], $0x4000  }
0xad: {  	[sflag:s0] =	ssyncset.done $0x0  }
0xae: {  	s24 =	simm.s32 $0x1400;
	[sflag:s0] =	ssyncadd.s32 $0xFFFFC000  }
0xaf: {  	[spmem:s1] =	stream.indirect.scatter.add.f32 [tilespmem:s13], [sflag:$0x3], $0x80, s24, s12, $0xb8;
	[tilespmem:$0x1F000] =	vst v63  }
0xb0: {  	_ =	swait.ge [sflag:s11], $0x4000  }
0xb1: {  	[sflag:s11] =	ssyncset.done $0x0  }
0xb2: {  	s23 =	simm.s32 $0x1480;
	[sflag:s11] =	ssyncadd.s32 $0xFFFFC000  }
0xb3: {  	[spmem:s1] =	stream.indirect.scatter.add.f32 [tilespmem:s14], [sflag:$0x4], $0x80, s23, s12, $0xb8;
	[tilespmem:$0x1F000] =	vst v63  }
0xb4: {  	_ =	swait.ge [sflag:s15], $0x4000  }
0xb5: {  	[sflag:s15] =	ssyncset.done $0x0  }
0xb6: {  	s24 =	simm.s32 $0x100;
	[sflag:s15] =	ssyncadd.s32 $0xFFFFC000  }
0xb7: {  	[tilespmem:s13], [sflag:$0x1] =	stream.indirect.gather [hbm4b:s10+s12], $0x80, s24, s12, $0xb8;
	[tilespmem:$0x1F000] =	vst v63  }
0xb8: {  	_ =	swait.ge [sflag:s16], $0x4000  }
0xb9: {  	[sflag:s16] =	ssyncset.done $0x0  }
0xba: {  	s20 =	simm.s32 $0x400;
	s23 =	simm.s32 $0x180;
	[sflag:s16] =	ssyncadd.s32 $0xFFFFC000  }
.LBB2_7:
0xbb: {  	[tilespmem:s14], [sflag:$0x2] =	stream.indirect.gather [hbm4b:s10+s12], $0x80, s23, s12, $0xb8;
	[tilespmem:$0x1F000] =	vst v63  }
0xbc: {  	s23 =	smov.u32 s20  }
0xbd: {  	p0 =	sne.s32 s20, $0x4800;
	s20 =	sadd.s32 $0x400, s20;
	_ =	swait.ge [sflag:s0], $0x4000  }
0xbe: {  	s23 =	sshra.s32 s23, $0x2;
	[sflag:s0] =	ssyncset.done $0x0  }
0xbf: {  	s24 =	sadd.s32 $0x1400, s23;
	[sflag:s0] =	ssyncadd.s32 $0xFFFFC000  }
0xc0: {  	[spmem:s1] =	stream.indirect.scatter.add.f32 [tilespmem:s13], [sflag:$0x3], $0x80, s24, s12, $0xb8;
	[tilespmem:$0x1F000] =	vst v63  }
0xc1: {  	_ =	swait.ge [sflag:s11], $0x4000  }
0xc2: {  	[sflag:s11] =	ssyncset.done $0x0  }
0xc3: {  	s24 =	sadd.s32 $0x1480, s23;
	[sflag:s11] =	ssyncadd.s32 $0xFFFFC000  }
0xc4: {  	[spmem:s1] =	stream.indirect.scatter.add.f32 [tilespmem:s14], [sflag:$0x4], $0x80, s24, s12, $0xb8;
	[tilespmem:$0x1F000] =	vst v63  }
0xc5: {  	_ =	swait.ge [sflag:s15], $0x4000  }
0xc6: {  	[sflag:s15] =	ssyncset.done $0x0  }
.Ltmp2:
0xc7: {  	s24 =	sadd.s32 $0x100, s23;
	[sflag:s15] =	ssyncadd.s32 $0xFFFFC000;
	(pc) =	sbr.rel @p0 .LBB2_7-.Ltmp2, $4  }
0xc8: {  	[tilespmem:s13], [sflag:$0x1] =	stream.indirect.gather [hbm4b:s10+s12], $0x80, s24, s12, $0xb8;
	[tilespmem:$0x1F000] =	vst v63  }
0xc9: {  	_ =	swait.ge [sflag:s16], $0x4000  }
0xca: {  	[sflag:s16] =	ssyncset.done $0x0  }
0xcb: {  	s23 =	sadd.s32 $0x180, s23;
	[sflag:s16] =	ssyncadd.s32 $0xFFFFC000  }
0xcc: {  	[tilespmem:s14], [sflag:$0x2] =	stream.indirect.gather [hbm4b:s10+s12], $0x80, s23, s12, $0xb8;
	[tilespmem:$0x1F000] =	vst v63  }
0xcd: {  	_ =	swait.ge [sflag:s0], $0x4000  }
0xce: {  	[sflag:s0] =	ssyncset.done $0x0  }
0xcf: {  	[sflag:s0] =	ssyncadd.s32 $0xFFFFC000  }
0xd0: {  	[spmem:s1] =	stream.indirect.scatter.add.f32 [tilespmem:s13], [sflag:$0x3], $0x80, s17, s12, $0xb8;
	[tilespmem:$0x1F000] =	vst v63  }
0xd1: {  	_ =	swait.ge [sflag:s11], $0x4000  }
0xd2: {  	[sflag:s11] =	ssyncset.done $0x0  }
0xd3: {  	s22 =	sadd.s32 $0x1, s22;
	[sflag:s11] =	ssyncadd.s32 $0xFFFFC000  }
0xd4: {  	[spmem:s1] =	stream.indirect.scatter.add.f32 [tilespmem:s14], [sflag:$0x4], $0x80, s18, s12, $0xb8;
	[tilespmem:$0x1F000] =	vst v63  }
0xd5: {  	p0 =	sne.s32 s22, $0x4;
	_ =	swait.ge [sflag:s15], $0x4000  }
.Ltmp3:
0xd6: {  	[sflag:s15] =	ssyncset.done $0x0;
	(pc) =	sbr.rel @p0 .LBB2_6-.Ltmp3, $4  }
0xd7: {  	[sflag:s15] =	ssyncadd.s32 $0xFFFFC000  }
0xd8: {  	_ =	swait.ge [sflag:s16], $0x4000  }
0xd9: {  	[sflag:s16] =	ssyncset.done $0x0  }
0xda: {  	s20 =	simm.s32 $0x0;
	[sflag:s16] =	ssyncadd.s32 $0xFFFFC000  }
0xdb: {  	s21 =	simm.s32 $0x0  }
.LBB2_10:
0xdc: {  	s22 =	smul.u32 $0x28, s21;
	_ =	sdelay $0x1  }
0xdd: {  	s22 =	sadd.s32 s9, s22  }
0xde: {  	s22 =	sshll.u32 s22, $0x4  }
0xdf: {  	s23 =	sadd.s32 s5, s22  }
0xe0: {  	[tilespmem:s20], [sflag:$0x1] =	stream.linear.gather [hbm4b:s23+s20], $0x1400, $0x38;
	[tilespmem:$0x1F000] =	vst v63  }
0xe1: {  	s22 =	sadd.s32 s6, s22  }
0xe2: {  	[tilespmem:s2], [sflag:$0x2] =	stream.linear.gather [hbm4b:s22+s20], $0x1400, $0x38;
	[tilespmem:$0x1F000] =	vst v63  }
0xe3: {  	_ =	swait.ge [sflag:s0], $0x1400  }
0xe4: {  	[sflag:s0] =	ssyncset.done $0x0  }
0xe5: {  	[sflag:s0] =	ssyncadd.s32 $0xFFFFEC00  }
0xe6: {  	_ =	swait.ge [sflag:s11], $0x1400  }
0xe7: {  	[sflag:s11] =	ssyncset.done $0x0  }
0xe8: {  	[sflag:s11] =	ssyncadd.s32 $0xFFFFEC00  }
0xe9: {  	[tilespmem:s13], [sflag:$0x1] =	stream.indirect.gather [hbm4b:s10+s12], $0x80, s20, s12, $0xb8;
	[tilespmem:$0x1F000] =	vst v63  }
0xea: {  	_ = 	snop  }
0xeb: {  	[tilespmem:s14], [sflag:$0x2] =	stream.indirect.gather [hbm4b:s10+s12], $0x80, s12, s12, $0xb8;
	[tilespmem:$0x1F000] =	vst v63  }
0xec: {  	_ =	swait.ge [sflag:s0], $0x4000  }
0xed: {  	[sflag:s0] =	ssyncset.done $0x0  }
0xee: {  	s24 =	simm.s32 $0x1400;
	[sflag:s0] =	ssyncadd.s32 $0xFFFFC000  }
0xef: {  	[spmem:s1] =	stream.indirect.scatter.add.f32 [tilespmem:s13], [sflag:$0x3], $0x80, s24, s12, $0xb8;
	[tilespmem:$0x1F000] =	vst v63  }
0xf0: {  	_ =	swait.ge [sflag:s11], $0x4000  }
0xf1: {  	[sflag:s11] =	ssyncset.done $0x0  }
0xf2: {  	s23 =	simm.s32 $0x1480;
	[sflag:s11] =	ssyncadd.s32 $0xFFFFC000  }
0xf3: {  	[spmem:s1] =	stream.indirect.scatter.add.f32 [tilespmem:s14], [sflag:$0x4], $0x80, s23, s12, $0xb8;
	[tilespmem:$0x1F000] =	vst v63  }
0xf4: {  	_ =	swait.ge [sflag:s15], $0x4000  }
0xf5: {  	[sflag:s15] =	ssyncset.done $0x0  }
0xf6: {  	s24 =	simm.s32 $0x100;
	[sflag:s15] =	ssyncadd.s32 $0xFFFFC000  }
0xf7: {  	[tilespmem:s13], [sflag:$0x1] =	stream.indirect.gather [hbm4b:s10+s12], $0x80, s24, s12, $0xb8;
	[tilespmem:$0x1F000] =	vst v63  }
0xf8: {  	_ =	swait.ge [sflag:s16], $0x4000  }
0xf9: {  	[sflag:s16] =	ssyncset.done $0x0  }
0xfa: {  	s22 =	simm.s32 $0x400;
	s23 =	simm.s32 $0x180;
	[sflag:s16] =	ssyncadd.s32 $0xFFFFC000  }
.LBB2_11:
0xfb: {  	[tilespmem:s14], [sflag:$0x2] =	stream.indirect.gather [hbm4b:s10+s12], $0x80, s23, s12, $0xb8;
	[tilespmem:$0x1F000] =	vst v63  }
0xfc: {  	s23 =	smov.u32 s22  }
0xfd: {  	p0 =	sne.s32 s22, $0x4800;
	s22 =	sadd.s32 $0x400, s22;
	_ =	swait.ge [sflag:s0], $0x4000  }
0xfe: {  	s23 =	sshra.s32 s23, $0x2;
	[sflag:s0] =	ssyncset.done $0x0  }
0xff: {  	s24 =	sadd.s32 $0x1400, s23;
	[sflag:s0] =	ssyncadd.s32 $0xFFFFC000  }
0x100: {  	[spmem:s1] =	stream.indirect.scatter.add.f32 [tilespmem:s13], [sflag:$0x3], $0x80, s24, s12, $0xb8;
	[tilespmem:$0x1F000] =	vst v63  }
0x101: {  	_ =	swait.ge [sflag:s11], $0x4000  }
0x102: {  	[sflag:s11] =	ssyncset.done $0x0  }
0x103: {  	s24 =	sadd.s32 $0x1480, s23;
	[sflag:s11] =	ssyncadd.s32 $0xFFFFC000  }
0x104: {  	[spmem:s1] =	stream.indirect.scatter.add.f32 [tilespmem:s14], [sflag:$0x4], $0x80, s24, s12, $0xb8;
	[tilespmem:$0x1F000] =	vst v63  }
0x105: {  	_ =	swait.ge [sflag:s15], $0x4000  }
0x106: {  	[sflag:s15] =	ssyncset.done $0x0  }
.Ltmp4:
0x107: {  	s24 =	sadd.s32 $0x100, s23;
	[sflag:s15] =	ssyncadd.s32 $0xFFFFC000;
	(pc) =	sbr.rel @p0 .LBB2_11-.Ltmp4, $4  }
0x108: {  	[tilespmem:s13], [sflag:$0x1] =	stream.indirect.gather [hbm4b:s10+s12], $0x80, s24, s12, $0xb8;
	[tilespmem:$0x1F000] =	vst v63  }
0x109: {  	_ =	swait.ge [sflag:s16], $0x4000  }
0x10a: {  	[sflag:s16] =	ssyncset.done $0x0  }
0x10b: {  	s23 =	sadd.s32 $0x180, s23;
	[sflag:s16] =	ssyncadd.s32 $0xFFFFC000  }
0x10c: {  	[tilespmem:s14], [sflag:$0x2] =	stream.indirect.gather [hbm4b:s10+s12], $0x80, s23, s12, $0xb8;
	[tilespmem:$0x1F000] =	vst v63  }
0x10d: {  	_ =	swait.ge [sflag:s0], $0x4000  }
0x10e: {  	[sflag:s0] =	ssyncset.done $0x0  }
0x10f: {  	[sflag:s0] =	ssyncadd.s32 $0xFFFFC000  }
0x110: {  	[spmem:s1] =	stream.indirect.scatter.add.f32 [tilespmem:s13], [sflag:$0x3], $0x80, s17, s12, $0xb8;
	[tilespmem:$0x1F000] =	vst v63  }
0x111: {  	_ =	swait.ge [sflag:s11], $0x4000  }
0x112: {  	[sflag:s11] =	ssyncset.done $0x0  }
0x113: {  	s21 =	sadd.s32 $0x1, s21;
	[sflag:s11] =	ssyncadd.s32 $0xFFFFC000  }
0x114: {  	[spmem:s1] =	stream.indirect.scatter.add.f32 [tilespmem:s14], [sflag:$0x4], $0x80, s18, s12, $0xb8;
	[tilespmem:$0x1F000] =	vst v63  }
0x115: {  	p0 =	sne.s32 s21, $0x4;
	_ =	swait.ge [sflag:s15], $0x4000  }
.Ltmp5:
0x116: {  	[sflag:s15] =	ssyncset.done $0x0;
	(pc) =	sbr.rel @p0 .LBB2_10-.Ltmp5, $4  }
0x117: {  	[sflag:s15] =	ssyncadd.s32 $0xFFFFC000  }
0x118: {  	_ =	swait.ge [sflag:s16], $0x4000  }
0x119: {  	[sflag:s16] =	ssyncset.done $0x0  }
0x11a: {  	[sflag:s16] =	ssyncadd.s32 $0xFFFFC000  }
0x11b: {  	s20 =	stileid.u32  }
0x11c: {  	[bflag:$0x0] =	sbarrier.arrive $0xFFFF;
	s20 =	sshll.u32 s20, $0x6  }
0x11d: {  	s21 =	sshrl.u32 s8, $0x3;
	s22 =	rddreg [dreg:$0x3];
	s20 =	sor.u32 $0x1C05, s20  }
0x11e: {  	[hbm:s22], [sflag:s20] =	dma.local [spmem:s21], $0x2800  }
0x11f: {  	_ =	swait.ge [sflag:s19], $0x2800  }
0x120: {  	s3 =	sadd.s32 $0x1, s3;
	s24 =	rddreg [dreg:$0x4]  }
0x121: {  	p0 =	sne.s32 s3, s24  }
.Ltmp6:
0x122: {  	_ = 	snop;
	(pc) =	sbr.rel @p0 .LBB2_1-.Ltmp6, $3  }
0x123: {  	_ =	sdelay $0x1  }
0x124: {  	[sflag:s19] =	ssyncset.done $0x0  }
0x125: {  	[sflag:s19] =	ssyncadd.s32 $0xFFFFD800  }
0x126: {  	_ =	sfence.sel $0x180000  }
0x127: {  	[bflag:$0x0] =	sbarrier.arrive $0xFFFF  }
0x128: {  	_ =	strace $0x9000004A  }
0x129: {  	s0 =	stileid.u32;
	[bflag:$0x2] =	sbarrier.arrive $0xFFFF  }
0x12a: {  	p0 =	sne.s32 s0, $0x0;
	s0 =	rddreg [dreg:$0x2]  }
0x12b: {  	s0 =	sadd.s32 @!p0 $0x100000, s0  }
0x12c: {  	[sflag:s0] =	ssyncadd.tile.s32 @!p0 $0x1;
	_ =	shalt  }
.Lfunc_end2:
_tile_overlayer_lowered:
.L_overlay_start_2:
0x12d: {  	(tag) =	ssettag $0x2  }
0x12e: {  	s0 =	rddreg [dreg:$0x0];
	s2 =	stileid.u32  }
0x12f: {  	s1 =	rddreg [dreg:$0x1];
	p0 =	sne.s32 s2, $0x0  }
0x130: {  	s3 =	rddreg [dreg:$0x2];
	[bflag:$0x3] =	sbarrier.arrive $0xFFFF;
	s2 =	simm.s32 @!p0 $0x1C05  }
0x131: {  	[timem:s3], [sflag:s2] =	dma.local @!p0 [hbm:s0], s1  }
0x132: {  	s0 =	simm.s32 @!p0 $0x5  }
0x133: {  	_ =	swait.ge @!p0 [sflag:s0], s1  }
0x134: {  	s1 =	ssub.s32 @!p0 $0x0, s1;
	[sflag:s0] =	ssyncset.done @!p0 $0x0  }
0x135: {  	[sflag:s0] =	ssyncadd.s32 @!p0 s1  }
0x136: {  	[bflag:$0x3] =	sbarrier.arrive $0xFFFF  }
0x137: {  	_ =	shalt  }

// kernel: kernel.14.cloned.1.call-start
scs
__scs_entry_jumppad:
0x0: {  	(pc) =	sbr.rel $0x88, $3  }
0x1: {  	(tag) =	ssettag $0x0;
	lr =	simm.s32 $0x1  }
0x2: {  	[smem:$0x3F90] =	sst lr;
	_ =	strace $0xD0000000  }
0x3: {  	_ = 	snop  }
0x4: {  	_ = 	snop  }
0x5: {  	_ = 	snop  }
0x6: {  	_ = 	snop  }
0x7: {  	_ = 	snop  }
__scs_overlays_trampoline_lowered:
0x8: {  	[smem:$0x3F9F] =	sst s0  }
0x9: {  	[smem:$0x3FA0] =	sst s1  }
0xa: {  	[smem:$0x3FA1] =	sst s2  }
0xb: {  	[smem:$0x3FA2] =	sst s3  }
0xc: {  	[smem:$0x3FA3] =	sst s4  }
0xd: {  	[smem:$0x3FA4] =	sst s5  }
0xe: {  	[smem:$0x3FA5] =	sst s6  }
0xf: {  	[smem:$0x3FA6] =	sst s7  }
0x10: {  	[smem:$0x3FA7] =	sst s8  }
0x11: {  	[smem:$0x3FA8] =	sst s9;
	s0 =	simm.s32 @!p0 $0x0  }
0x12: {  	s1 =	sld [smem:$0x3F8E];
	s0 =	simm.s32 @p0 $0x1  }
0x13: {  	[smem:$0x3FA9] =	sst s0;
	s0 =	simm.s32 @!p1 $0x0  }
0x14: {  	s2 =	sld [smem:$0x3F8D];
	s0 =	simm.s32 @p1 $0x1  }
0x15: {  	[smem:$0x3FAA] =	sst s0;
	s0 =	simm.s32 @!p2 $0x0  }
0x16: {  	s3 =	sld [smem:$0x3FDB];
	s0 =	simm.s32 @p2 $0x1  }
0x17: {  	s4 =	simm.s32 $0x1BF5;
	[smem:$0x3FAC] =	sst s0  }
0x18: {  	s0 =	sld [smem:$0x3F8F];
	_ =	swait.ge [sflag:s4], $0x0  }
0x19: {  	s7 =	sld [smem:$0x3F90]  }
0x1a: {  	s8 =	sadd.s32 $0xFFFFE003, lr  }
0x1b: {  	s9 =	sadd.s32 $0xFFFFFEF7, lr;
	s5 =	simm.s32 $0xFFFFFFFF;
	p2 =	slt.u32 s8, $0xFFFFF086  }
0x1c: {  	p1 =	slt.u32 s9, $0xF7A;
	s5 =	simm.s32 @!p2 $0x0  }
0x1d: {  	s5 =	simm.s32 @p1 $0x1;
	p0 =	seq.s32 s7, s2  }
0x1e: {  	s7 =	smul.u32 @!p0 $0xF7A, s2;
	p2 =	seq.s32 @!p0 s5, $0x0  }
0x1f: {  	s9 =	smul.u32 $0xF7A, s1;
	s8 =	simm.s32 @!p0 $0x1BF5;
	p2 =	por !p2, p0  }
0x20: {  	[sflag:s8] =	ssyncset.s32 @!p0 $0xFFFFF086;
	s6 =	sadd.s32 @!p0 s3, s7;
	s7 =	simm.s32 @!p0 $0x108  }
0x21: {  	s3 =	sadd.s32 s3, s9;
	s6 =	sadd.s32 @!p0 $0x88, s6;
	s7 =	simm.s32 @p2 $0x1082  }
0x22: {  	[simem:s7], [sflag:s8] =	dma.local @!p0 [hbm:s6], $0xF7A  }
0x23: {  	s9 =	sor.u32 $0xD0000000, s2;
	s6 =	simm.s32 $0x108;
	_ =	swait.ge @!p0 [sflag:s8], $0x0  }
0x24: {  	s3 =	sadd.s32 $0x88, s3;
	s6 =	simm.s32 @!p1 $0x1082;
	[sflag:s4] =	ssyncset.s32 $0xFFFFF086  }
0x25: {  	[simem:s6], [sflag:s4] =	dma.local [hbm:s3], $0xF7A  }
0x26: {  	[smem:$0x3F90] =	sst s1;
	(tag) =	ssettag s2;
	_ =	strace s9  }
0x27: {  	s1 =	sld [smem:$0x3FA0]  }
0x28: {  	s2 =	sld [smem:$0x3FA1]  }
0x29: {  	s4 =	sld [smem:$0x3FA3]  }
0x2a: {  	p0 =	seq.s32 s5, $0x0;
	s5 =	sld [smem:$0x3FA4]  }
0x2b: {  	s6 =	sld [smem:$0x3FA5]  }
0x2c: {  	s7 =	sld [smem:$0x3FA6]  }
0x2d: {  	s3 =	simm.s32 $0x108;
	s8 =	sld [smem:$0x3FA7]  }
0x2e: {  	s3 =	simm.s32 @!p0 $0x1082;
	s9 =	sld [smem:$0x3FA8]  }
0x2f: {  	lr =	sadd.s32 s0, s3;
	s0 =	sld [smem:$0x3F9F]  }
0x30: {  	s3 =	sld [smem:$0x3FA2]  }
0x31: {  	[smem:$0x3FAB] =	sst s10  }
0x32: {  	s10 =	sld [smem:$0x3FA9];
	_ =	sdelay $0x3  }
0x33: {  	p0 =	seq.s32 s10, $0x1;
	s10 =	sld [smem:$0x3FAB];
	_ =	sdelay $0x3  }
0x34: {  	[smem:$0x3FAB] =	sst s10  }
0x35: {  	s10 =	sld [smem:$0x3FAA];
	_ =	sdelay $0x3  }
0x36: {  	p1 =	seq.s32 s10, $0x1;
	s10 =	sld [smem:$0x3FAB];
	_ =	sdelay $0x3  }
0x37: {  	[smem:$0x3FAB] =	sst s10  }
0x38: {  	s10 =	sld [smem:$0x3FAC]  }
0x39: {  	_ = 	snop;
	(pc) =	sbr.ind lr, $3  }
0x3a: {  	_ = 	snop  }
0x3b: {  	_ = 	snop  }
0x3c: {  	p2 =	seq.s32 s10, $0x1;
	s10 =	sld [smem:$0x3FAB]  }
0x3d: {  	_ =	shalt  }
0x3e: {  	_ =	shalt  }
0x3f: {  	_ =	shalt  }
0x40: {  	_ =	shalt  }
0x41: {  	_ =	shalt  }
0x42: {  	_ =	shalt  }
0x43: {  	_ =	shalt  }
0x44: {  	_ =	shalt  }
0x45: {  	_ =	shalt  }
0x46: {  	_ =	shalt  }
0x47: {  	_ =	shalt  }
0x48: {  	_ =	shalt  }
0x49: {  	_ =	shalt  }
0x4a: {  	_ =	shalt  }
0x4b: {  	_ =	shalt  }
0x4c: {  	_ =	shalt  }
0x4d: {  	_ =	shalt  }
0x4e: {  	_ =	shalt  }
0x4f: {  	_ =	shalt  }
0x50: {  	_ =	shalt  }
0x51: {  	_ =	shalt  }
0x52: {  	_ =	shalt  }
0x53: {  	_ =	shalt  }
0x54: {  	_ =	shalt  }
0x55: {  	_ =	shalt  }
0x56: {  	_ =	shalt  }
0x57: {  	_ =	shalt  }
0x58: {  	_ =	shalt  }
0x59: {  	_ =	shalt  }
0x5a: {  	_ =	shalt  }
0x5b: {  	_ =	shalt  }
0x5c: {  	_ =	shalt  }
0x5d: {  	_ =	shalt  }
0x5e: {  	_ =	shalt  }
0x5f: {  	_ =	shalt  }
0x60: {  	_ =	shalt  }
0x61: {  	_ =	shalt  }
0x62: {  	_ =	shalt  }
0x63: {  	_ =	shalt  }
0x64: {  	_ =	shalt  }
0x65: {  	_ =	shalt  }
0x66: {  	_ =	shalt  }
0x67: {  	_ =	shalt  }
0x68: {  	_ =	shalt  }
0x69: {  	_ =	shalt  }
0x6a: {  	_ =	shalt  }
0x6b: {  	_ =	shalt  }
0x6c: {  	_ =	shalt  }
0x6d: {  	_ =	shalt  }
0x6e: {  	_ =	shalt  }
0x6f: {  	_ =	shalt  }
0x70: {  	_ =	shalt  }
0x71: {  	_ =	shalt  }
0x72: {  	_ =	shalt  }
0x73: {  	_ =	shalt  }
0x74: {  	_ =	shalt  }
0x75: {  	_ =	shalt  }
0x76: {  	_ =	shalt  }
0x77: {  	_ =	shalt  }
0x78: {  	_ =	shalt  }
0x79: {  	_ =	shalt  }
0x7a: {  	_ =	shalt  }
0x7b: {  	_ =	shalt  }
0x7c: {  	_ =	shalt  }
0x7d: {  	_ =	shalt  }
0x7e: {  	_ =	shalt  }
0x7f: {  	_ =	shalt  }
0x80: {  	_ =	shalt  }
0x81: {  	_ =	shalt  }
0x82: {  	_ =	shalt  }
0x83: {  	_ =	shalt  }
0x84: {  	_ =	shalt  }
0x85: {  	_ =	shalt  }
0x86: {  	_ =	shalt  }
0x87: {  	_ =	shalt  }
.Lfunc_end0:
.L_simem_size_0:
called_computation.2_lowered:
.L_overlay_start_0:
0x88: {  	s2 =	sld [smem:$0x3FD9]  }
0x89: {  	s3 =	sld [smem:$0x3FFE];
	_ =	sdelay $0x1  }
0x8a: {  	s1 =	srdreg.scid  }
0x8b: {  	s0 =	sand.u32 $0x1, s1  }
0x8c: {  	s17 =	sshll.u32 s0, $0xA;
	s2 =	sadd.s32 s3, s2  }
0x8d: {  	s2 =	sadd.s32 s2, s17  }
0x8e: {  	[smem:$0x3FB7] =	sst s2  }
0x8f: {  	_ = 	snop  }
0x90: {  	s2 =	sld [smem:$0x3FD0];
	(tm) =	ssettm $0x1  }
0x91: {  	s18 =	sld [smem:$0x3FFB];
	_ =	sdelay $0x3  }
0x92: {  	_ =	strace s18  }
0x93: {  	s3 =	sld [smem:$0x3FFC];
	_ =	sdelay $0x3  }
0x94: {  	_ =	strace s3  }
0x95: {  	s3 =	sld [smem:$0x3FFD];
	_ =	sdelay $0x3  }
0x96: {  	_ =	strace s3  }
0x97: {  	_ =	strace $0x8FFFFFFF  }
0x98: {  	s19 =	sld [smem:$0x3FDB];
	_ =	sdelay $0x1  }
0x99: {  	s4 =	simm.s32 $_scs_section_size  }
0x9a: {  	s5 =	simm.s32 $_size__tile_overlayer_lowered;
	s6 =	simm.s32 $_tile_overlayer_lowered  }
0x9b: {  	s22 =	simm.s32 $0x1BFF;
	s21 =	sshll.u32 s6, $0x1;
	s3 =	sadd.s32 s4, s19  }
0x9c: {  	s7 =	simm.s32 $0x0;
	s20 =	sshll.u32 s5, $0x1;
	s5 =	sadd.s32 s21, s3  }
0x9d: {  	[timem:s7], [sflag:s22] =	dma.local [hbm:s5], s20  }
0x9e: {  	_ =	swait.ge [sflag:s22], s20  }
0x9f: {  	s4 =	ssub.s32 $0x0, s20;
	[sflag:s22] =	ssyncset.done $0x0  }
0xa0: {  	[sflag:s22] =	ssyncadd.s32 s4;
	_ =	sdelay $0x1  }
0xa1: {  	s23 =	simm.s32 $0x1B8B  }
0xa2: {  	_ =	swait.ge [sflag:s23], $0x1  }
0xa3: {  	[sflag:s23] =	ssyncset.done $0x0  }
0xa4: {  	s25 =	simm.s32 $0x1B8E;
	s24 =	sld [smem:$0x3FFE];
	[sflag:s23] =	ssyncadd.s32 $0xFFFFFFFF  }
0xa5: {  	s26 =	simm.s32 $execute0_lowered;
	[smem:$0x3FD2] =	sst s25  }
0xa6: {  	s5 =	sshll.u32 s26, $0x1;
	_ =	strace $0x8000004C;
	[dreg:$0x1] =	wrdreg $0xFFFFFFFF  }
0xa7: {  	s28 =	simm.s32 $_size_execute0_lowered;
	s3 =	sadd.s32 s3, s5;
	[dreg:$0x0] =	wrdreg $0x0  }
0xa8: {  	s5 =	sshll.u32 s28, $0x1;
	[dreg:$0x2] =	wrdreg s3  }
0xa9: {  	[dreg:$0x3] =	wrdreg s5  }
0xaa: {  	[dreg:$0x4] =	wrdreg $0xC0  }
0xab: {  	_ =	task [dreg:s7], $0x5FFFF  }
0xac: {  	[dreg:$0x1] =	wrdreg $0xFFFFFFFF  }
0xad: {  	[dreg:$0x0] =	wrdreg $0x60  }
0xae: {  	[dreg:$0x2] =	wrdreg s2  }
0xaf: {  	[dreg:$0x3] =	wrdreg s24  }
0xb0: {  	[dreg:$0x4] =	wrdreg $0xB0000  }
0xb1: {  	[dreg:$0x5] =	wrdreg $0x9  }
0xb2: {  	_ =	task.clear_ibuf [dreg:s7], $0x6FFFF;
	_ =	strace $0x9000004C  }
0xb3: {  	s29 =	simm.s32 $0x9;
	_ =	strace $0x8000004E  }
0xb4: {  	_ =	swait.ge [sflag:s29], $0x1  }
0xb5: {  	[sflag:s29] =	ssyncadd.s32 $0xFFFFFFFF  }
0xb6: {  	_ =	strace $0x9000004E  }
0xb7: {  	_ =	sfence  }
0xb8: {  	s30 =	sld [smem:$0x0];
	_ =	sdelay $0x2  }
0xb9: {  	s31 =	sshll.u32 s1, $0xD;
	s1 =	sshrl.u32 s1, $0x2  }
0xba: {  	s3 =	sand.u32 $0x4000, s31;
	s1 =	sadd.s32 s1, s30  }
0xbb: {  	s0 =	sor.u32 s3, s0;
	s1 =	sshll.u32 s1, $0x11  }
0xbc: {  	s0 =	sor.u32 s1, s0  }
0xbd: {  	s0 =	sadd.s32 $0x8F2B, s0  }
0xbe: {  	[sflag:s0] =	ssyncadd.remote.s32 $0x1  }
0xbf: {  	_ =	sfence.sel $0xFFFF  }
0xc0: {  	[dreg:$0x0] =	wrdreg $0xFFFFFFFF;
	(pc) =	sbr.abs _section_cstart, $3  }
0xc1: {  	[dreg:$0x1] =	wrdreg $0xFFFFFFFF  }
0xc2: {  	_ =	task.clear_ibuf [dreg:s7], $0x2FFFF;
	_ =	strace $0x9FFFFFFF  }
0xc3: {  	(tm) =	ssettm $0x7FFFFFFF  }
tec
execute0_lowered:
.L_overlay_start_1:
0x0: {  	(tag) =	ssettag $0x1  }
0x1: {  	s1 =	rddreg [dreg:$0x0]  }
0x2: {  	s0 =	rddreg [dreg:$0x1]  }
0x3: {  	s2 =	rddreg [dreg:$0x2]  }
0x4: {  	s3 =	srdreg.scid;
	s4 =	simm.s32 $0x0;
	s12 =	stileid.u32  }
0x5: {  	s3 =	sand.u32 $0x1, s3;
	[smem:$0x7FF] =	sst s4;
	s6 =	smul.u32 $0x14000, s12  }
0x6: {  	s7 =	sadd.s32 $0x4400, s0;
	s8 =	sadd.s32 $0xE400, s0;
	s9 =	smul.u32 $0x50000, s12  }
0x7: {  	s5 =	smul.u32 $0x140000, s3;
	s26 =	ssub.s32 $0x2, s3;
	s3 =	sshll.u32 s3, $0x4  }
0x8: {  	s10 =	sadd.s32 $0x23000, s0;
	s11 =	sshrl.u32 s26, $0x1;
	s3 =	sor.u32 s12, s3  }
0x9: {  	_ =	strace $0x8000004D;
	s11 =	ssub.s32 s26, s11;
	s18 =	smul.u32 $0x500, s3  }
0xa: {  	s9 =	sshrl.u32 s9, $0x2;
	s5 =	sadd.s32 s6, s5;
	s11 =	smax.u32 s11, $0x1  }
0xb: {  	s6 =	sadd.s32 $0x19000, s0;
	[dreg:$0x5] =	wrdreg s11;
	s22 =	sadd.s32 s7, s18  }
0xc: {  	s5 =	sshrl.u32 s5, $0x3;
	s23 =	sadd.s32 s10, s18;
	[dreg:$0xf] =	wrdreg s22  }
0xd: {  	s0 =	sadd.s32 s5, s0;
	s26 =	sadd.s32 s8, s18;
	[dreg:$0x10] =	wrdreg s23  }
0xe: {  	s5 =	sadd.s32 s9, s2;
	s0 =	sadd.s32 $0x2D000, s0;
	[dreg:$0x13] =	wrdreg s26  }
0xf: {  	s12 =	sadd.s32 $0x800, s5;
	[dreg:$0x4] =	wrdreg s0  }
0x10: {  	s13 =	sadd.s32 $0x1000, s5;
	[dreg:$0x6] =	wrdreg s12  }
0x11: {  	s14 =	sadd.s32 $0x1800, s5;
	[dreg:$0x7] =	wrdreg s13  }
0x12: {  	s15 =	sadd.s32 $0x2000, s5;
	[dreg:$0x8] =	wrdreg s14  }
0x13: {  	s16 =	sadd.s32 $0x2800, s5;
	[dreg:$0x9] =	wrdreg s15  }
0x14: {  	s17 =	sadd.s32 $0x3000, s5;
	[dreg:$0xa] =	wrdreg s16  }
0x15: {  	s19 =	sadd.s32 $0x3800, s5;
	[dreg:$0xb] =	wrdreg s17  }
0x16: {  	s20 =	sadd.s32 $0x4000, s5;
	[dreg:$0xc] =	wrdreg s19  }
0x17: {  	s24 =	sadd.s32 $0x280, s18;
	s21 =	sadd.s32 $0x4800, s5;
	[dreg:$0xd] =	wrdreg s20  }
0x18: {  	s7 =	sadd.s32 s7, s24;
	[dreg:$0xe] =	wrdreg s21  }
0x19: {  	s25 =	sadd.s32 s10, s24;
	[dreg:$0x11] =	wrdreg s7  }
0x1a: {  	s9 =	sadd.s32 $0x5000, s5;
	[dreg:$0x12] =	wrdreg s25  }
0x1b: {  	s10 =	sadd.s32 $0x5800, s5;
	[dreg:$0x17] =	wrdreg s9  }
0x1c: {  	s11 =	sadd.s32 $0x6000, s5;
	[dreg:$0x18] =	wrdreg s10  }
0x1d: {  	s22 =	sadd.s32 $0xB800, s5;
	[dreg:$0x19] =	wrdreg s11  }
0x1e: {  	s23 =	sadd.s32 $0xC000, s5;
	[smem:$0x7F9] =	sst s22  }
0x1f: {  	s26 =	sadd.s32 $0xD800, s5;
	[smem:$0x7FA] =	sst s23  }
0x20: {  	s0 =	sadd.s32 s6, s18;
	[smem:$0x7FD] =	sst s26  }
0x21: {  	s7 =	sadd.s32 s8, s24;
	[dreg:$0x14] =	wrdreg s0  }
0x22: {  	s8 =	sadd.s32 s6, s24;
	[dreg:$0x15] =	wrdreg s7  }
0x23: {  	s12 =	sadd.s32 $0x6800, s5;
	[dreg:$0x16] =	wrdreg s8  }
0x24: {  	s13 =	sadd.s32 $0x7000, s5;
	[dreg:$0x1a] =	wrdreg s12  }
0x25: {  	s29 =	simm.s32 $0xA800;
	s14 =	sadd.s32 $0x7800, s5;
	[dreg:$0x1b] =	wrdreg s13  }
0x26: {  	s30 =	simm.s32 $0x1;
	s15 =	sadd.s32 $0x8000, s5;
	[dreg:$0x1c] =	wrdreg s14  }
0x27: {  	s31 =	simm.s32 $0x1400;
	s16 =	sadd.s32 $0x8800, s5;
	[dreg:$0x1d] =	wrdreg s15  }
0x28: {  	s3 =	simm.s32 $0x80;
	s17 =	sadd.s32 $0x9000, s5;
	[dreg:$0x1e] =	wrdreg s16  }
0x29: {  	s28 =	sadd.s32 $0x13800, s5;
	s18 =	sadd.s32 $0x9800, s5;
	[dreg:$0x1f] =	wrdreg s17  }
0x2a: {  	s19 =	sadd.s32 $0xA000, s5;
	s20 =	sadd.s32 $0xA800, s5;
	[smem:$0x7F5] =	sst s18  }
0x2b: {  	s21 =	sadd.s32 $0xB000, s5;
	s24 =	sadd.s32 $0xC800, s5;
	[smem:$0x7F6] =	sst s19  }
0x2c: {  	s25 =	sadd.s32 $0xD000, s5;
	s22 =	sadd.s32 $0x11000, s5;
	[smem:$0x7F7] =	sst s20  }
0x2d: {  	s23 =	sadd.s32 $0x11800, s5;
	s26 =	sadd.s32 $0x13000, s5;
	[smem:$0x7F8] =	sst s21  }
0x2e: {  	s6 =	simm.s32 $0x2800;
	s9 =	simm.s32 $0x4;
	[smem:$0x7FB] =	sst s24  }
0x2f: {  	s10 =	simm.s32 $0x2700;
	s11 =	simm.s32 $0x2780;
	[smem:$0x7FC] =	sst s25  }
0x30: {  	s16 =	sadd.s32 $0xE000, s5;
	s17 =	sadd.s32 $0xE800, s5;
	s18 =	sadd.s32 $0xF000, s5  }
0x31: {  	s19 =	sadd.s32 $0xF800, s5;
	s20 =	sadd.s32 $0x10000, s5;
	s21 =	sadd.s32 $0x10800, s5  }
0x32: {  	s24 =	sadd.s32 $0x12000, s5;
	s25 =	sadd.s32 $0x12800, s5;
	s0 =	simm.s32 $0x2  }
0x33: {  	v0 =	vimm.f32 $0.0e+00;
	s7 =	simm.s32 $0x6800;
	s8 =	simm.s32 $0x3;
	s12 =	simm.s32 $0x5  }
.LBB2_1:
0x34: {  	s13 =	simm.s32 $0x0;
	s14 =	simm.s32 $0x200  }
.LBB2_2:
0x35: {  	p0 =	sne.s32 s14, $0x1E00;
	[tilespmem:s13+$0xA870] =	vst v0  }
0x36: {  	[tilespmem:s13+$0xA800] =	vst v0  }
0x37: {  	[tilespmem:s13+$0xA810] =	vst v0  }
.Ltmp0:
0x38: {  	[tilespmem:s13+$0xA820] =	vst v0;
	(pc) =	sbr.rel @p0 .LBB2_2-.Ltmp0, $4  }
0x39: {  	[tilespmem:s13+$0xA830] =	vst v0  }
0x3a: {  	[tilespmem:s13+$0xA840] =	vst v0  }
0x3b: {  	[tilespmem:s13+$0xA850] =	vst v0  }
0x3c: {  	[tilespmem:s13+$0xA860] =	vst v0;
	s13 =	sshra.s32 s14, $0x2;
	s14 =	sadd.s32 $0x200, s14  }
0x3d: {  	[tilespmem:s13+$0xA870] =	vst v0  }
0x3e: {  	[tilespmem:s13+$0xA800] =	vst v0  }
0x3f: {  	[tilespmem:s13+$0xA810] =	vst v0  }
0x40: {  	[tilespmem:s13+$0xA820] =	vst v0  }
0x41: {  	[tilespmem:s13+$0xA830] =	vst v0  }
0x42: {  	[tilespmem:s13+$0xA840] =	vst v0  }
0x43: {  	[tilespmem:s13+$0xA850] =	vst v0  }
0x44: {  	[tilespmem:s13+$0xA860] =	vst v0;
	s15 =	rddreg [dreg:$0x6]  }
0x45: {  	[spmem:s5] =	stream.linear.scatter [tilespmem:s29], [sflag:$0x1], $0x800, $0x38;
	[tilespmem:$0x1F000] =	vst v63  }
0x46: {  	s14 =	rddreg [dreg:$0x7]  }
0x47: {  	[spmem:s15] =	stream.linear.scatter [tilespmem:s29], [sflag:$0x1], $0x800, $0x38;
	[tilespmem:$0x1F000] =	vst v63  }
0x48: {  	s15 =	rddreg [dreg:$0x8]  }
0x49: {  	[spmem:s14] =	stream.linear.scatter [tilespmem:s29], [sflag:$0x1], $0x800, $0x38;
	[tilespmem:$0x1F000] =	vst v63  }
0x4a: {  	s14 =	rddreg [dreg:$0x9]  }
0x4b: {  	[spmem:s15] =	stream.linear.scatter [tilespmem:s29], [sflag:$0x1], $0x800, $0x38;
	[tilespmem:$0x1F000] =	vst v63  }
0x4c: {  	s15 =	rddreg [dreg:$0xa]  }
0x4d: {  	[spmem:s14] =	stream.linear.scatter [tilespmem:s29], [sflag:$0x1], $0x800, $0x38;
	[tilespmem:$0x1F000] =	vst v63  }
0x4e: {  	s14 =	rddreg [dreg:$0xb]  }
0x4f: {  	[spmem:s15] =	stream.linear.scatter [tilespmem:s29], [sflag:$0x1], $0x800, $0x38;
	[tilespmem:$0x1F000] =	vst v63  }
0x50: {  	s15 =	rddreg [dreg:$0xc]  }
0x51: {  	[spmem:s14] =	stream.linear.scatter [tilespmem:s29], [sflag:$0x1], $0x800, $0x38;
	[tilespmem:$0x1F000] =	vst v63  }
0x52: {  	s14 =	rddreg [dreg:$0xd]  }
0x53: {  	[spmem:s15] =	stream.linear.scatter [tilespmem:s29], [sflag:$0x1], $0x800, $0x38;
	[tilespmem:$0x1F000] =	vst v63  }
0x54: {  	s15 =	rddreg [dreg:$0xe]  }
0x55: {  	[spmem:s14] =	stream.linear.scatter [tilespmem:s29], [sflag:$0x1], $0x800, $0x38;
	[tilespmem:$0x1F000] =	vst v63  }
0x56: {  	s14 =	rddreg [dreg:$0x17]  }
0x57: {  	[spmem:s15] =	stream.linear.scatter [tilespmem:s29], [sflag:$0x1], $0x800, $0x38;
	[tilespmem:$0x1F000] =	vst v63  }
0x58: {  	s15 =	rddreg [dreg:$0x18]  }
0x59: {  	[spmem:s14] =	stream.linear.scatter [tilespmem:s29], [sflag:$0x1], $0x800, $0x38;
	[tilespmem:$0x1F000] =	vst v63  }
0x5a: {  	s14 =	rddreg [dreg:$0x19]  }
0x5b: {  	[spmem:s15] =	stream.linear.scatter [tilespmem:s29], [sflag:$0x1], $0x800, $0x38;
	[tilespmem:$0x1F000] =	vst v63  }
0x5c: {  	s15 =	rddreg [dreg:$0x1a]  }
0x5d: {  	[spmem:s14] =	stream.linear.scatter [tilespmem:s29], [sflag:$0x1], $0x800, $0x38;
	[tilespmem:$0x1F000] =	vst v63  }
0x5e: {  	s14 =	rddreg [dreg:$0x1b]  }
0x5f: {  	[spmem:s15] =	stream.linear.scatter [tilespmem:s29], [sflag:$0x1], $0x800, $0x38;
	[tilespmem:$0x1F000] =	vst v63  }
0x60: {  	s15 =	rddreg [dreg:$0x1c]  }
0x61: {  	[spmem:s14] =	stream.linear.scatter [tilespmem:s29], [sflag:$0x1], $0x800, $0x38;
	[tilespmem:$0x1F000] =	vst v63  }
0x62: {  	s14 =	rddreg [dreg:$0x1d]  }
0x63: {  	[spmem:s15] =	stream.linear.scatter [tilespmem:s29], [sflag:$0x1], $0x800, $0x38;
	[tilespmem:$0x1F000] =	vst v63  }
0x64: {  	s15 =	rddreg [dreg:$0x1e]  }
0x65: {  	[spmem:s14] =	stream.linear.scatter [tilespmem:s29], [sflag:$0x1], $0x800, $0x38;
	[tilespmem:$0x1F000] =	vst v63  }
0x66: {  	s14 =	rddreg [dreg:$0x1f]  }
0x67: {  	[spmem:s15] =	stream.linear.scatter [tilespmem:s29], [sflag:$0x1], $0x800, $0x38;
	[tilespmem:$0x1F000] =	vst v63  }
0x68: {  	s15 =	sld [smem:$0x7F5]  }
0x69: {  	[spmem:s14] =	stream.linear.scatter [tilespmem:s29], [sflag:$0x1], $0x800, $0x38;
	[tilespmem:$0x1F000] =	vst v63  }
0x6a: {  	s14 =	sld [smem:$0x7F6]  }
0x6b: {  	[spmem:s15] =	stream.linear.scatter [tilespmem:s29], [sflag:$0x1], $0x800, $0x38;
	[tilespmem:$0x1F000] =	vst v63  }
0x6c: {  	s15 =	sld [smem:$0x7F7]  }
0x6d: {  	[spmem:s14] =	stream.linear.scatter [tilespmem:s29], [sflag:$0x1], $0x800, $0x38;
	[tilespmem:$0x1F000] =	vst v63  }
0x6e: {  	s14 =	sld [smem:$0x7F8]  }
0x6f: {  	[spmem:s15] =	stream.linear.scatter [tilespmem:s29], [sflag:$0x1], $0x800, $0x38;
	[tilespmem:$0x1F000] =	vst v63  }
0x70: {  	s15 =	sld [smem:$0x7F9]  }
0x71: {  	[spmem:s14] =	stream.linear.scatter [tilespmem:s29], [sflag:$0x1], $0x800, $0x38;
	[tilespmem:$0x1F000] =	vst v63  }
0x72: {  	s14 =	sld [smem:$0x7FA]  }
0x73: {  	[spmem:s15] =	stream.linear.scatter [tilespmem:s29], [sflag:$0x1], $0x800, $0x38;
	[tilespmem:$0x1F000] =	vst v63  }
0x74: {  	s15 =	sld [smem:$0x7FB]  }
0x75: {  	[spmem:s14] =	stream.linear.scatter [tilespmem:s29], [sflag:$0x1], $0x800, $0x38;
	[tilespmem:$0x1F000] =	vst v63  }
0x76: {  	s14 =	sld [smem:$0x7FC]  }
0x77: {  	[spmem:s15] =	stream.linear.scatter [tilespmem:s29], [sflag:$0x1], $0x800, $0x38;
	[tilespmem:$0x1F000] =	vst v63  }
0x78: {  	s15 =	sld [smem:$0x7FD]  }
0x79: {  	[spmem:s14] =	stream.linear.scatter [tilespmem:s29], [sflag:$0x1], $0x800, $0x38;
	[tilespmem:$0x1F000] =	vst v63  }
0x7a: {  	_ = 	snop  }
0x7b: {  	[spmem:s15] =	stream.linear.scatter [tilespmem:s29], [sflag:$0x1], $0x800, $0x38;
	[tilespmem:$0x1F000] =	vst v63  }
0x7c: {  	_ = 	snop  }
0x7d: {  	[spmem:s16] =	stream.linear.scatter [tilespmem:s29], [sflag:$0x1], $0x800, $0x38;
	[tilespmem:$0x1F000] =	vst v63  }
0x7e: {  	_ = 	snop  }
0x7f: {  	[spmem:s17] =	stream.linear.scatter [tilespmem:s29], [sflag:$0x1], $0x800, $0x38;
	[tilespmem:$0x1F000] =	vst v63  }
0x80: {  	_ = 	snop  }
0x81: {  	[spmem:s18] =	stream.linear.scatter [tilespmem:s29], [sflag:$0x1], $0x800, $0x38;
	[tilespmem:$0x1F000] =	vst v63  }
0x82: {  	_ = 	snop  }
0x83: {  	[spmem:s19] =	stream.linear.scatter [tilespmem:s29], [sflag:$0x1], $0x800, $0x38;
	[tilespmem:$0x1F000] =	vst v63  }
0x84: {  	_ = 	snop  }
0x85: {  	[spmem:s20] =	stream.linear.scatter [tilespmem:s29], [sflag:$0x1], $0x800, $0x38;
	[tilespmem:$0x1F000] =	vst v63  }
0x86: {  	_ = 	snop  }
0x87: {  	[spmem:s21] =	stream.linear.scatter [tilespmem:s29], [sflag:$0x1], $0x800, $0x38;
	[tilespmem:$0x1F000] =	vst v63  }
0x88: {  	_ = 	snop  }
0x89: {  	[spmem:s22] =	stream.linear.scatter [tilespmem:s29], [sflag:$0x1], $0x800, $0x38;
	[tilespmem:$0x1F000] =	vst v63  }
0x8a: {  	_ = 	snop  }
0x8b: {  	[spmem:s23] =	stream.linear.scatter [tilespmem:s29], [sflag:$0x1], $0x800, $0x38;
	[tilespmem:$0x1F000] =	vst v63  }
0x8c: {  	_ = 	snop  }
0x8d: {  	[spmem:s24] =	stream.linear.scatter [tilespmem:s29], [sflag:$0x1], $0x800, $0x38;
	[tilespmem:$0x1F000] =	vst v63  }
0x8e: {  	_ = 	snop  }
0x8f: {  	[spmem:s25] =	stream.linear.scatter [tilespmem:s29], [sflag:$0x1], $0x800, $0x38;
	[tilespmem:$0x1F000] =	vst v63  }
0x90: {  	_ = 	snop  }
0x91: {  	[spmem:s26] =	stream.linear.scatter [tilespmem:s29], [sflag:$0x1], $0x800, $0x38;
	[tilespmem:$0x1F000] =	vst v63  }
0x92: {  	_ = 	snop  }
0x93: {  	[spmem:s28] =	stream.linear.scatter [tilespmem:s29], [sflag:$0x1], $0x800, $0x38;
	[tilespmem:$0x1F000] =	vst v63  }
0x94: {  	_ =	swait.ge [sflag:s30], $0x800  }
0x95: {  	s13 =	simm.s32 $0x27;
	[sflag:s30] =	ssyncset.done $0x0  }
.LBB2_4:
0x96: {  	p0 =	sne.s32 s13, $0x1;
	s13 =	sadd.s32 $0xFFFFFFFF, s13;
	[sflag:s30] =	ssyncadd.s32 $0xFFFFF800  }
.Ltmp1:
0x97: {  	(pc) =	sbr.rel @p0 .LBB2_4-.Ltmp1, $3  }
0x98: {  	_ =	sdelay $0x1  }
0x99: {  	_ =	swait.ge [sflag:s30], $0x800  }
0x9a: {  	[sflag:s30] =	ssyncset.done $0x0  }
0x9b: {  	[sflag:s30] =	ssyncadd.s32 $0xFFFFF800  }
0x9c: {  	[bflag:$0x0] =	sbarrier.arrive $0xFFFF  }
0x9d: {  	s13 =	simm.s32 $0x0;
	s14 =	rddreg [dreg:$0xf]  }
0x9e: {  	[tilespmem:s13], [sflag:$0x1] =	stream.linear.gather [hbm4b:s14+s13], $0x1400, $0x38;
	[tilespmem:$0x1F000] =	vst v63  }
0x9f: {  	s15 =	rddreg [dreg:$0x10]  }
0xa0: {  	[tilespmem:s31], [sflag:$0x2] =	stream.linear.gather [hbm4b:s15+s13], $0x1400, $0x38;
	[tilespmem:$0x1F000] =	vst v63  }
0xa1: {  	_ =	swait.ge [sflag:s30], $0x1400  }
0xa2: {  	[sflag:s30] =	ssyncset.done $0x0  }
0xa3: {  	[sflag:s30] =	ssyncadd.s32 $0xFFFFEC00  }
0xa4: {  	_ =	swait.ge [sflag:s0], $0x1400  }
0xa5: {  	[sflag:s0] =	ssyncset.done $0x0  }
0xa6: {  	[sflag:s0] =	ssyncadd.s32 $0xFFFFEC00  }
0xa7: {  	[tilespmem:s6], [sflag:$0x1] =	stream.indirect.gather [hbm4b:s1+s3], $0x80, s13, s3, $0xb8;
	[tilespmem:$0x1F000] =	vst v63  }
0xa8: {  	_ = 	snop  }
0xa9: {  	[tilespmem:s7], [sflag:$0x2] =	stream.indirect.gather [hbm4b:s1+s3], $0x80, s3, s3, $0xb8;
	[tilespmem:$0x1F000] =	vst v63  }
0xaa: {  	_ =	swait.ge [sflag:s30], $0x4000  }
0xab: {  	[sflag:s30] =	ssyncset.done $0x0  }
0xac: {  	s15 =	simm.s32 $0x1400;
	[sflag:s30] =	ssyncadd.s32 $0xFFFFC000  }
0xad: {  	[spmem:s2] =	stream.indirect.scatter.add.f32 [tilespmem:s6], [sflag:$0x3], $0x80, s15, s3, $0xb8;
	[tilespmem:$0x1F000] =	vst v63  }
0xae: {  	_ =	swait.ge [sflag:s0], $0x4000  }
0xaf: {  	[sflag:s0] =	ssyncset.done $0x0  }
0xb0: {  	s14 =	simm.s32 $0x1480;
	[sflag:s0] =	ssyncadd.s32 $0xFFFFC000  }
0xb1: {  	[spmem:s2] =	stream.indirect.scatter.add.f32 [tilespmem:s7], [sflag:$0x4], $0x80, s14, s3, $0xb8;
	[tilespmem:$0x1F000] =	vst v63  }
0xb2: {  	_ =	swait.ge [sflag:s8], $0x4000  }
0xb3: {  	[sflag:s8] =	ssyncset.done $0x0  }
0xb4: {  	s15 =	simm.s32 $0x100;
	[sflag:s8] =	ssyncadd.s32 $0xFFFFC000  }
0xb5: {  	[tilespmem:s6], [sflag:$0x1] =	stream.indirect.gather [hbm4b:s1+s3], $0x80, s15, s3, $0xb8;
	[tilespmem:$0x1F000] =	vst v63  }
0xb6: {  	_ =	swait.ge [sflag:s9], $0x4000  }
0xb7: {  	[sflag:s9] =	ssyncset.done $0x0  }
0xb8: {  	s13 =	simm.s32 $0x400;
	s14 =	simm.s32 $0x180;
	[sflag:s9] =	ssyncadd.s32 $0xFFFFC000  }
.LBB2_6:
0xb9: {  	[tilespmem:s7], [sflag:$0x2] =	stream.indirect.gather [hbm4b:s1+s3], $0x80, s14, s3, $0xb8;
	[tilespmem:$0x1F000] =	vst v63  }
0xba: {  	s14 =	smov.u32 s13  }
0xbb: {  	p0 =	sne.s32 s13, $0x4800;
	s13 =	sadd.s32 $0x400, s13;
	_ =	swait.ge [sflag:s30], $0x4000  }
0xbc: {  	s14 =	sshra.s32 s14, $0x2;
	[sflag:s30] =	ssyncset.done $0x0  }
0xbd: {  	s15 =	sadd.s32 $0x1400, s14;
	[sflag:s30] =	ssyncadd.s32 $0xFFFFC000  }
0xbe: {  	[spmem:s2] =	stream.indirect.scatter.add.f32 [tilespmem:s6], [sflag:$0x3], $0x80, s15, s3, $0xb8;
	[tilespmem:$0x1F000] =	vst v63  }
0xbf: {  	_ =	swait.ge [sflag:s0], $0x4000  }
0xc0: {  	[sflag:s0] =	ssyncset.done $0x0  }
0xc1: {  	s15 =	sadd.s32 $0x1480, s14;
	[sflag:s0] =	ssyncadd.s32 $0xFFFFC000  }
0xc2: {  	[spmem:s2] =	stream.indirect.scatter.add.f32 [tilespmem:s7], [sflag:$0x4], $0x80, s15, s3, $0xb8;
	[tilespmem:$0x1F000] =	vst v63  }
0xc3: {  	_ =	swait.ge [sflag:s8], $0x4000  }
0xc4: {  	[sflag:s8] =	ssyncset.done $0x0  }
.Ltmp2:
0xc5: {  	s15 =	sadd.s32 $0x100, s14;
	[sflag:s8] =	ssyncadd.s32 $0xFFFFC000;
	(pc) =	sbr.rel @p0 .LBB2_6-.Ltmp2, $4  }
0xc6: {  	[tilespmem:s6], [sflag:$0x1] =	stream.indirect.gather [hbm4b:s1+s3], $0x80, s15, s3, $0xb8;
	[tilespmem:$0x1F000] =	vst v63  }
0xc7: {  	_ =	swait.ge [sflag:s9], $0x4000  }
0xc8: {  	[sflag:s9] =	ssyncset.done $0x0  }
0xc9: {  	s14 =	sadd.s32 $0x180, s14;
	[sflag:s9] =	ssyncadd.s32 $0xFFFFC000  }
0xca: {  	[tilespmem:s7], [sflag:$0x2] =	stream.indirect.gather [hbm4b:s1+s3], $0x80, s14, s3, $0xb8;
	[tilespmem:$0x1F000] =	vst v63  }
0xcb: {  	_ =	swait.ge [sflag:s30], $0x4000  }
0xcc: {  	[sflag:s30] =	ssyncset.done $0x0  }
0xcd: {  	[sflag:s30] =	ssyncadd.s32 $0xFFFFC000  }
0xce: {  	[spmem:s2] =	stream.indirect.scatter.add.f32 [tilespmem:s6], [sflag:$0x3], $0x80, s10, s3, $0xb8;
	[tilespmem:$0x1F000] =	vst v63  }
0xcf: {  	_ =	swait.ge [sflag:s0], $0x4000  }
0xd0: {  	[sflag:s0] =	ssyncset.done $0x0  }
0xd1: {  	[sflag:s0] =	ssyncadd.s32 $0xFFFFC000  }
0xd2: {  	[spmem:s2] =	stream.indirect.scatter.add.f32 [tilespmem:s7], [sflag:$0x4], $0x80, s11, s3, $0xb8;
	[tilespmem:$0x1F000] =	vst v63  }
0xd3: {  	_ =	swait.ge [sflag:s8], $0x4000  }
0xd4: {  	[sflag:s8] =	ssyncset.done $0x0  }
0xd5: {  	[sflag:s8] =	ssyncadd.s32 $0xFFFFC000  }
0xd6: {  	_ =	swait.ge [sflag:s9], $0x4000  }
0xd7: {  	[sflag:s9] =	ssyncset.done $0x0  }
0xd8: {  	s13 =	simm.s32 $0x0;
	s15 =	rddreg [dreg:$0x11];
	[sflag:s9] =	ssyncadd.s32 $0xFFFFC000  }
0xd9: {  	[tilespmem:s13], [sflag:$0x1] =	stream.linear.gather [hbm4b:s15+s13], $0x1400, $0x38;
	[tilespmem:$0x1F000] =	vst v63  }
0xda: {  	s15 =	rddreg [dreg:$0x12]  }
0xdb: {  	[tilespmem:s31], [sflag:$0x2] =	stream.linear.gather [hbm4b:s15+s13], $0x1400, $0x38;
	[tilespmem:$0x1F000] =	vst v63  }
0xdc: {  	_ =	swait.ge [sflag:s30], $0x1400  }
0xdd: {  	[sflag:s30] =	ssyncset.done $0x0  }
0xde: {  	[sflag:s30] =	ssyncadd.s32 $0xFFFFEC00  }
0xdf: {  	_ =	swait.ge [sflag:s0], $0x1400  }
0xe0: {  	[sflag:s0] =	ssyncset.done $0x0  }
0xe1: {  	[sflag:s0] =	ssyncadd.s32 $0xFFFFEC00  }
0xe2: {  	[tilespmem:s6], [sflag:$0x1] =	stream.indirect.gather [hbm4b:s1+s3], $0x80, s13, s3, $0xb8;
	[tilespmem:$0x1F000] =	vst v63  }
0xe3: {  	_ = 	snop  }
0xe4: {  	[tilespmem:s7], [sflag:$0x2] =	stream.indirect.gather [hbm4b:s1+s3], $0x80, s3, s3, $0xb8;
	[tilespmem:$0x1F000] =	vst v63  }
0xe5: {  	_ =	swait.ge [sflag:s30], $0x4000  }
0xe6: {  	[sflag:s30] =	ssyncset.done $0x0  }
0xe7: {  	s15 =	simm.s32 $0x1400;
	[sflag:s30] =	ssyncadd.s32 $0xFFFFC000  }
0xe8: {  	[spmem:s2] =	stream.indirect.scatter.add.f32 [tilespmem:s6], [sflag:$0x3], $0x80, s15, s3, $0xb8;
	[tilespmem:$0x1F000] =	vst v63  }
0xe9: {  	_ =	swait.ge [sflag:s0], $0x4000  }
0xea: {  	[sflag:s0] =	ssyncset.done $0x0  }
0xeb: {  	s14 =	simm.s32 $0x1480;
	[sflag:s0] =	ssyncadd.s32 $0xFFFFC000  }
0xec: {  	[spmem:s2] =	stream.indirect.scatter.add.f32 [tilespmem:s7], [sflag:$0x4], $0x80, s14, s3, $0xb8;
	[tilespmem:$0x1F000] =	vst v63  }
0xed: {  	_ =	swait.ge [sflag:s8], $0x4000  }
0xee: {  	[sflag:s8] =	ssyncset.done $0x0  }
0xef: {  	s15 =	simm.s32 $0x100;
	[sflag:s8] =	ssyncadd.s32 $0xFFFFC000  }
0xf0: {  	[tilespmem:s6], [sflag:$0x1] =	stream.indirect.gather [hbm4b:s1+s3], $0x80, s15, s3, $0xb8;
	[tilespmem:$0x1F000] =	vst v63  }
0xf1: {  	_ =	swait.ge [sflag:s9], $0x4000  }
0xf2: {  	[sflag:s9] =	ssyncset.done $0x0  }
0xf3: {  	s13 =	simm.s32 $0x400;
	s14 =	simm.s32 $0x180;
	[sflag:s9] =	ssyncadd.s32 $0xFFFFC000  }
.LBB2_8:
0xf4: {  	[tilespmem:s7], [sflag:$0x2] =	stream.indirect.gather [hbm4b:s1+s3], $0x80, s14, s3, $0xb8;
	[tilespmem:$0x1F000] =	vst v63  }
0xf5: {  	s14 =	smov.u32 s13  }
0xf6: {  	p0 =	sne.s32 s13, $0x4800;
	s13 =	sadd.s32 $0x400, s13;
	_ =	swait.ge [sflag:s30], $0x4000  }
0xf7: {  	s14 =	sshra.s32 s14, $0x2;
	[sflag:s30] =	ssyncset.done $0x0  }
0xf8: {  	s15 =	sadd.s32 $0x1400, s14;
	[sflag:s30] =	ssyncadd.s32 $0xFFFFC000  }
0xf9: {  	[spmem:s2] =	stream.indirect.scatter.add.f32 [tilespmem:s6], [sflag:$0x3], $0x80, s15, s3, $0xb8;
	[tilespmem:$0x1F000] =	vst v63  }
0xfa: {  	_ =	swait.ge [sflag:s0], $0x4000  }
0xfb: {  	[sflag:s0] =	ssyncset.done $0x0  }
0xfc: {  	s15 =	sadd.s32 $0x1480, s14;
	[sflag:s0] =	ssyncadd.s32 $0xFFFFC000  }
0xfd: {  	[spmem:s2] =	stream.indirect.scatter.add.f32 [tilespmem:s7], [sflag:$0x4], $0x80, s15, s3, $0xb8;
	[tilespmem:$0x1F000] =	vst v63  }
0xfe: {  	_ =	swait.ge [sflag:s8], $0x4000  }
0xff: {  	[sflag:s8] =	ssyncset.done $0x0  }
.Ltmp3:
0x100: {  	s15 =	sadd.s32 $0x100, s14;
	[sflag:s8] =	ssyncadd.s32 $0xFFFFC000;
	(pc) =	sbr.rel @p0 .LBB2_8-.Ltmp3, $4  }
0x101: {  	[tilespmem:s6], [sflag:$0x1] =	stream.indirect.gather [hbm4b:s1+s3], $0x80, s15, s3, $0xb8;
	[tilespmem:$0x1F000] =	vst v63  }
0x102: {  	_ =	swait.ge [sflag:s9], $0x4000  }
0x103: {  	[sflag:s9] =	ssyncset.done $0x0  }
0x104: {  	s14 =	sadd.s32 $0x180, s14;
	[sflag:s9] =	ssyncadd.s32 $0xFFFFC000  }
0x105: {  	[tilespmem:s7], [sflag:$0x2] =	stream.indirect.gather [hbm4b:s1+s3], $0x80, s14, s3, $0xb8;
	[tilespmem:$0x1F000] =	vst v63  }
0x106: {  	_ =	swait.ge [sflag:s30], $0x4000  }
0x107: {  	[sflag:s30] =	ssyncset.done $0x0  }
0x108: {  	[sflag:s30] =	ssyncadd.s32 $0xFFFFC000  }
0x109: {  	[spmem:s2] =	stream.indirect.scatter.add.f32 [tilespmem:s6], [sflag:$0x3], $0x80, s10, s3, $0xb8;
	[tilespmem:$0x1F000] =	vst v63  }
0x10a: {  	_ =	swait.ge [sflag:s0], $0x4000  }
0x10b: {  	[sflag:s0] =	ssyncset.done $0x0  }
0x10c: {  	[sflag:s0] =	ssyncadd.s32 $0xFFFFC000  }
0x10d: {  	[spmem:s2] =	stream.indirect.scatter.add.f32 [tilespmem:s7], [sflag:$0x4], $0x80, s11, s3, $0xb8;
	[tilespmem:$0x1F000] =	vst v63  }
0x10e: {  	_ =	swait.ge [sflag:s8], $0x4000  }
0x10f: {  	[sflag:s8] =	ssyncset.done $0x0  }
0x110: {  	[sflag:s8] =	ssyncadd.s32 $0xFFFFC000  }
0x111: {  	_ =	swait.ge [sflag:s9], $0x4000  }
0x112: {  	[sflag:s9] =	ssyncset.done $0x0  }
0x113: {  	s13 =	simm.s32 $0x0;
	s15 =	rddreg [dreg:$0x13];
	[sflag:s9] =	ssyncadd.s32 $0xFFFFC000  }
0x114: {  	[tilespmem:s13], [sflag:$0x1] =	stream.linear.gather [hbm4b:s15+s13], $0x1400, $0x38;
	[tilespmem:$0x1F000] =	vst v63  }
0x115: {  	s15 =	rddreg [dreg:$0x14]  }
0x116: {  	[tilespmem:s31], [sflag:$0x2] =	stream.linear.gather [hbm4b:s15+s13], $0x1400, $0x38;
	[tilespmem:$0x1F000] =	vst v63  }
0x117: {  	_ =	swait.ge [sflag:s30], $0x1400  }
0x118: {  	[sflag:s30] =	ssyncset.done $0x0  }
0x119: {  	[sflag:s30] =	ssyncadd.s32 $0xFFFFEC00  }
0x11a: {  	_ =	swait.ge [sflag:s0], $0x1400  }
0x11b: {  	[sflag:s0] =	ssyncset.done $0x0  }
0x11c: {  	[sflag:s0] =	ssyncadd.s32 $0xFFFFEC00  }
0x11d: {  	[tilespmem:s6], [sflag:$0x1] =	stream.indirect.gather [hbm4b:s1+s3], $0x80, s13, s3, $0xb8;
	[tilespmem:$0x1F000] =	vst v63  }
0x11e: {  	_ = 	snop  }
0x11f: {  	[tilespmem:s7], [sflag:$0x2] =	stream.indirect.gather [hbm4b:s1+s3], $0x80, s3, s3, $0xb8;
	[tilespmem:$0x1F000] =	vst v63  }
0x120: {  	_ =	swait.ge [sflag:s30], $0x4000  }
0x121: {  	[sflag:s30] =	ssyncset.done $0x0  }
0x122: {  	s15 =	simm.s32 $0x1400;
	[sflag:s30] =	ssyncadd.s32 $0xFFFFC000  }
0x123: {  	[spmem:s2] =	stream.indirect.scatter.add.f32 [tilespmem:s6], [sflag:$0x3], $0x80, s15, s3, $0xb8;
	[tilespmem:$0x1F000] =	vst v63  }
0x124: {  	_ =	swait.ge [sflag:s0], $0x4000  }
0x125: {  	[sflag:s0] =	ssyncset.done $0x0  }
0x126: {  	s14 =	simm.s32 $0x1480;
	[sflag:s0] =	ssyncadd.s32 $0xFFFFC000  }
0x127: {  	[spmem:s2] =	stream.indirect.scatter.add.f32 [tilespmem:s7], [sflag:$0x4], $0x80, s14, s3, $0xb8;
	[tilespmem:$0x1F000] =	vst v63  }
0x128: {  	_ =	swait.ge [sflag:s8], $0x4000  }
0x129: {  	[sflag:s8] =	ssyncset.done $0x0  }
0x12a: {  	s15 =	simm.s32 $0x100;
	[sflag:s8] =	ssyncadd.s32 $0xFFFFC000  }
0x12b: {  	[tilespmem:s6], [sflag:$0x1] =	stream.indirect.gather [hbm4b:s1+s3], $0x80, s15, s3, $0xb8;
	[tilespmem:$0x1F000] =	vst v63  }
0x12c: {  	_ =	swait.ge [sflag:s9], $0x4000  }
0x12d: {  	[sflag:s9] =	ssyncset.done $0x0  }
0x12e: {  	s13 =	simm.s32 $0x400;
	s14 =	simm.s32 $0x180;
	[sflag:s9] =	ssyncadd.s32 $0xFFFFC000  }
.LBB2_10:
0x12f: {  	[tilespmem:s7], [sflag:$0x2] =	stream.indirect.gather [hbm4b:s1+s3], $0x80, s14, s3, $0xb8;
	[tilespmem:$0x1F000] =	vst v63  }
0x130: {  	s14 =	smov.u32 s13  }
0x131: {  	p0 =	sne.s32 s13, $0x4800;
	s13 =	sadd.s32 $0x400, s13;
	_ =	swait.ge [sflag:s30], $0x4000  }
0x132: {  	s14 =	sshra.s32 s14, $0x2;
	[sflag:s30] =	ssyncset.done $0x0  }
0x133: {  	s15 =	sadd.s32 $0x1400, s14;
	[sflag:s30] =	ssyncadd.s32 $0xFFFFC000  }
0x134: {  	[spmem:s2] =	stream.indirect.scatter.add.f32 [tilespmem:s6], [sflag:$0x3], $0x80, s15, s3, $0xb8;
	[tilespmem:$0x1F000] =	vst v63  }
0x135: {  	_ =	swait.ge [sflag:s0], $0x4000  }
0x136: {  	[sflag:s0] =	ssyncset.done $0x0  }
0x137: {  	s15 =	sadd.s32 $0x1480, s14;
	[sflag:s0] =	ssyncadd.s32 $0xFFFFC000  }
0x138: {  	[spmem:s2] =	stream.indirect.scatter.add.f32 [tilespmem:s7], [sflag:$0x4], $0x80, s15, s3, $0xb8;
	[tilespmem:$0x1F000] =	vst v63  }
0x139: {  	_ =	swait.ge [sflag:s8], $0x4000  }
0x13a: {  	[sflag:s8] =	ssyncset.done $0x0  }
.Ltmp4:
0x13b: {  	s15 =	sadd.s32 $0x100, s14;
	[sflag:s8] =	ssyncadd.s32 $0xFFFFC000;
	(pc) =	sbr.rel @p0 .LBB2_10-.Ltmp4, $4  }
0x13c: {  	[tilespmem:s6], [sflag:$0x1] =	stream.indirect.gather [hbm4b:s1+s3], $0x80, s15, s3, $0xb8;
	[tilespmem:$0x1F000] =	vst v63  }
0x13d: {  	_ =	swait.ge [sflag:s9], $0x4000  }
0x13e: {  	[sflag:s9] =	ssyncset.done $0x0  }
0x13f: {  	s14 =	sadd.s32 $0x180, s14;
	[sflag:s9] =	ssyncadd.s32 $0xFFFFC000  }
0x140: {  	[tilespmem:s7], [sflag:$0x2] =	stream.indirect.gather [hbm4b:s1+s3], $0x80, s14, s3, $0xb8;
	[tilespmem:$0x1F000] =	vst v63  }
0x141: {  	_ =	swait.ge [sflag:s30], $0x4000  }
0x142: {  	[sflag:s30] =	ssyncset.done $0x0  }
0x143: {  	[sflag:s30] =	ssyncadd.s32 $0xFFFFC000  }
0x144: {  	[spmem:s2] =	stream.indirect.scatter.add.f32 [tilespmem:s6], [sflag:$0x3], $0x80, s10, s3, $0xb8;
	[tilespmem:$0x1F000] =	vst v63  }
0x145: {  	_ =	swait.ge [sflag:s0], $0x4000  }
0x146: {  	[sflag:s0] =	ssyncset.done $0x0  }
0x147: {  	[sflag:s0] =	ssyncadd.s32 $0xFFFFC000  }
0x148: {  	[spmem:s2] =	stream.indirect.scatter.add.f32 [tilespmem:s7], [sflag:$0x4], $0x80, s11, s3, $0xb8;
	[tilespmem:$0x1F000] =	vst v63  }
0x149: {  	_ =	swait.ge [sflag:s8], $0x4000  }
0x14a: {  	[sflag:s8] =	ssyncset.done $0x0  }
0x14b: {  	[sflag:s8] =	ssyncadd.s32 $0xFFFFC000  }
0x14c: {  	_ =	swait.ge [sflag:s9], $0x4000  }
0x14d: {  	[sflag:s9] =	ssyncset.done $0x0  }
0x14e: {  	s13 =	simm.s32 $0x0;
	s15 =	rddreg [dreg:$0x15];
	[sflag:s9] =	ssyncadd.s32 $0xFFFFC000  }
0x14f: {  	[tilespmem:s13], [sflag:$0x1] =	stream.linear.gather [hbm4b:s15+s13], $0x1400, $0x38;
	[tilespmem:$0x1F000] =	vst v63  }
0x150: {  	s15 =	rddreg [dreg:$0x16]  }
0x151: {  	[tilespmem:s31], [sflag:$0x2] =	stream.linear.gather [hbm4b:s15+s13], $0x1400, $0x38;
	[tilespmem:$0x1F000] =	vst v63  }
0x152: {  	_ =	swait.ge [sflag:s30], $0x1400  }
0x153: {  	[sflag:s30] =	ssyncset.done $0x0  }
0x154: {  	[sflag:s30] =	ssyncadd.s32 $0xFFFFEC00  }
0x155: {  	_ =	swait.ge [sflag:s0], $0x1400  }
0x156: {  	[sflag:s0] =	ssyncset.done $0x0  }
0x157: {  	[sflag:s0] =	ssyncadd.s32 $0xFFFFEC00  }
0x158: {  	[tilespmem:s6], [sflag:$0x1] =	stream.indirect.gather [hbm4b:s1+s3], $0x80, s13, s3, $0xb8;
	[tilespmem:$0x1F000] =	vst v63  }
0x159: {  	_ = 	snop  }
0x15a: {  	[tilespmem:s7], [sflag:$0x2] =	stream.indirect.gather [hbm4b:s1+s3], $0x80, s3, s3, $0xb8;
	[tilespmem:$0x1F000] =	vst v63  }
0x15b: {  	_ =	swait.ge [sflag:s30], $0x4000  }
0x15c: {  	[sflag:s30] =	ssyncset.done $0x0  }
0x15d: {  	s15 =	simm.s32 $0x1400;
	[sflag:s30] =	ssyncadd.s32 $0xFFFFC000  }
0x15e: {  	[spmem:s2] =	stream.indirect.scatter.add.f32 [tilespmem:s6], [sflag:$0x3], $0x80, s15, s3, $0xb8;
	[tilespmem:$0x1F000] =	vst v63  }
0x15f: {  	_ =	swait.ge [sflag:s0], $0x4000  }
0x160: {  	[sflag:s0] =	ssyncset.done $0x0  }
0x161: {  	s14 =	simm.s32 $0x1480;
	[sflag:s0] =	ssyncadd.s32 $0xFFFFC000  }
0x162: {  	[spmem:s2] =	stream.indirect.scatter.add.f32 [tilespmem:s7], [sflag:$0x4], $0x80, s14, s3, $0xb8;
	[tilespmem:$0x1F000] =	vst v63  }
0x163: {  	_ =	swait.ge [sflag:s8], $0x4000  }
0x164: {  	[sflag:s8] =	ssyncset.done $0x0  }
0x165: {  	s15 =	simm.s32 $0x100;
	[sflag:s8] =	ssyncadd.s32 $0xFFFFC000  }
0x166: {  	[tilespmem:s6], [sflag:$0x1] =	stream.indirect.gather [hbm4b:s1+s3], $0x80, s15, s3, $0xb8;
	[tilespmem:$0x1F000] =	vst v63  }
0x167: {  	_ =	swait.ge [sflag:s9], $0x4000  }
0x168: {  	[sflag:s9] =	ssyncset.done $0x0  }
0x169: {  	s13 =	simm.s32 $0x400;
	s14 =	simm.s32 $0x180;
	[sflag:s9] =	ssyncadd.s32 $0xFFFFC000  }
.LBB2_12:
0x16a: {  	[tilespmem:s7], [sflag:$0x2] =	stream.indirect.gather [hbm4b:s1+s3], $0x80, s14, s3, $0xb8;
	[tilespmem:$0x1F000] =	vst v63  }
0x16b: {  	s14 =	smov.u32 s13  }
0x16c: {  	p0 =	sne.s32 s13, $0x4800;
	s13 =	sadd.s32 $0x400, s13;
	_ =	swait.ge [sflag:s30], $0x4000  }
0x16d: {  	s14 =	sshra.s32 s14, $0x2;
	[sflag:s30] =	ssyncset.done $0x0  }
0x16e: {  	s15 =	sadd.s32 $0x1400, s14;
	[sflag:s30] =	ssyncadd.s32 $0xFFFFC000  }
0x16f: {  	[spmem:s2] =	stream.indirect.scatter.add.f32 [tilespmem:s6], [sflag:$0x3], $0x80, s15, s3, $0xb8;
	[tilespmem:$0x1F000] =	vst v63  }
0x170: {  	_ =	swait.ge [sflag:s0], $0x4000  }
0x171: {  	[sflag:s0] =	ssyncset.done $0x0  }
0x172: {  	s15 =	sadd.s32 $0x1480, s14;
	[sflag:s0] =	ssyncadd.s32 $0xFFFFC000  }
0x173: {  	[spmem:s2] =	stream.indirect.scatter.add.f32 [tilespmem:s7], [sflag:$0x4], $0x80, s15, s3, $0xb8;
	[tilespmem:$0x1F000] =	vst v63  }
0x174: {  	_ =	swait.ge [sflag:s8], $0x4000  }
0x175: {  	[sflag:s8] =	ssyncset.done $0x0  }
.Ltmp5:
0x176: {  	s15 =	sadd.s32 $0x100, s14;
	[sflag:s8] =	ssyncadd.s32 $0xFFFFC000;
	(pc) =	sbr.rel @p0 .LBB2_12-.Ltmp5, $4  }
0x177: {  	[tilespmem:s6], [sflag:$0x1] =	stream.indirect.gather [hbm4b:s1+s3], $0x80, s15, s3, $0xb8;
	[tilespmem:$0x1F000] =	vst v63  }
0x178: {  	_ =	swait.ge [sflag:s9], $0x4000  }
0x179: {  	[sflag:s9] =	ssyncset.done $0x0  }
0x17a: {  	s14 =	sadd.s32 $0x180, s14;
	[sflag:s9] =	ssyncadd.s32 $0xFFFFC000  }
0x17b: {  	[tilespmem:s7], [sflag:$0x2] =	stream.indirect.gather [hbm4b:s1+s3], $0x80, s14, s3, $0xb8;
	[tilespmem:$0x1F000] =	vst v63  }
0x17c: {  	_ =	swait.ge [sflag:s30], $0x4000  }
0x17d: {  	[sflag:s30] =	ssyncset.done $0x0  }
0x17e: {  	[sflag:s30] =	ssyncadd.s32 $0xFFFFC000  }
0x17f: {  	[spmem:s2] =	stream.indirect.scatter.add.f32 [tilespmem:s6], [sflag:$0x3], $0x80, s10, s3, $0xb8;
	[tilespmem:$0x1F000] =	vst v63  }
0x180: {  	_ =	swait.ge [sflag:s0], $0x4000  }
0x181: {  	[sflag:s0] =	ssyncset.done $0x0  }
0x182: {  	[sflag:s0] =	ssyncadd.s32 $0xFFFFC000  }
0x183: {  	[spmem:s2] =	stream.indirect.scatter.add.f32 [tilespmem:s7], [sflag:$0x4], $0x80, s11, s3, $0xb8;
	[tilespmem:$0x1F000] =	vst v63  }
0x184: {  	_ =	swait.ge [sflag:s8], $0x4000  }
0x185: {  	[sflag:s8] =	ssyncset.done $0x0  }
0x186: {  	[sflag:s8] =	ssyncadd.s32 $0xFFFFC000  }
0x187: {  	_ =	swait.ge [sflag:s9], $0x4000  }
0x188: {  	[sflag:s9] =	ssyncset.done $0x0  }
0x189: {  	s13 =	stileid.u32;
	[sflag:s9] =	ssyncadd.s32 $0xFFFFC000  }
0x18a: {  	s13 =	sshll.u32 s13, $0x6;
	[bflag:$0x0] =	sbarrier.arrive $0xFFFF  }
0x18b: {  	s14 =	sshrl.u32 s5, $0x3;
	s13 =	sor.u32 $0x1C05, s13;
	s15 =	rddreg [dreg:$0x4]  }
0x18c: {  	[hbm:s15], [sflag:s13] =	dma.local [spmem:s14], $0x2800  }
0x18d: {  	_ =	swait.ge [sflag:s12], $0x2800  }
0x18e: {  	s4 =	sadd.s32 $0x1, s4;
	s15 =	rddreg [dreg:$0x5]  }
0x18f: {  	p0 =	sne.s32 s4, s15  }
.Ltmp6:
0x190: {  	_ = 	snop;
	(pc) =	sbr.rel @p0 .LBB2_1-.Ltmp6, $3  }
0x191: {  	_ =	sdelay $0x1  }
0x192: {  	[sflag:s12] =	ssyncset.done $0x0  }
0x193: {  	[sflag:s12] =	ssyncadd.s32 $0xFFFFD800  }
0x194: {  	_ =	sfence.sel $0x180000  }
0x195: {  	[bflag:$0x0] =	sbarrier.arrive $0xFFFF  }
0x196: {  	_ =	strace $0x9000004D  }
0x197: {  	s0 =	stileid.u32;
	[bflag:$0x2] =	sbarrier.arrive $0xFFFF  }
0x198: {  	p0 =	sne.s32 s0, $0x0;
	s0 =	rddreg [dreg:$0x3]  }
0x199: {  	s0 =	sadd.s32 @!p0 $0x100000, s0  }
0x19a: {  	[sflag:s0] =	ssyncadd.tile.s32 @!p0 $0x1;
	_ =	shalt  }
.Lfunc_end2:
_tile_overlayer_lowered:
.L_overlay_start_2:
0x19b: {  	(tag) =	ssettag $0x2  }
0x19c: {  	s0 =	rddreg [dreg:$0x0];
	s2 =	stileid.u32  }
0x19d: {  	s1 =	rddreg [dreg:$0x1];
	p0 =	sne.s32 s2, $0x0  }
0x19e: {  	s3 =	rddreg [dreg:$0x2];
	[bflag:$0x3] =	sbarrier.arrive $0xFFFF;
	s2 =	simm.s32 @!p0 $0x1C05  }
0x19f: {  	[timem:s3], [sflag:s2] =	dma.local @!p0 [hbm:s0], s1  }
0x1a0: {  	s0 =	simm.s32 @!p0 $0x5  }
0x1a1: {  	_ =	swait.ge @!p0 [sflag:s0], s1  }
0x1a2: {  	s1 =	ssub.s32 @!p0 $0x0, s1;
	[sflag:s0] =	ssyncset.done @!p0 $0x0  }
0x1a3: {  	[sflag:s0] =	ssyncadd.s32 @!p0 s1  }
0x1a4: {  	[bflag:$0x3] =	sbarrier.arrive $0xFFFF  }
0x1a5: {  	_ =	shalt  }

// kernel: kernel.8.cloned.1.call-start
scs
__scs_entry_jumppad:
0x0: {  	(pc) =	sbr.rel $0x88, $3  }
0x1: {  	(tag) =	ssettag $0x0;
	lr =	simm.s32 $0x1  }
0x2: {  	[smem:$0x3F90] =	sst lr;
	_ =	strace $0xD0000000  }
0x3: {  	_ = 	snop  }
0x4: {  	_ = 	snop  }
0x5: {  	_ = 	snop  }
0x6: {  	_ = 	snop  }
0x7: {  	_ = 	snop  }
__scs_overlays_trampoline_lowered:
0x8: {  	[smem:$0x3F9F] =	sst s0  }
0x9: {  	[smem:$0x3FA0] =	sst s1  }
0xa: {  	[smem:$0x3FA1] =	sst s2  }
0xb: {  	[smem:$0x3FA2] =	sst s3  }
0xc: {  	[smem:$0x3FA3] =	sst s4  }
0xd: {  	[smem:$0x3FA4] =	sst s5  }
0xe: {  	[smem:$0x3FA5] =	sst s6  }
0xf: {  	[smem:$0x3FA6] =	sst s7  }
0x10: {  	[smem:$0x3FA7] =	sst s8  }
0x11: {  	[smem:$0x3FA8] =	sst s9;
	s0 =	simm.s32 @!p0 $0x0  }
0x12: {  	s1 =	sld [smem:$0x3F8E];
	s0 =	simm.s32 @p0 $0x1  }
0x13: {  	[smem:$0x3FA9] =	sst s0;
	s0 =	simm.s32 @!p1 $0x0  }
0x14: {  	s2 =	sld [smem:$0x3F8D];
	s0 =	simm.s32 @p1 $0x1  }
0x15: {  	[smem:$0x3FAA] =	sst s0;
	s0 =	simm.s32 @!p2 $0x0  }
0x16: {  	s3 =	sld [smem:$0x3FDB];
	s0 =	simm.s32 @p2 $0x1  }
0x17: {  	s4 =	simm.s32 $0x1BF5;
	[smem:$0x3FAC] =	sst s0  }
0x18: {  	s0 =	sld [smem:$0x3F8F];
	_ =	swait.ge [sflag:s4], $0x0  }
0x19: {  	s7 =	sld [smem:$0x3F90]  }
0x1a: {  	s8 =	sadd.s32 $0xFFFFE003, lr  }
0x1b: {  	s9 =	sadd.s32 $0xFFFFFEF7, lr;
	s5 =	simm.s32 $0xFFFFFFFF;
	p2 =	slt.u32 s8, $0xFFFFF086  }
0x1c: {  	p1 =	slt.u32 s9, $0xF7A;
	s5 =	simm.s32 @!p2 $0x0  }
0x1d: {  	s5 =	simm.s32 @p1 $0x1;
	p0 =	seq.s32 s7, s2  }
0x1e: {  	s7 =	smul.u32 @!p0 $0xF7A, s2;
	p2 =	seq.s32 @!p0 s5, $0x0  }
0x1f: {  	s9 =	smul.u32 $0xF7A, s1;
	s8 =	simm.s32 @!p0 $0x1BF5;
	p2 =	por !p2, p0  }
0x20: {  	[sflag:s8] =	ssyncset.s32 @!p0 $0xFFFFF086;
	s6 =	sadd.s32 @!p0 s3, s7;
	s7 =	simm.s32 @!p0 $0x108  }
0x21: {  	s3 =	sadd.s32 s3, s9;
	s6 =	sadd.s32 @!p0 $0x88, s6;
	s7 =	simm.s32 @p2 $0x1082  }
0x22: {  	[simem:s7], [sflag:s8] =	dma.local @!p0 [hbm:s6], $0xF7A  }
0x23: {  	s9 =	sor.u32 $0xD0000000, s2;
	s6 =	simm.s32 $0x108;
	_ =	swait.ge @!p0 [sflag:s8], $0x0  }
0x24: {  	s3 =	sadd.s32 $0x88, s3;
	s6 =	simm.s32 @!p1 $0x1082;
	[sflag:s4] =	ssyncset.s32 $0xFFFFF086  }
0x25: {  	[simem:s6], [sflag:s4] =	dma.local [hbm:s3], $0xF7A  }
0x26: {  	[smem:$0x3F90] =	sst s1;
	(tag) =	ssettag s2;
	_ =	strace s9  }
0x27: {  	s1 =	sld [smem:$0x3FA0]  }
0x28: {  	s2 =	sld [smem:$0x3FA1]  }
0x29: {  	s4 =	sld [smem:$0x3FA3]  }
0x2a: {  	p0 =	seq.s32 s5, $0x0;
	s5 =	sld [smem:$0x3FA4]  }
0x2b: {  	s6 =	sld [smem:$0x3FA5]  }
0x2c: {  	s7 =	sld [smem:$0x3FA6]  }
0x2d: {  	s3 =	simm.s32 $0x108;
	s8 =	sld [smem:$0x3FA7]  }
0x2e: {  	s3 =	simm.s32 @!p0 $0x1082;
	s9 =	sld [smem:$0x3FA8]  }
0x2f: {  	lr =	sadd.s32 s0, s3;
	s0 =	sld [smem:$0x3F9F]  }
0x30: {  	s3 =	sld [smem:$0x3FA2]  }
0x31: {  	[smem:$0x3FAB] =	sst s10  }
0x32: {  	s10 =	sld [smem:$0x3FA9];
	_ =	sdelay $0x3  }
0x33: {  	p0 =	seq.s32 s10, $0x1;
	s10 =	sld [smem:$0x3FAB];
	_ =	sdelay $0x3  }
0x34: {  	[smem:$0x3FAB] =	sst s10  }
0x35: {  	s10 =	sld [smem:$0x3FAA];
	_ =	sdelay $0x3  }
0x36: {  	p1 =	seq.s32 s10, $0x1;
	s10 =	sld [smem:$0x3FAB];
	_ =	sdelay $0x3  }
0x37: {  	[smem:$0x3FAB] =	sst s10  }
0x38: {  	s10 =	sld [smem:$0x3FAC]  }
0x39: {  	_ = 	snop;
	(pc) =	sbr.ind lr, $3  }
0x3a: {  	_ = 	snop  }
0x3b: {  	_ = 	snop  }
0x3c: {  	p2 =	seq.s32 s10, $0x1;
	s10 =	sld [smem:$0x3FAB]  }
0x3d: {  	_ =	shalt  }
0x3e: {  	_ =	shalt  }
0x3f: {  	_ =	shalt  }
0x40: {  	_ =	shalt  }
0x41: {  	_ =	shalt  }
0x42: {  	_ =	shalt  }
0x43: {  	_ =	shalt  }
0x44: {  	_ =	shalt  }
0x45: {  	_ =	shalt  }
0x46: {  	_ =	shalt  }
0x47: {  	_ =	shalt  }
0x48: {  	_ =	shalt  }
0x49: {  	_ =	shalt  }
0x4a: {  	_ =	shalt  }
0x4b: {  	_ =	shalt  }
0x4c: {  	_ =	shalt  }
0x4d: {  	_ =	shalt  }
0x4e: {  	_ =	shalt  }
0x4f: {  	_ =	shalt  }
0x50: {  	_ =	shalt  }
0x51: {  	_ =	shalt  }
0x52: {  	_ =	shalt  }
0x53: {  	_ =	shalt  }
0x54: {  	_ =	shalt  }
0x55: {  	_ =	shalt  }
0x56: {  	_ =	shalt  }
0x57: {  	_ =	shalt  }
0x58: {  	_ =	shalt  }
0x59: {  	_ =	shalt  }
0x5a: {  	_ =	shalt  }
0x5b: {  	_ =	shalt  }
0x5c: {  	_ =	shalt  }
0x5d: {  	_ =	shalt  }
0x5e: {  	_ =	shalt  }
0x5f: {  	_ =	shalt  }
0x60: {  	_ =	shalt  }
0x61: {  	_ =	shalt  }
0x62: {  	_ =	shalt  }
0x63: {  	_ =	shalt  }
0x64: {  	_ =	shalt  }
0x65: {  	_ =	shalt  }
0x66: {  	_ =	shalt  }
0x67: {  	_ =	shalt  }
0x68: {  	_ =	shalt  }
0x69: {  	_ =	shalt  }
0x6a: {  	_ =	shalt  }
0x6b: {  	_ =	shalt  }
0x6c: {  	_ =	shalt  }
0x6d: {  	_ =	shalt  }
0x6e: {  	_ =	shalt  }
0x6f: {  	_ =	shalt  }
0x70: {  	_ =	shalt  }
0x71: {  	_ =	shalt  }
0x72: {  	_ =	shalt  }
0x73: {  	_ =	shalt  }
0x74: {  	_ =	shalt  }
0x75: {  	_ =	shalt  }
0x76: {  	_ =	shalt  }
0x77: {  	_ =	shalt  }
0x78: {  	_ =	shalt  }
0x79: {  	_ =	shalt  }
0x7a: {  	_ =	shalt  }
0x7b: {  	_ =	shalt  }
0x7c: {  	_ =	shalt  }
0x7d: {  	_ =	shalt  }
0x7e: {  	_ =	shalt  }
0x7f: {  	_ =	shalt  }
0x80: {  	_ =	shalt  }
0x81: {  	_ =	shalt  }
0x82: {  	_ =	shalt  }
0x83: {  	_ =	shalt  }
0x84: {  	_ =	shalt  }
0x85: {  	_ =	shalt  }
0x86: {  	_ =	shalt  }
0x87: {  	_ =	shalt  }
.Lfunc_end0:
.L_simem_size_0:
called_computation_lowered:
.L_overlay_start_0:
0x88: {  	s2 =	sld [smem:$0x3FD9]  }
0x89: {  	s3 =	sld [smem:$0x3FFE];
	_ =	sdelay $0x1  }
0x8a: {  	s1 =	srdreg.scid  }
0x8b: {  	s0 =	sand.u32 $0x1, s1  }
0x8c: {  	s17 =	sshll.u32 s0, $0xA;
	s2 =	sadd.s32 s3, s2  }
0x8d: {  	s2 =	sadd.s32 s2, s17  }
0x8e: {  	[smem:$0x3FB7] =	sst s2  }
0x8f: {  	_ = 	snop  }
0x90: {  	s2 =	sld [smem:$0x3FD0];
	(tm) =	ssettm $0x1  }
0x91: {  	s18 =	sld [smem:$0x3FFB];
	_ =	sdelay $0x3  }
0x92: {  	_ =	strace s18  }
0x93: {  	s3 =	sld [smem:$0x3FFC];
	_ =	sdelay $0x3  }
0x94: {  	_ =	strace s3  }
0x95: {  	s3 =	sld [smem:$0x3FFD];
	_ =	sdelay $0x3  }
0x96: {  	_ =	strace s3  }
0x97: {  	_ =	strace $0x8FFFFFFF  }
0x98: {  	s19 =	sld [smem:$0x3FDB];
	_ =	sdelay $0x1  }
0x99: {  	s4 =	simm.s32 $_scs_section_size  }
0x9a: {  	s5 =	simm.s32 $_size__tile_overlayer_lowered;
	s6 =	simm.s32 $_tile_overlayer_lowered  }
0x9b: {  	s22 =	simm.s32 $0x1BFF;
	s21 =	sshll.u32 s6, $0x1;
	s3 =	sadd.s32 s4, s19  }
0x9c: {  	s7 =	simm.s32 $0x0;
	s20 =	sshll.u32 s5, $0x1;
	s5 =	sadd.s32 s21, s3  }
0x9d: {  	[timem:s7], [sflag:s22] =	dma.local [hbm:s5], s20  }
0x9e: {  	_ =	swait.ge [sflag:s22], s20  }
0x9f: {  	s4 =	ssub.s32 $0x0, s20;
	[sflag:s22] =	ssyncset.done $0x0  }
0xa0: {  	[sflag:s22] =	ssyncadd.s32 s4;
	_ =	sdelay $0x1  }
0xa1: {  	s23 =	simm.s32 $0x1B8B  }
0xa2: {  	_ =	swait.ge [sflag:s23], $0x1  }
0xa3: {  	[sflag:s23] =	ssyncset.done $0x0  }
0xa4: {  	s25 =	simm.s32 $0x1B8E;
	s24 =	sld [smem:$0x3FFE];
	[sflag:s23] =	ssyncadd.s32 $0xFFFFFFFF  }
0xa5: {  	s26 =	simm.s32 $execute0_lowered;
	[smem:$0x3FD2] =	sst s25  }
0xa6: {  	s5 =	sshll.u32 s26, $0x1;
	_ =	strace $0x80000046;
	[dreg:$0x1] =	wrdreg $0xFFFFFFFF  }
0xa7: {  	s28 =	simm.s32 $_size_execute0_lowered;
	s3 =	sadd.s32 s3, s5;
	[dreg:$0x0] =	wrdreg $0x0  }
0xa8: {  	s5 =	sshll.u32 s28, $0x1;
	[dreg:$0x2] =	wrdreg s3  }
0xa9: {  	[dreg:$0x3] =	wrdreg s5  }
0xaa: {  	[dreg:$0x4] =	wrdreg $0xC0  }
0xab: {  	_ =	task [dreg:s7], $0x5FFFF  }
0xac: {  	[dreg:$0x1] =	wrdreg $0xFFFFFFFF  }
0xad: {  	[dreg:$0x0] =	wrdreg $0x60  }
0xae: {  	[dreg:$0x2] =	wrdreg s24  }
0xaf: {  	[dreg:$0x3] =	wrdreg s2  }
0xb0: {  	[dreg:$0x4] =	wrdreg $0x33000  }
0xb1: {  	[dreg:$0x5] =	wrdreg $0x9  }
0xb2: {  	_ =	task.clear_ibuf [dreg:s7], $0x6FFFF;
	_ =	strace $0x90000046  }
0xb3: {  	s29 =	simm.s32 $0x9;
	_ =	strace $0x80000048  }
0xb4: {  	_ =	swait.ge [sflag:s29], $0x1  }
0xb5: {  	[sflag:s29] =	ssyncadd.s32 $0xFFFFFFFF  }
0xb6: {  	_ =	strace $0x90000048  }
0xb7: {  	_ =	sfence  }
0xb8: {  	s30 =	sld [smem:$0x0];
	_ =	sdelay $0x2  }
0xb9: {  	s31 =	sshll.u32 s1, $0xD;
	s1 =	sshrl.u32 s1, $0x2  }
0xba: {  	s3 =	sand.u32 $0x4000, s31;
	s1 =	sadd.s32 s1, s30  }
0xbb: {  	s0 =	sor.u32 s3, s0;
	s1 =	sshll.u32 s1, $0x11  }
0xbc: {  	s0 =	sor.u32 s1, s0  }
0xbd: {  	s0 =	sadd.s32 $0x8F2B, s0  }
0xbe: {  	[sflag:s0] =	ssyncadd.remote.s32 $0x1  }
0xbf: {  	_ =	sfence.sel $0xFFFF  }
0xc0: {  	[dreg:$0x0] =	wrdreg $0xFFFFFFFF;
	(pc) =	sbr.abs _section_cstart, $3  }
0xc1: {  	[dreg:$0x1] =	wrdreg $0xFFFFFFFF  }
0xc2: {  	_ =	task.clear_ibuf [dreg:s7], $0x2FFFF;
	_ =	strace $0x9FFFFFFF  }
0xc3: {  	(tm) =	ssettm $0x7FFFFFFF  }
tec
execute0_lowered:
.L_overlay_start_1:
0x0: {  	(tag) =	ssettag $0x1  }
0x1: {  	s0 =	rddreg [dreg:$0x0]  }
0x2: {  	s3 =	rddreg [dreg:$0x2]  }
0x3: {  	s1 =	srdreg.scid;
	s10 =	stileid.u32  }
0x4: {  	s4 =	simm.s32 $0x0;
	s15 =	simm.s32 $0x2;
	s17 =	simm.s32 $0x800  }
0x5: {  	s21 =	simm.s32 $0x80;
	s22 =	simm.s32 $0x1800;
	s30 =	simm.s32 $0x1980  }
0x6: {  	s14 =	simm.s32 $0x1A00;
	s19 =	simm.s32 $0x1B80;
	s31 =	simm.s32 $0x1C80  }
0x7: {  	s13 =	simm.s32 $0x1F00;
	s28 =	simm.s32 $0x1F80;
	s16 =	simm.s32 $0x1  }
0x8: {  	s12 =	simm.s32 $0x0;
	s1 =	sand.u32 $0x1, s1;
	s2 =	smul.u32 $0x500, s10  }
0x9: {  	[smem:$0x7FF] =	sst s4;
	s23 =	sadd.s32 $0x4400, s0;
	s6 =	sadd.s32 $0xE400, s0  }
0xa: {  	s24 =	sadd.s32 $0x18400, s0;
	s25 =	smul.u32 $0xA00, s10;
	s8 =	sadd.s32 $0x19000, s0  }
0xb: {  	s9 =	sadd.s32 $0x23000, s0;
	_ =	strace $0x80000047;
	[dreg:$0x4] =	wrdreg s23  }
0xc: {  	s5 =	sshll.u32 s1, $0x7;
	[dreg:$0x5] =	wrdreg s24;
	s26 =	ssub.s32 $0x2, s1  }
0xd: {  	s1 =	sshll.u32 s1, $0x4;
	s23 =	simm.s32 $0x1880;
	s24 =	simm.s32 $0x1E00  }
0xe: {  	s2 =	sor.u32 s5, s2;
	s7 =	sshrl.u32 s26, $0x1;
	s5 =	sshrl.u32 s25, $0x2  }
0xf: {  	s1 =	sor.u32 s10, s1;
	s10 =	simm.s32 $0x1B00;
	s25 =	simm.s32 $0x1C00  }
0x10: {  	s2 =	sshrl.u32 s2, $0x3;
	s18 =	sadd.s32 s5, s3;
	s11 =	smul.u32 $0x2800, s1  }
0x11: {  	s1 =	simm.s32 $0x1D00;
	s2 =	sadd.s32 s2, s0;
	s0 =	ssub.s32 s26, s7  }
0x12: {  	s26 =	simm.s32 $0x1900;
	[dreg:$0x6] =	wrdreg s18;
	s29 =	sadd.s32 $0x18600, s2  }
0x13: {  	v1 =	vlaneseq.u32;
	s7 =	simm.s32 $0x1A80;
	s0 =	smax.u32 s0, $0x1;
	[dreg:$0x7] =	wrdreg s29  }
0x14: {  	v0 =	vimm.f32 $0.0e+00;
	v1 =	vor.u32 $0x2710, v1;
	s2 =	simm.s32 $0x1D80;
	[dreg:$0x8] =	wrdreg s0;
	s0 =	simm.s32 $0x1E80  }
.LBB2_1:
0x15: {  	[dreg:$0x9] =	wrdreg s12  }
0x16: {  	s5 =	rddreg [dreg:$0x5];
	s20 =	simm.s32 $0x3000  }
0x17: {  	[tilespmem:s20], [sflag:$0x2] =	stream.linear.gather [hbm4b:s5+s4], $0x80, $0x38;
	[tilespmem:$0x3580] =	vst v63  }
0x18: {  	_ =	swait.ge [sflag:s15], $0x80  }
0x19: {  	[sflag:s15] =	ssyncset.done $0x0  }
0x1a: {  	[sflag:s15] =	ssyncadd.s32 $0xFFFFFF80  }
0x1b: {  	[tilespmem:$0x3080] =	vst v0  }
0x1c: {  	[tilespmem:$0x3090] =	vst v0  }
0x1d: {  	[tilespmem:$0x30A0] =	vst v0  }
0x1e: {  	[tilespmem:$0x30B0] =	vst v0  }
0x1f: {  	[tilespmem:$0x30C0] =	vst v0  }
0x20: {  	[tilespmem:$0x30D0] =	vst v0  }
0x21: {  	[tilespmem:$0x30E0] =	vst v0  }
0x22: {  	[tilespmem:$0x30F0] =	vst v0  }
0x23: {  	[tilespmem:$0x3100] =	vst v0  }
0x24: {  	[tilespmem:$0x3110] =	vst v0  }
0x25: {  	[tilespmem:$0x3120] =	vst v0  }
0x26: {  	[tilespmem:$0x3130] =	vst v0  }
0x27: {  	[tilespmem:$0x3140] =	vst v0  }
0x28: {  	[tilespmem:$0x3150] =	vst v0  }
0x29: {  	[tilespmem:$0x3160] =	vst v0  }
0x2a: {  	[tilespmem:$0x3170] =	vst v0  }
0x2b: {  	[tilespmem:$0x3180] =	vst v0  }
0x2c: {  	[tilespmem:$0x3190] =	vst v0  }
0x2d: {  	[tilespmem:$0x31A0] =	vst v0  }
0x2e: {  	[tilespmem:$0x31B0] =	vst v0  }
0x2f: {  	[tilespmem:$0x31C0] =	vst v0  }
0x30: {  	[tilespmem:$0x31D0] =	vst v0  }
0x31: {  	[tilespmem:$0x31E0] =	vst v0  }
0x32: {  	[tilespmem:$0x31F0] =	vst v0  }
0x33: {  	[tilespmem:$0x3200] =	vst v0  }
0x34: {  	[tilespmem:$0x3210] =	vst v0  }
0x35: {  	[tilespmem:$0x3220] =	vst v0  }
0x36: {  	[tilespmem:$0x3230] =	vst v0  }
0x37: {  	[tilespmem:$0x3240] =	vst v0  }
0x38: {  	[tilespmem:$0x3250] =	vst v0  }
0x39: {  	[tilespmem:$0x3260] =	vst v0  }
0x3a: {  	[tilespmem:$0x3270] =	vst v0  }
0x3b: {  	[tilespmem:$0x3280] =	vst v0  }
0x3c: {  	[tilespmem:$0x3290] =	vst v0  }
0x3d: {  	[tilespmem:$0x32A0] =	vst v0  }
0x3e: {  	[tilespmem:$0x32B0] =	vst v0  }
0x3f: {  	[tilespmem:$0x32C0] =	vst v0  }
0x40: {  	[tilespmem:$0x32D0] =	vst v0  }
0x41: {  	[tilespmem:$0x32E0] =	vst v0  }
0x42: {  	s29 =	simm.s32 $0x3080;
	[tilespmem:$0x32F0] =	vst v0  }
0x43: {  	v2 =	vld [tilespmem:$0x3000];
	[spmem:s18] =	stream.linear.scatter [tilespmem:s29], [sflag:$0x2], $0x280, $0x38  }
0x44: {  	_ =	swait.ge [sflag:s15], $0x280  }
0x45: {  	[sflag:s15] =	ssyncset.done $0x0  }
0x46: {  	[sflag:s15] =	ssyncadd.s32 $0xFFFFFD80  }
0x47: {  	s12 =	simm.s32 $0x0;
	[bflag:$0x0] =	sbarrier.arrive $0xFFFF  }
.LBB2_2:
0x48: {  	s5 =	sshll.u32 s12, $0xB  }
0x49: {  	s5 =	sadd.s32 s11, s5  }
0x4a: {  	s20 =	rddreg [dreg:$0x4];
	s18 =	sshrl.u32 s5, $0x3  }
0x4b: {  	s5 =	sadd.s32 s20, s18;
	s20 =	simm.s32 $0x0  }
0x4c: {  	[tilespmem:s20], [sflag:$0x2] =	stream.linear.gather [hbm4b:s5+s20], $0x800, $0x38;
	[tilespmem:$0x3580] =	vst v63  }
0x4d: {  	_ =	swait.ge [sflag:s15], $0x800  }
0x4e: {  	[sflag:s15] =	ssyncset.done $0x0  }
0x4f: {  	s5 =	sadd.s32 s6, s18;
	[sflag:s15] =	ssyncadd.s32 $0xFFFFF800  }
0x50: {  	[tilespmem:s17], [sflag:$0x2] =	stream.linear.gather [hbm4b:s5+s20], $0x800, $0x38;
	[tilespmem:$0x3580] =	vst v63  }
0x51: {  	_ =	swait.ge [sflag:s15], $0x800  }
0x52: {  	[sflag:s15] =	ssyncset.done $0x0  }
0x53: {  	[sflag:s15] =	ssyncadd.s32 $0xFFFFF800  }
0x54: {  	s5 =	rddreg [dreg:$0x1]  }
0x55: {  	s29 =	simm.s32 $0x1000;
	s5 =	sadd.s32 s5, s18  }
0x56: {  	[tilespmem:s29], [sflag:$0x2] =	stream.linear.gather [hbm4b:s5+s20], $0x800, $0x38;
	[tilespmem:$0x3580] =	vst v63  }
0x57: {  	_ =	swait.ge [sflag:s15], $0x800  }
0x58: {  	[sflag:s15] =	ssyncset.done $0x0  }
0x59: {  	s20 =	simm.s32 $0x0;
	[sflag:s15] =	ssyncadd.s32 $0xFFFFF800  }
0x5a: {  	v3 =	vld [tilespmem:s20+$0x70]  }
0x5b: {  	v4 =	vld [tilespmem:s20+$0x870]  }
0x5c: {  	v5 =	vld [tilespmem:s20+$0x1070]  }
0x5d: {  	v6 =	vld [tilespmem:s20+$0x0]  }
0x5e: {  	v7 =	vld [tilespmem:s20+$0x800]  }
0x5f: {  	v8 =	vld [tilespmem:s20+$0x1000]  }
0x60: {  	v9 =	vld [tilespmem:s20+$0x10]  }
0x61: {  	v10 =	vld [tilespmem:s20+$0x810];
	vm0 =	vle.f32 v5, v2;
	vm1 =	vne.s32 v3, v4  }
0x62: {  	v5 =	vld [tilespmem:s20+$0x1010];
	vm0 =	vmand vm1, vm0  }
0x63: {  	v4 =	vsel vm0, v4, v1  }
0x64: {  	v11 =	vld [tilespmem:s20+$0x20];
	vm2 =	vle.f32 v8, v2;
	vm1 =	vne.s32 v6, v7;
	v3 =	vsel vm0, v3, v1;
	[tilespmem:s20+$0x2870] =	vst v4  }
0x65: {  	v12 =	vld [tilespmem:s20+$0x820];
	v4 =	vsel vm0, $0x3F800000, v0;
	vm0 =	vmand vm1, vm2;
	[tilespmem:s20+$0x2070] =	vst v3  }
0x66: {  	v13 =	vld [tilespmem:s20+$0x1020];
	vm1 =	vne.s32 v9, v10;
	[tilespmem:s20+$0x1870] =	vst v4;
	v3 =	vsel vm0, v6, v1  }
0x67: {  	v4 =	vsel vm0, $0x3F800000, v0;
	[tilespmem:s20+$0x2000] =	vst v3;
	v3 =	vsel vm0, v7, v1;
	vm0 =	vle.f32 v5, v2  }
0x68: {  	v14 =	vld [tilespmem:s20+$0x830];
	vm0 =	vmand vm1, vm0  }
0x69: {  	v8 =	vld [tilespmem:s20+$0x30];
	[tilespmem:s20+$0x2800] =	vst v3;
	v3 =	vsel vm0, $0x3F800000, v0  }
0x6a: {  	v6 =	vld [tilespmem:s20+$0x1030];
	[tilespmem:s20+$0x1810] =	vst v3;
	v3 =	vsel vm0, v9, v1  }
0x6b: {  	v15 =	vld [tilespmem:s20+$0x40];
	vm1 =	vne.s32 v11, v12;
	[tilespmem:s20+$0x2010] =	vst v3;
	v3 =	vsel vm0, v10, v1;
	vm0 =	vle.f32 v13, v2  }
0x6c: {  	v16 =	vld [tilespmem:s20+$0x840];
	[tilespmem:s20+$0x1800] =	vst v4;
	vm0 =	vmand vm1, vm0  }
0x6d: {  	v10 =	vld [tilespmem:s20+$0x1040];
	[tilespmem:s20+$0x2810] =	vst v3;
	v3 =	vsel vm0, $0x3F800000, v0  }
0x6e: {  	v5 =	vld [tilespmem:s20+$0x50];
	[tilespmem:s20+$0x1820] =	vst v3;
	v3 =	vsel vm0, v11, v1  }
0x6f: {  	v4 =	vld [tilespmem:s20+$0x850];
	vm1 =	vne.s32 v8, v14;
	[tilespmem:s20+$0x2020] =	vst v3;
	v3 =	vsel vm0, v12, v1;
	vm0 =	vle.f32 v6, v2  }
0x70: {  	v63 =	vld [tilespmem:s20+$0x1050];
	vm0 =	vmand vm1, vm0  }
0x71: {  	v7 =	vld [tilespmem:s20+$0x860];
	[tilespmem:s20+$0x2820] =	vst v3;
	vm1 =	vne.s32 v15, v16;
	v3 =	vsel vm0, $0x3F800000, v0  }
0x72: {  	v6 =	vld [tilespmem:s20+$0x60];
	[tilespmem:s20+$0x1830] =	vst v3;
	v3 =	vsel vm0, v8, v1;
	v8 =	vsel vm0, v14, v1;
	vm0 =	vle.f32 v10, v2  }
0x73: {  	s29 =	simm.s32 $0x80;
	v9 =	vld [tilespmem:s20+$0x1060];
	[tilespmem:s20+$0x2030] =	vst v3;
	vm1 =	vmand vm1, vm0  }
0x74: {  	vm0 =	vne.s32 v5, v4;
	v3 =	vld [tilespmem:s29+$0x70];
	[tilespmem:s20+$0x2830] =	vst v8;
	v11 =	vsel vm1, $0x3F800000, v0  }
0x75: {  	s5 =	simm.s32 $0x400;
	v10 =	vsel vm1, v15, v1;
	v8 =	vld [tilespmem:s29+$0x870];
	[tilespmem:s20+$0x1840] =	vst v11;
	v11 =	vsel vm1, v16, v1;
	vm1 =	vle.f32 v63, v2  }
.LBB2_3:
0x76: {  	p0 =	sne.s32 s5, $0x1E00;
	v12 =	vld [tilespmem:s29+$0x1070];
	[tilespmem:s20+$0x2040] =	vst v10;
	vm0 =	vmand vm0, vm1  }
0x77: {  	v10 =	vld [tilespmem:s29+$0x0];
	[tilespmem:s20+$0x2840] =	vst v11;
	v11 =	vsel vm0, $0x3F800000, v0;
	v5 =	vsel vm0, v5, v1;
	vm1 =	vne.s32 v6, v7  }
0x78: {  	v4 =	vsel vm0, v4, v1;
	v13 =	vld [tilespmem:s29+$0x800];
	[tilespmem:s20+$0x1850] =	vst v11;
	vm0 =	vle.f32 v9, v2  }
0x79: {  	v9 =	vld [tilespmem:s29+$0x1000];
	[tilespmem:s20+$0x2050] =	vst v5;
	vm0 =	vmand vm1, vm0  }
0x7a: {  	v5 =	vld [tilespmem:s29+$0x10];
	[tilespmem:s20+$0x2850] =	vst v4;
	v4 =	vsel vm0, $0x3F800000, v0;
	v6 =	vsel vm0, v6, v1;
	v7 =	vsel vm0, v7, v1  }
0x7b: {  	vm1 =	vne.s32 v3, v8;
	v11 =	vld [tilespmem:s29+$0x810];
	vm0 =	vle.f32 v12, v2;
	[tilespmem:s20+$0x1860] =	vst v4  }
0x7c: {  	v4 =	vld [tilespmem:s29+$0x1010];
	vm0 =	vmand vm1, vm0;
	[tilespmem:s20+$0x2060] =	vst v6  }
0x7d: {  	vm1 =	vne.s32 v10, v13;
	v6 =	vld [tilespmem:s29+$0x20];
	v12 =	vsel vm0, $0x3F800000, v0;
	v8 =	vsel vm0, v8, v1;
	[tilespmem:s20+$0x2860] =	vst v7;
	s20 =	smov.u32 s29  }
0x7e: {  	v3 =	vsel vm0, v3, v1;
	vm2 =	vle.f32 v9, v2;
	v7 =	vld [tilespmem:s20+$0x820];
	[tilespmem:s20+$0x2870] =	vst v8  }
0x7f: {  	vm0 =	vmand vm1, vm2;
	v8 =	vld [tilespmem:s20+$0x1020];
	[tilespmem:s20+$0x1870] =	vst v12  }
0x80: {  	v9 =	vsel vm0, $0x3F800000, v0;
	v10 =	vsel vm0, v10, v1;
	vm1 =	vne.s32 v5, v11;
	v12 =	vld [tilespmem:s20+$0x30];
	[tilespmem:s20+$0x2070] =	vst v3  }
0x81: {  	v3 =	vsel vm0, v13, v1;
	[tilespmem:s20+$0x1800] =	vst v9;
	vm0 =	vle.f32 v4, v2;
	v9 =	vld [tilespmem:s20+$0x830]  }
0x82: {  	[tilespmem:s20+$0x2000] =	vst v10;
	vm0 =	vmand vm1, vm0;
	v4 =	vld [tilespmem:s20+$0x1030]  }
0x83: {  	[tilespmem:s20+$0x2800] =	vst v3;
	v3 =	vsel vm0, $0x3F800000, v0;
	v5 =	vsel vm0, v5, v1;
	vm1 =	vne.s32 v6, v7;
	v10 =	vld [tilespmem:s20+$0x40]  }
0x84: {  	[tilespmem:s20+$0x1810] =	vst v3;
	v3 =	vsel vm0, v11, v1;
	vm0 =	vle.f32 v8, v2;
	v11 =	vld [tilespmem:s20+$0x840]  }
0x85: {  	[tilespmem:s20+$0x2010] =	vst v5;
	vm0 =	vmand vm1, vm0;
	v8 =	vld [tilespmem:s20+$0x1040]  }
0x86: {  	[tilespmem:s20+$0x2810] =	vst v3;
	v3 =	vsel vm0, $0x3F800000, v0;
	v6 =	vsel vm0, v6, v1;
	vm1 =	vne.s32 v12, v9;
	v5 =	vld [tilespmem:s20+$0x50]  }
0x87: {  	[tilespmem:s20+$0x1820] =	vst v3;
	v3 =	vsel vm0, v7, v1;
	vm0 =	vle.f32 v4, v2;
	v4 =	vld [tilespmem:s20+$0x850]  }
0x88: {  	[tilespmem:s20+$0x2020] =	vst v6;
	vm0 =	vmand vm1, vm0;
	v13 =	vld [tilespmem:s20+$0x1050]  }
.Ltmp0:
0x89: {  	[tilespmem:s20+$0x2820] =	vst v3;
	v3 =	vsel vm0, $0x3F800000, v0;
	v12 =	vsel vm0, v12, v1;
	vm1 =	vne.s32 v10, v11;
	v6 =	vld [tilespmem:s20+$0x60];
	(pc) =	sbr.rel @p0 .LBB2_3-.Ltmp0, $4  }
0x8a: {  	v14 =	vsel vm0, v9, v1;
	[tilespmem:s20+$0x1830] =	vst v3;
	vm0 =	vle.f32 v8, v2;
	v7 =	vld [tilespmem:s20+$0x860]  }
0x8b: {  	s29 =	sshra.s32 s5, $0x2;
	[tilespmem:s20+$0x2030] =	vst v12;
	vm1 =	vmand vm1, vm0;
	v9 =	vld [tilespmem:s20+$0x1060]  }
0x8c: {  	v3 =	vld [tilespmem:s29+$0x70];
	[tilespmem:s20+$0x2830] =	vst v14;
	v12 =	vsel vm1, $0x3F800000, v0;
	v10 =	vsel vm1, v10, v1;
	vm0 =	vne.s32 v5, v4  }
0x8d: {  	s5 =	sadd.s32 $0x200, s5;
	v11 =	vsel vm1, v11, v1;
	v8 =	vld [tilespmem:s29+$0x870];
	[tilespmem:s20+$0x1840] =	vst v12;
	vm1 =	vle.f32 v13, v2  }
0x8e: {  	v12 =	vld [tilespmem:s29+$0x1070];
	[tilespmem:s20+$0x2040] =	vst v10;
	vm0 =	vmand vm0, vm1  }
0x8f: {  	v10 =	vld [tilespmem:s29+$0x0];
	[tilespmem:s20+$0x2840] =	vst v11;
	v37 =	vsel vm0, $0x3F800000, v0  }
0x90: {  	v5 =	vsel vm0, v5, v1;
	vm7 =	vne.s32 v6, v7;
	v13 =	vld [tilespmem:s29+$0x800];
	[tilespmem:s20+$0x1850] =	vst v37;
	vm8 =	vle.f32 v9, v2  }
0x91: {  	v4 =	vsel vm0, v4, v1;
	v11 =	vld [tilespmem:s29+$0x1000];
	[tilespmem:s20+$0x2050] =	vst v5;
	vm0 =	vmand vm7, vm8  }
0x92: {  	v5 =	vld [tilespmem:s29+$0x10];
	[tilespmem:s20+$0x2850] =	vst v4;
	v38 =	vsel vm0, $0x3F800000, v0  }
0x93: {  	v40 =	vsel vm0, v6, v1;
	v39 =	vld [tilespmem:s29+$0x810];
	[tilespmem:s20+$0x1860] =	vst v38  }
0x94: {  	v42 =	vsel vm0, v7, v1;
	v41 =	vld [tilespmem:s29+$0x1010];
	[tilespmem:s20+$0x2060] =	vst v40  }
0x95: {  	v43 =	vld [tilespmem:s29+$0x20];
	[tilespmem:s20+$0x2860] =	vst v42  }
0x96: {  	v45 =	vld [tilespmem:s29+$0x820]  }
0x97: {  	v47 =	vld [tilespmem:s29+$0x1020]  }
0x98: {  	v52 =	vld [tilespmem:s29+$0x40]  }
0x99: {  	vm10 =	vne.s32 v3, v8;
	vm9 =	vle.f32 v12, v2;
	v53 =	vld [tilespmem:s29+$0x840]  }
0x9a: {  	vm0 =	vmand vm10, vm9;
	v54 =	vld [tilespmem:s29+$0x1040]  }
0x9b: {  	v44 =	vsel vm0, v8, v1;
	v55 =	vld [tilespmem:s29+$0x50]  }
0x9c: {  	v46 =	vsel vm0, $0x3F800000, v0;
	vm11 =	vne.s32 v10, v13;
	[tilespmem:s29+$0x2870] =	vst v44;
	vm2 =	vle.f32 v11, v2;
	v56 =	vld [tilespmem:s29+$0x850]  }
0x9d: {  	v3 =	vsel vm0, v3, v1;
	[tilespmem:s29+$0x1870] =	vst v46;
	v57 =	vld [tilespmem:s29+$0x1050];
	vm12 =	vmand vm11, vm2  }
0x9e: {  	[tilespmem:s29+$0x2070] =	vst v3;
	v58 =	vld [tilespmem:s29+$0x60];
	v3 =	vsel vm12, v10, v1;
	vm13 =	vne.s32 v5, v39;
	vm14 =	vle.f32 v41, v2  }
0x9f: {  	v59 =	vld [tilespmem:s29+$0x860];
	[tilespmem:s29+$0x2000] =	vst v3;
	v3 =	vsel vm12, v13, v1;
	vm0 =	vmand vm13, vm14  }
0xa0: {  	v60 =	vld [tilespmem:s29+$0x1060];
	v49 =	vsel vm12, $0x3F800000, v0;
	[tilespmem:s29+$0x2800] =	vst v3;
	v3 =	vsel vm0, $0x3F800000, v0  }
0xa1: {  	v48 =	vld [tilespmem:s29+$0x30];
	[tilespmem:s29+$0x1800] =	vst v49;
	vm15 =	vne.s32 v43, v45;
	vm4 =	vle.f32 v47, v2;
	vm7 =	vne.s32 v52, v53  }
0xa2: {  	v50 =	vld [tilespmem:s29+$0x830];
	vm8 =	vle.f32 v54, v2;
	vm10 =	vne.s32 v55, v56;
	[tilespmem:s29+$0x1810] =	vst v3;
	v3 =	vsel vm0, v5, v1  }
0xa3: {  	v51 =	vld [tilespmem:s29+$0x1030];
	vm11 =	vle.f32 v57, v2;
	vm9 =	vmand vm7, vm8;
	[tilespmem:s29+$0x2010] =	vst v3;
	v3 =	vsel vm0, v39, v1  }
0xa4: {  	vm13 =	vne.s32 v58, v59;
	vm12 =	vmand vm10, vm11;
	v61 =	vsel vm9, v52, v1;
	[tilespmem:s29+$0x2810] =	vst v3  }
0xa5: {  	vm14 =	vle.f32 v60, v2;
	vm0 =	vmand vm15, vm4;
	v62 =	vsel vm12, v55, v1;
	[tilespmem:s29+$0x2040] =	vst v61  }
0xa6: {  	vm15 =	vmand vm13, vm14;
	v3 =	vsel vm0, $0x3F800000, v0;
	[tilespmem:s29+$0x2050] =	vst v62  }
0xa7: {  	v63 =	vsel vm15, v58, v1;
	[tilespmem:s29+$0x1820] =	vst v3  }
0xa8: {  	vm5 =	vne.s32 v48, v50;
	vm6 =	vle.f32 v51, v2;
	v3 =	vsel vm0, v43, v1;
	[tilespmem:s29+$0x2060] =	vst v63  }
0xa9: {  	[tilespmem:s29+$0x2020] =	vst v3;
	v3 =	vsel vm0, v45, v1;
	vm0 =	vmand vm5, vm6  }
0xaa: {  	[tilespmem:s29+$0x2820] =	vst v3;
	v3 =	vsel vm0, $0x3F800000, v0  }
0xab: {  	[tilespmem:s29+$0x1830] =	vst v3;
	v3 =	vsel vm0, v48, v1  }
0xac: {  	[tilespmem:s29+$0x2030] =	vst v3;
	v3 =	vsel vm0, v50, v1  }
0xad: {  	[tilespmem:s29+$0x2830] =	vst v3;
	v3 =	vsel vm9, $0x3F800000, v0  }
0xae: {  	[tilespmem:s29+$0x1840] =	vst v3;
	v3 =	vsel vm9, v53, v1  }
0xaf: {  	[tilespmem:s29+$0x2840] =	vst v3;
	v3 =	vsel vm12, $0x3F800000, v0  }
0xb0: {  	[tilespmem:s29+$0x1850] =	vst v3;
	v3 =	vsel vm12, v56, v1  }
0xb1: {  	[tilespmem:s29+$0x2850] =	vst v3;
	v3 =	vsel vm15, $0x3F800000, v0  }
0xb2: {  	[tilespmem:s29+$0x1860] =	vst v3;
	v3 =	vsel vm15, v59, v1  }
0xb3: {  	s5 =	sadd.s32 s8, s18;
	[tilespmem:s29+$0x2860] =	vst v3;
	s29 =	simm.s32 $0x2000  }
0xb4: {  	[hbm4b:s5+s4] =	stream.linear.scatter [tilespmem:s29], [sflag:$0x2], $0x800, $0x38;
	[tilespmem:$0x3580] =	vst v63  }
0xb5: {  	_ =	swait.ge [sflag:s15], $0x800  }
0xb6: {  	[sflag:s15] =	ssyncset.done $0x0  }
0xb7: {  	s20 =	sadd.s32 s9, s18;
	s29 =	simm.s32 $0x2800;
	[sflag:s15] =	ssyncadd.s32 $0xFFFFF800  }
0xb8: {  	[hbm4b:s20+s4] =	stream.linear.scatter [tilespmem:s29], [sflag:$0x2], $0x800, $0x38;
	[tilespmem:$0x3580] =	vst v63  }
0xb9: {  	_ =	swait.ge [sflag:s15], $0x800  }
0xba: {  	[sflag:s15] =	ssyncset.done $0x0  }
0xbb: {  	[sflag:s15] =	ssyncadd.s32 $0xFFFFF800  }
0xbc: {  	[spmem:s3] =	stream.indirect.scatter.add.f32 [tilespmem:s22], [sflag:$0x1], $0x1, s4, s21, $0xb8;
	[tilespmem:$0x3580] =	vst v63  }
0xbd: {  	_ = 	snop  }
0xbe: {  	[spmem:s3] =	stream.indirect.scatter.add.f32 [tilespmem:s22], [sflag:$0x1], $0x1, s17, s21, $0xb8;
	[tilespmem:$0x3580] =	vst v63  }
0xbf: {  	_ = 	snop  }
0xc0: {  	[spmem:s3] =	stream.indirect.scatter.add.f32 [tilespmem:s23], [sflag:$0x1], $0x1, s21, s21, $0xb8;
	[tilespmem:$0x3580] =	vst v63  }
0xc1: {  	s20 =	simm.s32 $0x880  }
0xc2: {  	[spmem:s3] =	stream.indirect.scatter.add.f32 [tilespmem:s23], [sflag:$0x1], $0x1, s20, s21, $0xb8;
	[tilespmem:$0x3580] =	vst v63  }
0xc3: {  	s29 =	simm.s32 $0x100  }
0xc4: {  	[spmem:s3] =	stream.indirect.scatter.add.f32 [tilespmem:s26], [sflag:$0x1], $0x1, s29, s21, $0xb8;
	[tilespmem:$0x3580] =	vst v63  }
0xc5: {  	s18 =	simm.s32 $0x900  }
0xc6: {  	[spmem:s3] =	stream.indirect.scatter.add.f32 [tilespmem:s26], [sflag:$0x1], $0x1, s18, s21, $0xb8;
	[tilespmem:$0x3580] =	vst v63  }
0xc7: {  	s20 =	simm.s32 $0x180  }
0xc8: {  	[spmem:s3] =	stream.indirect.scatter.add.f32 [tilespmem:s30], [sflag:$0x1], $0x1, s20, s21, $0xb8;
	[tilespmem:$0x3580] =	vst v63  }
0xc9: {  	s29 =	simm.s32 $0x980  }
0xca: {  	[spmem:s3] =	stream.indirect.scatter.add.f32 [tilespmem:s30], [sflag:$0x1], $0x1, s29, s21, $0xb8;
	[tilespmem:$0x3580] =	vst v63  }
0xcb: {  	s18 =	simm.s32 $0x200  }
0xcc: {  	[spmem:s3] =	stream.indirect.scatter.add.f32 [tilespmem:s14], [sflag:$0x1], $0x1, s18, s21, $0xb8;
	[tilespmem:$0x3580] =	vst v63  }
0xcd: {  	s20 =	simm.s32 $0xA00  }
0xce: {  	[spmem:s3] =	stream.indirect.scatter.add.f32 [tilespmem:s14], [sflag:$0x1], $0x1, s20, s21, $0xb8;
	[tilespmem:$0x3580] =	vst v63  }
0xcf: {  	s29 =	simm.s32 $0x280  }
0xd0: {  	[spmem:s3] =	stream.indirect.scatter.add.f32 [tilespmem:s7], [sflag:$0x1], $0x1, s29, s21, $0xb8;
	[tilespmem:$0x3580] =	vst v63  }
0xd1: {  	s18 =	simm.s32 $0xA80  }
0xd2: {  	[spmem:s3] =	stream.indirect.scatter.add.f32 [tilespmem:s7], [sflag:$0x1], $0x1, s18, s21, $0xb8;
	[tilespmem:$0x3580] =	vst v63  }
0xd3: {  	s20 =	simm.s32 $0x300  }
0xd4: {  	[spmem:s3] =	stream.indirect.scatter.add.f32 [tilespmem:s10], [sflag:$0x1], $0x1, s20, s21, $0xb8;
	[tilespmem:$0x3580] =	vst v63  }
0xd5: {  	s29 =	simm.s32 $0xB00  }
0xd6: {  	[spmem:s3] =	stream.indirect.scatter.add.f32 [tilespmem:s10], [sflag:$0x1], $0x1, s29, s21, $0xb8;
	[tilespmem:$0x3580] =	vst v63  }
0xd7: {  	s18 =	simm.s32 $0x380  }
0xd8: {  	[spmem:s3] =	stream.indirect.scatter.add.f32 [tilespmem:s19], [sflag:$0x1], $0x1, s18, s21, $0xb8;
	[tilespmem:$0x3580] =	vst v63  }
0xd9: {  	s20 =	simm.s32 $0xB80  }
0xda: {  	[spmem:s3] =	stream.indirect.scatter.add.f32 [tilespmem:s19], [sflag:$0x1], $0x1, s20, s21, $0xb8;
	[tilespmem:$0x3580] =	vst v63  }
0xdb: {  	s29 =	simm.s32 $0x400  }
0xdc: {  	[spmem:s3] =	stream.indirect.scatter.add.f32 [tilespmem:s25], [sflag:$0x1], $0x1, s29, s21, $0xb8;
	[tilespmem:$0x3580] =	vst v63  }
0xdd: {  	s18 =	simm.s32 $0xC00  }
0xde: {  	[spmem:s3] =	stream.indirect.scatter.add.f32 [tilespmem:s25], [sflag:$0x1], $0x1, s18, s21, $0xb8;
	[tilespmem:$0x3580] =	vst v63  }
0xdf: {  	s20 =	simm.s32 $0x480  }
0xe0: {  	[spmem:s3] =	stream.indirect.scatter.add.f32 [tilespmem:s31], [sflag:$0x1], $0x1, s20, s21, $0xb8;
	[tilespmem:$0x3580] =	vst v63  }
0xe1: {  	s29 =	simm.s32 $0xC80  }
0xe2: {  	[spmem:s3] =	stream.indirect.scatter.add.f32 [tilespmem:s31], [sflag:$0x1], $0x1, s29, s21, $0xb8;
	[tilespmem:$0x3580] =	vst v63  }
0xe3: {  	s18 =	simm.s32 $0x500  }
0xe4: {  	[spmem:s3] =	stream.indirect.scatter.add.f32 [tilespmem:s1], [sflag:$0x1], $0x1, s18, s21, $0xb8;
	[tilespmem:$0x3580] =	vst v63  }
0xe5: {  	s20 =	simm.s32 $0xD00  }
0xe6: {  	[spmem:s3] =	stream.indirect.scatter.add.f32 [tilespmem:s1], [sflag:$0x1], $0x1, s20, s21, $0xb8;
	[tilespmem:$0x3580] =	vst v63  }
0xe7: {  	s29 =	simm.s32 $0x580  }
0xe8: {  	[spmem:s3] =	stream.indirect.scatter.add.f32 [tilespmem:s2], [sflag:$0x1], $0x1, s29, s21, $0xb8;
	[tilespmem:$0x3580] =	vst v63  }
0xe9: {  	s18 =	simm.s32 $0xD80  }
0xea: {  	[spmem:s3] =	stream.indirect.scatter.add.f32 [tilespmem:s2], [sflag:$0x1], $0x1, s18, s21, $0xb8;
	[tilespmem:$0x3580] =	vst v63  }
0xeb: {  	s20 =	simm.s32 $0x600  }
0xec: {  	[spmem:s3] =	stream.indirect.scatter.add.f32 [tilespmem:s24], [sflag:$0x1], $0x1, s20, s21, $0xb8;
	[tilespmem:$0x3580] =	vst v63  }
0xed: {  	s29 =	simm.s32 $0xE00  }
0xee: {  	[spmem:s3] =	stream.indirect.scatter.add.f32 [tilespmem:s24], [sflag:$0x1], $0x1, s29, s21, $0xb8;
	[tilespmem:$0x3580] =	vst v63  }
0xef: {  	s18 =	simm.s32 $0x680  }
0xf0: {  	[spmem:s3] =	stream.indirect.scatter.add.f32 [tilespmem:s0], [sflag:$0x1], $0x1, s18, s21, $0xb8;
	[tilespmem:$0x3580] =	vst v63  }
0xf1: {  	s20 =	simm.s32 $0xE80  }
0xf2: {  	[spmem:s3] =	stream.indirect.scatter.add.f32 [tilespmem:s0], [sflag:$0x1], $0x1, s20, s21, $0xb8;
	[tilespmem:$0x3580] =	vst v63  }
0xf3: {  	s29 =	simm.s32 $0x700  }
0xf4: {  	[spmem:s3] =	stream.indirect.scatter.add.f32 [tilespmem:s13], [sflag:$0x1], $0x1, s29, s21, $0xb8;
	[tilespmem:$0x3580] =	vst v63  }
0xf5: {  	s18 =	simm.s32 $0xF00  }
0xf6: {  	[spmem:s3] =	stream.indirect.scatter.add.f32 [tilespmem:s13], [sflag:$0x1], $0x1, s18, s21, $0xb8;
	[tilespmem:$0x3580] =	vst v63  }
0xf7: {  	s20 =	simm.s32 $0x780  }
0xf8: {  	[spmem:s3] =	stream.indirect.scatter.add.f32 [tilespmem:s28], [sflag:$0x1], $0x1, s20, s21, $0xb8;
	[tilespmem:$0x3580] =	vst v63  }
0xf9: {  	s29 =	simm.s32 $0xF80  }
0xfa: {  	[spmem:s3] =	stream.indirect.scatter.add.f32 [tilespmem:s28], [sflag:$0x1], $0x1, s29, s21, $0xb8;
	[tilespmem:$0x3580] =	vst v63  }
0xfb: {  	_ =	swait.ge [sflag:s16], $0x80  }
0xfc: {  	[sflag:s16] =	ssyncset.done $0x0  }
0xfd: {  	[sflag:s16] =	ssyncadd.s32 $0xFFFFFF80  }
0xfe: {  	_ =	swait.ge [sflag:s16], $0x80  }
0xff: {  	[sflag:s16] =	ssyncset.done $0x0  }
0x100: {  	[sflag:s16] =	ssyncadd.s32 $0xFFFFFF80  }
0x101: {  	_ =	swait.ge [sflag:s16], $0x80  }
0x102: {  	[sflag:s16] =	ssyncset.done $0x0  }
0x103: {  	[sflag:s16] =	ssyncadd.s32 $0xFFFFFF80  }
0x104: {  	_ =	swait.ge [sflag:s16], $0x80  }
0x105: {  	[sflag:s16] =	ssyncset.done $0x0  }
0x106: {  	[sflag:s16] =	ssyncadd.s32 $0xFFFFFF80  }
0x107: {  	_ =	swait.ge [sflag:s16], $0x80  }
0x108: {  	[sflag:s16] =	ssyncset.done $0x0  }
0x109: {  	[sflag:s16] =	ssyncadd.s32 $0xFFFFFF80  }
0x10a: {  	_ =	swait.ge [sflag:s16], $0x80  }
0x10b: {  	[sflag:s16] =	ssyncset.done $0x0  }
0x10c: {  	[sflag:s16] =	ssyncadd.s32 $0xFFFFFF80  }
0x10d: {  	_ =	swait.ge [sflag:s16], $0x80  }
0x10e: {  	[sflag:s16] =	ssyncset.done $0x0  }
0x10f: {  	[sflag:s16] =	ssyncadd.s32 $0xFFFFFF80  }
0x110: {  	_ =	swait.ge [sflag:s16], $0x80  }
0x111: {  	[sflag:s16] =	ssyncset.done $0x0  }
0x112: {  	[sflag:s16] =	ssyncadd.s32 $0xFFFFFF80  }
0x113: {  	_ =	swait.ge [sflag:s16], $0x80  }
0x114: {  	[sflag:s16] =	ssyncset.done $0x0  }
0x115: {  	[sflag:s16] =	ssyncadd.s32 $0xFFFFFF80  }
0x116: {  	_ =	swait.ge [sflag:s16], $0x80  }
0x117: {  	[sflag:s16] =	ssyncset.done $0x0  }
0x118: {  	[sflag:s16] =	ssyncadd.s32 $0xFFFFFF80  }
0x119: {  	_ =	swait.ge [sflag:s16], $0x80  }
0x11a: {  	[sflag:s16] =	ssyncset.done $0x0  }
0x11b: {  	[sflag:s16] =	ssyncadd.s32 $0xFFFFFF80  }
0x11c: {  	_ =	swait.ge [sflag:s16], $0x80  }
0x11d: {  	[sflag:s16] =	ssyncset.done $0x0  }
0x11e: {  	[sflag:s16] =	ssyncadd.s32 $0xFFFFFF80  }
0x11f: {  	_ =	swait.ge [sflag:s16], $0x80  }
0x120: {  	[sflag:s16] =	ssyncset.done $0x0  }
0x121: {  	[sflag:s16] =	ssyncadd.s32 $0xFFFFFF80  }
0x122: {  	_ =	swait.ge [sflag:s16], $0x80  }
0x123: {  	[sflag:s16] =	ssyncset.done $0x0  }
0x124: {  	[sflag:s16] =	ssyncadd.s32 $0xFFFFFF80  }
0x125: {  	_ =	swait.ge [sflag:s16], $0x80  }
0x126: {  	[sflag:s16] =	ssyncset.done $0x0  }
0x127: {  	[sflag:s16] =	ssyncadd.s32 $0xFFFFFF80  }
0x128: {  	_ =	swait.ge [sflag:s16], $0x80  }
0x129: {  	[sflag:s16] =	ssyncset.done $0x0  }
0x12a: {  	[sflag:s16] =	ssyncadd.s32 $0xFFFFFF80  }
0x12b: {  	_ =	swait.ge [sflag:s16], $0x80  }
0x12c: {  	[sflag:s16] =	ssyncset.done $0x0  }
0x12d: {  	[sflag:s16] =	ssyncadd.s32 $0xFFFFFF80  }
0x12e: {  	_ =	swait.ge [sflag:s16], $0x80  }
0x12f: {  	[sflag:s16] =	ssyncset.done $0x0  }
0x130: {  	[sflag:s16] =	ssyncadd.s32 $0xFFFFFF80  }
0x131: {  	_ =	swait.ge [sflag:s16], $0x80  }
0x132: {  	[sflag:s16] =	ssyncset.done $0x0  }
0x133: {  	[sflag:s16] =	ssyncadd.s32 $0xFFFFFF80  }
0x134: {  	_ =	swait.ge [sflag:s16], $0x80  }
0x135: {  	[sflag:s16] =	ssyncset.done $0x0  }
0x136: {  	[sflag:s16] =	ssyncadd.s32 $0xFFFFFF80  }
0x137: {  	_ =	swait.ge [sflag:s16], $0x80  }
0x138: {  	[sflag:s16] =	ssyncset.done $0x0  }
0x139: {  	[sflag:s16] =	ssyncadd.s32 $0xFFFFFF80  }
0x13a: {  	_ =	swait.ge [sflag:s16], $0x80  }
0x13b: {  	[sflag:s16] =	ssyncset.done $0x0  }
0x13c: {  	[sflag:s16] =	ssyncadd.s32 $0xFFFFFF80  }
0x13d: {  	_ =	swait.ge [sflag:s16], $0x80  }
0x13e: {  	[sflag:s16] =	ssyncset.done $0x0  }
0x13f: {  	[sflag:s16] =	ssyncadd.s32 $0xFFFFFF80  }
0x140: {  	_ =	swait.ge [sflag:s16], $0x80  }
0x141: {  	[sflag:s16] =	ssyncset.done $0x0  }
0x142: {  	[sflag:s16] =	ssyncadd.s32 $0xFFFFFF80  }
0x143: {  	_ =	swait.ge [sflag:s16], $0x80  }
0x144: {  	[sflag:s16] =	ssyncset.done $0x0  }
0x145: {  	[sflag:s16] =	ssyncadd.s32 $0xFFFFFF80  }
0x146: {  	_ =	swait.ge [sflag:s16], $0x80  }
0x147: {  	[sflag:s16] =	ssyncset.done $0x0  }
0x148: {  	[sflag:s16] =	ssyncadd.s32 $0xFFFFFF80  }
0x149: {  	_ =	swait.ge [sflag:s16], $0x80  }
0x14a: {  	[sflag:s16] =	ssyncset.done $0x0  }
0x14b: {  	[sflag:s16] =	ssyncadd.s32 $0xFFFFFF80  }
0x14c: {  	_ =	swait.ge [sflag:s16], $0x80  }
0x14d: {  	[sflag:s16] =	ssyncset.done $0x0  }
0x14e: {  	[sflag:s16] =	ssyncadd.s32 $0xFFFFFF80  }
0x14f: {  	_ =	swait.ge [sflag:s16], $0x80  }
0x150: {  	[sflag:s16] =	ssyncset.done $0x0  }
0x151: {  	[sflag:s16] =	ssyncadd.s32 $0xFFFFFF80  }
0x152: {  	_ =	swait.ge [sflag:s16], $0x80  }
0x153: {  	[sflag:s16] =	ssyncset.done $0x0  }
0x154: {  	s12 =	sadd.s32 $0x1, s12;
	[sflag:s16] =	ssyncadd.s32 $0xFFFFFF80  }
0x155: {  	p0 =	sne.s32 s12, $0x5;
	_ =	swait.ge [sflag:s16], $0x80  }
.Ltmp1:
0x156: {  	[sflag:s16] =	ssyncset.done $0x0;
	(pc) =	sbr.rel @p0 .LBB2_2-.Ltmp1, $4  }
0x157: {  	[sflag:s16] =	ssyncadd.s32 $0xFFFFFF80  }
0x158: {  	_ =	swait.ge [sflag:s16], $0x80  }
0x159: {  	[sflag:s16] =	ssyncset.done $0x0  }
0x15a: {  	[sflag:s16] =	ssyncadd.s32 $0xFFFFFF80  }
0x15b: {  	s5 =	stileid.u32  }
0x15c: {  	[bflag:$0x0] =	sbarrier.arrive $0xFFFF;
	s17 =	smov.u32 s11;
	s11 =	smov.u32 s9  }
0x15d: {  	s9 =	smov.u32 s8;
	s8 =	smov.u32 s6;
	s29 =	simm.s32 $0x20  }
0x15e: {  	s18 =	simm.s32 $0x10;
	s5 =	sshll.u32 s5, $0x6;
	s6 =	rddreg [dreg:$0x6]  }
0x15f: {  	s20 =	rddreg [dreg:$0x7];
	s5 =	sor.u32 $0x1C02, s5;
	s12 =	sshrl.u32 s6, $0x3  }
0x160: {  	[hbm:s20@s29], [sflag:s5] =	dma.strided [spmem:s12@s18], $0x50, s16, $0x10   }
0x161: {  	_ =	swait.ge [sflag:s15], $0x50  }
0x162: {  	s20 =	rddreg [dreg:$0x9]  }
0x163: {  	s29 =	rddreg [dreg:$0x8];
	s12 =	sadd.s32 $0x1, s20  }
0x164: {  	p0 =	sne.s32 s12, s29  }
.Ltmp2:
0x165: {  	_ = 	snop;
	(pc) =	sbr.rel @p0 .LBB2_1-.Ltmp2, $4  }
0x166: {  	_ = 	snop  }
0x167: {  	s18 =	smov.u32 s6;
	s6 =	smov.u32 s8  }
0x168: {  	s8 =	smov.u32 s9;
	s9 =	smov.u32 s11;
	[sflag:s15] =	ssyncset.done $0x0  }
0x169: {  	s11 =	smov.u32 s17;
	s17 =	simm.s32 $0x800;
	[sflag:s15] =	ssyncadd.s32 $0xFFFFFFB0  }
0x16a: {  	_ =	sfence.sel $0x180000  }
0x16b: {  	[bflag:$0x0] =	sbarrier.arrive $0xFFFF  }
0x16c: {  	_ =	strace $0x90000047  }
0x16d: {  	s0 =	stileid.u32;
	[bflag:$0x2] =	sbarrier.arrive $0xFFFF  }
0x16e: {  	p0 =	sne.s32 s0, $0x0;
	s0 =	rddreg [dreg:$0x3]  }
0x16f: {  	s0 =	sadd.s32 @!p0 $0x100000, s0  }
0x170: {  	[sflag:s0] =	ssyncadd.tile.s32 @!p0 $0x1;
	_ =	shalt  }
.Lfunc_end2:
_tile_overlayer_lowered:
.L_overlay_start_2:
0x171: {  	(tag) =	ssettag $0x2  }
0x172: {  	s0 =	rddreg [dreg:$0x0];
	s2 =	stileid.u32  }
0x173: {  	s1 =	rddreg [dreg:$0x1];
	p0 =	sne.s32 s2, $0x0  }
0x174: {  	s3 =	rddreg [dreg:$0x2];
	[bflag:$0x3] =	sbarrier.arrive $0xFFFF;
	s2 =	simm.s32 @!p0 $0x1C02  }
0x175: {  	[timem:s3], [sflag:s2] =	dma.local @!p0 [hbm:s0], s1  }
0x176: {  	s0 =	simm.s32 @!p0 $0x2  }
0x177: {  	_ =	swait.ge @!p0 [sflag:s0], s1  }
0x178: {  	s1 =	ssub.s32 @!p0 $0x0, s1;
	[sflag:s0] =	ssyncset.done @!p0 $0x0  }
0x179: {  	[sflag:s0] =	ssyncadd.s32 @!p0 s1  }
0x17a: {  	[bflag:$0x3] =	sbarrier.arrive $0xFFFF  }
0x17b: {  	_ =	shalt  }

</sc_bundles>
